<compile_context>
chip_gen: v7x
topology: tpu7x:2x2x1
jax: 0.10.2.dev20260603
libtpu: 0.0.44.dev20260713+nightly
codegen_flags: <defaults>
</compile_context>

<pallas_src>
import functools

import jax
import jax.numpy as jnp
from jax import lax
from jax.experimental import pallas as pl
from jax.experimental.pallas import tpu as pltpu
from jax.experimental.pallas import tpu_sc as plsc

_B = 192
_LANES = 16


def _proj_body(H, x_ref, wk_ref, wall_ref, as_ref, ad_ref, ht_ref, att_ref):
    xb = x_ref[...]
    wb = wk_ref[0]
    h = lax.dot_general(xb, wb, (((1,), (1,)), ((), ())),
                        preferred_element_type=jnp.float32)
    ht_ref[...] = h[None]

    rows = []
    for kp in range(H):
        ws = wall_ref[kp]
        rows.append(lax.dot_general(as_ref[kp:kp + 1], ws,
                                    (((1,), (0,)), ((), ())),
                                    preferred_element_type=jnp.float32))
        rows.append(lax.dot_general(ad_ref[kp:kp + 1], ws,
                                    (((1,), (0,)), ((), ())),
                                    preferred_element_type=jnp.float32))
    rows.append(jnp.zeros((16 - 2 * H, wall_ref.shape[2]), jnp.float32))
    acat = jnp.concatenate(rows, axis=0)
    att_ref[...] = lax.dot_general(acat, xb, (((1,), (1,)), ((), ())),
                                   preferred_element_type=jnp.float32)


def _project(x, W3, a_src, a_dst, bn):
    Np, IN = x.shape
    H, C, _ = W3.shape
    nb = Np // bn
    return pl.pallas_call(
        functools.partial(_proj_body, H),
        grid=(H, nb),
        in_specs=[
            pl.BlockSpec((bn, IN), lambda k, i: (i, 0)),
            pl.BlockSpec((1, C, IN), lambda k, i: (k, 0, 0)),
            pl.BlockSpec((H, C, IN), lambda k, i: (0, 0, 0)),
            pl.BlockSpec((H, C), lambda k, i: (0, 0)),
            pl.BlockSpec((H, C), lambda k, i: (0, 0)),
        ],
        out_specs=[
            pl.BlockSpec((1, bn, C), lambda k, i: (k, i, 0)),
            pl.BlockSpec((16, bn), lambda k, i: (0, i)),
        ],
        out_shape=[
            jax.ShapeDtypeStruct((H, Np, C), jnp.float32),
            jax.ShapeDtypeStruct((16, Np), jnp.float32),
        ],
    )(x, W3, W3, a_src, a_dst)


def _mesh():
    return plsc.VectorSubcoreMesh(core_axis_name="c", subcore_axis_name="s",
                                  num_cores=2, num_subcores=16)


def _num_body(E_tot, Eps, Np, H,
              ht_ref, att_ref, srcp_ref, dstp_ref, z128_ref,
              num_ref, exh_ref,
              accN, asrc_v, adst_v, srcc, dstc, gidx, exc, rowsb, sem):
    c = lax.axis_index("c")
    s = lax.axis_index("s")
    rows_per = Np // 16
    nchunks = Eps // _B
    heads_per_core = H // 2

    for kk in range(heads_per_core):
        k = heads_per_core * c + kk

        pltpu.sync_copy(att_ref.at[pl.ds((2 * k) * Np, Np)], asrc_v)
        pltpu.sync_copy(att_ref.at[pl.ds((2 * k + 1) * Np, Np)], adst_v)

        pltpu.sync_copy(z128_ref.at[pl.ds(s * rows_per, rows_per)],
                        accN.at[pl.ds(s * rows_per, rows_per)])
        plsc.subcore_barrier()

        def _chunk(ci, carry):
            base = s * Eps + ci * _B
            pltpu.sync_copy(srcp_ref.at[pl.ds(base, _B)], srcc)
            pltpu.sync_copy(dstp_ref.at[pl.ds(base, _B)], dstc)

            def _vec(vi, carry2):
                off = vi * _LANES
                lanes = off + lax.iota(jnp.int32, _LANES)
                sv = srcc[pl.ds(off, _LANES)]
                dv = dstc[pl.ds(off, _LANES)]
                geid = base + lanes
                valid = geid < E_tot
                av = plsc.load_gather(asrc_v, [sv])
                bv = plsc.load_gather(adst_v, [dv])
                e = av + bv
                e = jnp.where(e >= 0, e, 0.2 * e)
                ex = jnp.where(valid, jnp.exp(e), 0.0)
                exc[pl.ds(off, _LANES)] = ex
                gidx[pl.ds(off, _LANES)] = sv + k * Np
                return carry2
            lax.fori_loop(0, _B // _LANES, _vec, 0)

            pltpu.sync_copy(exc, exh_ref.at[pl.ds(k * (16 * Eps) + base, _B)])

            pltpu.async_copy(ht_ref.at[gidx], rowsb, sem).wait()

            def _mul(e, carry2):
                ex16 = plsc.load_gather(exc, [jnp.full((_LANES,), e)])
                for j in range(128 // _LANES):
                    sl = pl.ds(j * _LANES, _LANES)
                    rowsb[e, sl] = rowsb[e, sl] * ex16
                return carry2
            lax.fori_loop(0, _B, _mul, 0)

            pltpu.sync_copy(rowsb, accN.at[dstc], add=True)
            return carry
        lax.fori_loop(0, nchunks, _chunk, 0)
        plsc.subcore_barrier()

        pltpu.sync_copy(accN.at[pl.ds(s * rows_per, rows_per)],
                        num_ref.at[k, pl.ds(s * rows_per, rows_per)])
        plsc.subcore_barrier()


def _den_body(Eps, Np, H,
              exh_ref, dstp_ref, z128_ref,
              den_ref,
              accD, dstc, exc, exw, sem):
    c = lax.axis_index("c")
    s = lax.axis_index("s")
    rows_per = Np // 16
    nchunks = Eps // _B
    heads_per_core = H // 2

    def _zero_exw(e, carry):
        for j in range(128 // _LANES):
            exw[e, pl.ds(j * _LANES, _LANES)] = jnp.zeros((_LANES,),
                                                          jnp.float32)
        return carry
    lax.fori_loop(0, _B, _zero_exw, 0)

    for kk in range(heads_per_core):
        k = heads_per_core * c + kk

        pltpu.sync_copy(z128_ref.at[pl.ds(s * rows_per, rows_per)],
                        accD.at[pl.ds(s * rows_per, rows_per)])
        plsc.subcore_barrier()

        def _chunk(ci, carry):
            base = s * Eps + ci * _B
            pltpu.sync_copy(dstp_ref.at[pl.ds(base, _B)], dstc)
            pltpu.sync_copy(exh_ref.at[pl.ds(k * (16 * Eps) + base, _B)], exc)

            def _fill(vi, carry2):
                off = vi * _LANES
                lanes = off + lax.iota(jnp.int32, _LANES)
                ev = exc[pl.ds(off, _LANES)]
                plsc.store_scatter(
                    exw, [lanes, jnp.zeros((_LANES,), jnp.int32)], ev)
                return carry2
            lax.fori_loop(0, _B // _LANES, _fill, 0)

            pltpu.sync_copy(exw, accD.at[dstc], add=True)
            return carry
        lax.fori_loop(0, nchunks, _chunk, 0)
        plsc.subcore_barrier()

        pltpu.sync_copy(accD.at[pl.ds(s * rows_per, rows_per)],
                        den_ref.at[k, pl.ds(s * rows_per, rows_per)])
        plsc.subcore_barrier()


def _edge_pass(ht_flat, att, srcp, dstp, z128, E_tot, Np, H):
    E_pad = srcp.shape[0]
    Eps = E_pad // 16
    num_kern = pl.kernel(
        functools.partial(_num_body, E_tot, Eps, Np, H),
        out_type=[
            jax.ShapeDtypeStruct((H, Np, 128), jnp.float32),
            jax.ShapeDtypeStruct((H * E_pad,), jnp.float32),
        ],
        mesh=_mesh(),
        compiler_params=pltpu.CompilerParams(needs_layout_passes=False),
        scratch_types=[
            pltpu.VMEM_SHARED((Np, 128), jnp.float32),
            pltpu.VMEM((Np,), jnp.float32),
            pltpu.VMEM((Np,), jnp.float32),
            pltpu.VMEM((_B,), jnp.int32),
            pltpu.VMEM((_B,), jnp.int32),
            pltpu.VMEM((_B,), jnp.int32),
            pltpu.VMEM((_B,), jnp.float32),
            pltpu.VMEM((_B, 128), jnp.float32),
            pltpu.SemaphoreType.DMA,
        ],
    )
    num, exh = num_kern(ht_flat, att, srcp, dstp, z128)

    den_kern = pl.kernel(
        functools.partial(_den_body, Eps, Np, H),
        out_type=jax.ShapeDtypeStruct((H, Np, 128), jnp.float32),
        mesh=_mesh(),
        compiler_params=pltpu.CompilerParams(needs_layout_passes=False),
        scratch_types=[
            pltpu.VMEM_SHARED((Np, 128), jnp.float32),
            pltpu.VMEM((_B,), jnp.int32),
            pltpu.VMEM((_B,), jnp.float32),
            pltpu.VMEM((_B, 128), jnp.float32),
            pltpu.SemaphoreType.DMA,
        ],
    )
    den = den_kern(exh, dstp, z128)
    return num, den


def _finish_body(apply_elu, H, num_ref, den_ref, b_ref, o_ref):
    num = num_ref[...]
    den = den_ref[..., 0:1]
    v = jnp.sum(num / (den + 1e-16), axis=0) * (1.0 / H)
    v = v + b_ref[...]
    if apply_elu:
        v = jnp.where(v > 0, v, jnp.exp(v) - 1.0)
    o_ref[...] = v


def _finish(num, den, b, apply_elu, bn):
    H, Np, C = num.shape
    nb = Np // bn
    return pl.pallas_call(
        functools.partial(_finish_body, apply_elu, H),
        grid=(nb,),
        in_specs=[
            pl.BlockSpec((H, bn, C), lambda i: (0, i, 0)),
            pl.BlockSpec((H, bn, C), lambda i: (0, i, 0)),
            pl.BlockSpec((C,), lambda i: (0,)),
        ],
        out_specs=pl.BlockSpec((bn, C), lambda i: (i, 0)),
        out_shape=jax.ShapeDtypeStruct((Np, C), jnp.float32),
    )(num, den, b)


def _gat_layer(x, srcp, dstp, z128, W, a_src, a_dst, b, E_tot, apply_elu,
               bn):
    Np, IN = x.shape
    H, C = a_src.shape
    W3 = W.reshape(H, C, IN)
    ht, att = _project(x, W3, a_src, a_dst, bn)
    ht_flat = ht.reshape(H * Np, C)
    att_flat = att.reshape(16 * Np)
    num, den = _edge_pass(ht_flat, att_flat, srcp, dstp, z128, E_tot, Np, H)
    return _finish(num, den, b, apply_elu, bn)


def kernel(x, edge_index, W1, a_src1, a_dst1, b1, W2, a_src2, a_dst2, b2):
    N, IN = x.shape
    E = edge_index.shape[1]
    idt = edge_index.dtype

    bn = 512
    Np = ((N + bn - 1) // bn) * bn
    E_tot = E + N
    Eps = ((E_tot + 16 * _B - 1) // (16 * _B)) * _B
    E_pad = 16 * Eps

    loop = jnp.arange(N, dtype=idt)
    pad = jnp.zeros((E_pad - E_tot,), dtype=idt)
    srcp = jnp.concatenate([edge_index[0], loop, pad]).astype(jnp.int32)
    dstp = jnp.concatenate([edge_index[1], loop, pad]).astype(jnp.int32)

    xp = jnp.pad(x, ((0, Np - N), (0, 0)))
    z128 = jnp.zeros((Np, 128), jnp.float32)

    h1 = _gat_layer(xp, srcp, dstp, z128, W1, a_src1, a_dst1, b1,
                    E_tot, True, bn)
    h2 = _gat_layer(h1, srcp, dstp, z128, W2, a_src2, a_dst2, b2,
                    E_tot, False, bn)
    return h2[:N]

# --- scband reference (transcript-rebuilt; emitter-appended) ---
"""Pipeline reference for scband-kgencoder-gat-31954556682723 (READ-ONLY COPY).

The authoritative reference and input builder live on the scoring server;
editing this copy changes nothing except your own understanding.
"""

import jax, jax.numpy as jnp
import numpy as np

N = 10000
E = 320000
IN = 128
HID = 128
H = 4


def gat_conv(x, edge_index, W, a_src, a_dst, b):
    n = x.shape[0]
    h_heads, c = a_src.shape
    src = edge_index[0]
    dst = edge_index[1]
    loop = jnp.arange(n, dtype=edge_index.dtype)
    src = jnp.concatenate([src, loop])
    dst = jnp.concatenate([dst, loop])
    h = (x @ W.T).reshape(n, h_heads, c)
    asrc = (h * a_src[None, :, :]).sum(-1)
    adst = (h * a_dst[None, :, :]).sum(-1)
    e = jax.nn.leaky_relu(asrc[src] + adst[dst], 0.2)
    emax = jax.ops.segment_max(e, dst, num_segments=n)
    ex = jnp.exp(e - emax[dst])
    den = jax.ops.segment_sum(ex, dst, num_segments=n)
    alpha = ex / (den[dst] + 1e-16)
    out = jax.ops.segment_sum(h[src] * alpha[:, :, None], dst, num_segments=n)
    return out.mean(axis=1) + b


def setup_inputs(seed: int = 0):
    key = jax.random.key(seed)
    ks = jax.random.split(key, 12)
    x = jax.random.normal(ks[0], (N, IN), dtype=jnp.float32)
    edge_index = jax.random.randint(ks[1], (2, E), 0, N)
    W1 = jax.random.normal(ks[2], (H * HID, IN), dtype=jnp.float32) * 0.05
    a_src1 = jax.random.normal(ks[3], (H, HID), dtype=jnp.float32) * 0.05
    a_dst1 = jax.random.normal(ks[4], (H, HID), dtype=jnp.float32) * 0.05
    b1 = jnp.zeros((HID,), dtype=jnp.float32)
    W2 = jax.random.normal(ks[5], (H * HID, HID), dtype=jnp.float32) * 0.05
    a_src2 = jax.random.normal(ks[6], (H, HID), dtype=jnp.float32) * 0.05
    a_dst2 = jax.random.normal(ks[7], (H, HID), dtype=jnp.float32) * 0.05
    b2 = jnp.zeros((HID,), dtype=jnp.float32)
    return {"x": x, "edge_index": edge_index, "W1": W1, "a_src1": a_src1, "a_dst1": a_dst1, "b1": b1, "W2": W2, "a_src2": a_src2, "a_dst2": a_dst2, "b2": b2}


def reference(x, edge_index, W1, a_src1, a_dst1, b1, W2, a_src2, a_dst2, b2):
    h = jax.nn.elu(gat_conv(x, edge_index, W1, a_src1, a_dst1, b1))
    h = gat_conv(h, edge_index, W2, a_src2, a_dst2, b2)
    return h

if __name__ == "__main__":
    import jax
    _d = setup_inputs()
    print(jax.jit(kernel)(*tuple(_d.values())))

</pallas_src>

<mosaic_0001>
#map = affine_map<(d0, d1) -> (0, 0)>
#map1 = affine_map<(d0, d1) -> (0)>
#map2 = affine_map<(d0, d1) -> (0, 0, 0)>
module attributes {stable_mosaic.version = 14 : i64} {
  func.func @_num_body(%arg0: i32, %arg1: i32, %arg2: memref<40960x128xf32, #tpu.memory_space<hbm>>, %arg3: memref<163840xf32, #tpu.memory_space<hbm>>, %arg4: memref<331776xi32, #tpu.memory_space<hbm>>, %arg5: memref<331776xi32, #tpu.memory_space<hbm>>, %arg6: memref<10240x128xf32, #tpu.memory_space<hbm>>, %arg7: memref<4x10240x128xf32, #tpu.memory_space<hbm>>, %arg8: memref<1327104xf32, #tpu.memory_space<hbm>>, %arg9: memref<10240x128xf32, #tpu.memory_space<vmem_shared>>, %arg10: memref<10240xf32, #tpu.memory_space<vmem>>, %arg11: memref<10240xf32, #tpu.memory_space<vmem>>, %arg12: memref<192xi32, #tpu.memory_space<vmem>>, %arg13: memref<192xi32, #tpu.memory_space<vmem>>, %arg14: memref<192xi32, #tpu.memory_space<vmem>>, %arg15: memref<192xf32, #tpu.memory_space<vmem>>, %arg16: memref<192x128xf32, #tpu.memory_space<vmem>>, %arg17: memref<!tpu.dma_semaphore, #tpu.memory_space<semaphore_mem>>) attributes {dimension_semantics = [#tpu.dimension_semantics<core_parallel>, #tpu.dimension_semantics<subcore_parallel>], iteration_bounds = array<i64: 2, 16>, scalar_prefetch = 0 : i64, scratch_operands = 9 : i64, tpu.core_type = #tpu.core_type<sc_vector_subcore>, window_params = [{transform_indices = #map}, {transform_indices = #map1}, {transform_indices = #map1}, {transform_indices = #map1}, {transform_indices = #map}, {transform_indices = #map2}, {transform_indices = #map1}]} {
    %mul3A = arith.constant 2 : i32
    %mul3A_0 = arith.muli %mul3A, %arg0 : i32
    %add3A = arith.constant 0 : i32
    %add3A_1 = arith.addi %mul3A_0, %add3A : i32
    %mul3A_2 = arith.constant 2 : i32
    %mul3A_3 = arith.muli %mul3A_2, %add3A_1 : i32
    %mul3A_4 = arith.constant 10240 : i32
    %mul3A_5 = arith.muli %mul3A_3, %mul3A_4 : i32
    "tpu.region"() ({
      %run_scoped3A = tpu.sem_alloc : memref<!tpu.dma_semaphore, #tpu.memory_space<semaphore_mem>>
      %dma_start3A = tpu.memref_slice %arg3[%mul3A_5] : memref<163840xf32, #tpu.memory_space<hbm>> -> memref<10240xf32, #tpu.memory_space<hbm>>
      %dma_start3A_58 = tpu.memref_slice %arg3[%mul3A_5] : memref<163840xf32, #tpu.memory_space<hbm>> -> memref<10240xf32, #tpu.memory_space<hbm>>
      tpu.enqueue_dma source(%dma_start3A_58 : memref<10240xf32, #tpu.memory_space<hbm>>) target(%arg10 : memref<10240xf32, #tpu.memory_space<vmem>>) target_semaphore(%run_scoped3A : memref<!tpu.dma_semaphore, #tpu.memory_space<semaphore_mem>>)
      %dma_wait3A = tpu.memref_slice %arg3[%mul3A_5] : memref<163840xf32, #tpu.memory_space<hbm>> -> memref<10240xf32, #tpu.memory_space<hbm>>
      %dma_wait3A_59 = tpu.memref_slice %arg3[%mul3A_5] : memref<163840xf32, #tpu.memory_space<hbm>> -> memref<10240xf32, #tpu.memory_space<hbm>>
      tpu.wait_dma2 semaphore(%run_scoped3A : memref<!tpu.dma_semaphore, #tpu.memory_space<semaphore_mem>>) src(%dma_wait3A_59 : memref<10240xf32, #tpu.memory_space<hbm>>) dst(%arg10 : memref<10240xf32, #tpu.memory_space<vmem>>)
      tpu.yield
    }) : () -> ()
    %mul3A_6 = arith.constant 2 : i32
    %mul3A_7 = arith.muli %mul3A_6, %add3A_1 : i32
    %add3A_8 = arith.constant 1 : i32
    %add3A_9 = arith.addi %mul3A_7, %add3A_8 : i32
    %mul3A_10 = arith.constant 10240 : i32
    %mul3A_11 = arith.muli %add3A_9, %mul3A_10 : i32
    "tpu.region"() ({
      %run_scoped3A = tpu.sem_alloc : memref<!tpu.dma_semaphore, #tpu.memory_space<semaphore_mem>>
      %dma_start3A = tpu.memref_slice %arg3[%mul3A_11] : memref<163840xf32, #tpu.memory_space<hbm>> -> memref<10240xf32, #tpu.memory_space<hbm>>
      %dma_start3A_58 = tpu.memref_slice %arg3[%mul3A_11] : memref<163840xf32, #tpu.memory_space<hbm>> -> memref<10240xf32, #tpu.memory_space<hbm>>
      tpu.enqueue_dma source(%dma_start3A_58 : memref<10240xf32, #tpu.memory_space<hbm>>) target(%arg11 : memref<10240xf32, #tpu.memory_space<vmem>>) target_semaphore(%run_scoped3A : memref<!tpu.dma_semaphore, #tpu.memory_space<semaphore_mem>>)
      %dma_wait3A = tpu.memref_slice %arg3[%mul3A_11] : memref<163840xf32, #tpu.memory_space<hbm>> -> memref<10240xf32, #tpu.memory_space<hbm>>
      %dma_wait3A_59 = tpu.memref_slice %arg3[%mul3A_11] : memref<163840xf32, #tpu.memory_space<hbm>> -> memref<10240xf32, #tpu.memory_space<hbm>>
      tpu.wait_dma2 semaphore(%run_scoped3A : memref<!tpu.dma_semaphore, #tpu.memory_space<semaphore_mem>>) src(%dma_wait3A_59 : memref<10240xf32, #tpu.memory_space<hbm>>) dst(%arg11 : memref<10240xf32, #tpu.memory_space<vmem>>)
      tpu.yield
    }) : () -> ()
    %mul3A_12 = arith.constant 640 : i32
    %mul3A_13 = arith.muli %arg1, %mul3A_12 : i32
    %mul3A_14 = arith.constant 640 : i32
    %mul3A_15 = arith.muli %arg1, %mul3A_14 : i32
    "tpu.region"() ({
      %run_scoped3A = tpu.sem_alloc : memref<!tpu.dma_semaphore, #tpu.memory_space<semaphore_mem>>
      %dma_start3A = arith.constant 0 : i32
      %dma_start3A_58 = tpu.memref_slice %arg9[%mul3A_15, %dma_start3A] : memref<10240x128xf32, #tpu.memory_space<vmem_shared>> -> memref<640x128xf32, #tpu.memory_space<vmem_shared>>
      %dma_start3A_59 = arith.constant 0 : i32
      %dma_start3A_60 = tpu.memref_slice %arg6[%mul3A_13, %dma_start3A_59] : memref<10240x128xf32, #tpu.memory_space<hbm>> -> memref<640x128xf32, #tpu.memory_space<hbm>>
      tpu.enqueue_dma source(%dma_start3A_60 : memref<640x128xf32, #tpu.memory_space<hbm>>) target(%dma_start3A_58 : memref<640x128xf32, #tpu.memory_space<vmem_shared>>) target_semaphore(%run_scoped3A : memref<!tpu.dma_semaphore, #tpu.memory_space<semaphore_mem>>)
      %dma_wait3A = arith.constant 0 : i32
      %dma_wait3A_61 = tpu.memref_slice %arg9[%mul3A_15, %dma_wait3A] : memref<10240x128xf32, #tpu.memory_space<vmem_shared>> -> memref<640x128xf32, #tpu.memory_space<vmem_shared>>
      %dma_wait3A_62 = arith.constant 0 : i32
      %dma_wait3A_63 = tpu.memref_slice %arg6[%mul3A_13, %dma_wait3A_62] : memref<10240x128xf32, #tpu.memory_space<hbm>> -> memref<640x128xf32, #tpu.memory_space<hbm>>
      tpu.wait_dma2 semaphore(%run_scoped3A : memref<!tpu.dma_semaphore, #tpu.memory_space<semaphore_mem>>) src(%dma_wait3A_63 : memref<640x128xf32, #tpu.memory_space<hbm>>) dst(%dma_wait3A_61 : memref<640x128xf32, #tpu.memory_space<vmem_shared>>)
      tpu.yield
    }) : () -> ()
    %barrier3A = arith.constant 0 : index
    tpu.barrier barrier_id(%barrier3A)
    %scan3A = arith.constant 0 : i32
    %scan3A_16 = arith.constant 0 : i32
    %scan3A_17 = arith.constant 108 : i32
    %scan3A_18 = arith.addi %scan3A_16, %scan3A_17 : i32
    %scan3A_19 = arith.constant 1 : i32
    scf.for %scan3A_58 = %scan3A_16 to %scan3A_18 step %scan3A_19  : i32 {
      %mul3A_59 = arith.constant 20736 : i32
      %mul3A_60 = arith.muli %arg1, %mul3A_59 : i32
      %mul3A_61 = arith.constant 192 : i32
      %mul3A_62 = arith.muli %scan3A_58, %mul3A_61 : i32
      %add3A_63 = arith.addi %mul3A_60, %mul3A_62 : i32
      "tpu.region"() ({
        %run_scoped3A = tpu.sem_alloc : memref<!tpu.dma_semaphore, #tpu.memory_space<semaphore_mem>>
        %dma_start3A_83 = tpu.memref_slice %arg4[%add3A_63] : memref<331776xi32, #tpu.memory_space<hbm>> -> memref<192xi32, #tpu.memory_space<hbm>>
        %dma_start3A_84 = tpu.memref_slice %arg4[%add3A_63] : memref<331776xi32, #tpu.memory_space<hbm>> -> memref<192xi32, #tpu.memory_space<hbm>>
        tpu.enqueue_dma source(%dma_start3A_84 : memref<192xi32, #tpu.memory_space<hbm>>) target(%arg12 : memref<192xi32, #tpu.memory_space<vmem>>) target_semaphore(%run_scoped3A : memref<!tpu.dma_semaphore, #tpu.memory_space<semaphore_mem>>)
        %dma_wait3A_85 = tpu.memref_slice %arg4[%add3A_63] : memref<331776xi32, #tpu.memory_space<hbm>> -> memref<192xi32, #tpu.memory_space<hbm>>
        %dma_wait3A_86 = tpu.memref_slice %arg4[%add3A_63] : memref<331776xi32, #tpu.memory_space<hbm>> -> memref<192xi32, #tpu.memory_space<hbm>>
        tpu.wait_dma2 semaphore(%run_scoped3A : memref<!tpu.dma_semaphore, #tpu.memory_space<semaphore_mem>>) src(%dma_wait3A_86 : memref<192xi32, #tpu.memory_space<hbm>>) dst(%arg12 : memref<192xi32, #tpu.memory_space<vmem>>)
        tpu.yield
      }) : () -> ()
      "tpu.region"() ({
        %run_scoped3A = tpu.sem_alloc : memref<!tpu.dma_semaphore, #tpu.memory_space<semaphore_mem>>
        %dma_start3A_83 = tpu.memref_slice %arg5[%add3A_63] : memref<331776xi32, #tpu.memory_space<hbm>> -> memref<192xi32, #tpu.memory_space<hbm>>
        %dma_start3A_84 = tpu.memref_slice %arg5[%add3A_63] : memref<331776xi32, #tpu.memory_space<hbm>> -> memref<192xi32, #tpu.memory_space<hbm>>
        tpu.enqueue_dma source(%dma_start3A_84 : memref<192xi32, #tpu.memory_space<hbm>>) target(%arg13 : memref<192xi32, #tpu.memory_space<vmem>>) target_semaphore(%run_scoped3A : memref<!tpu.dma_semaphore, #tpu.memory_space<semaphore_mem>>)
        %dma_wait3A_85 = tpu.memref_slice %arg5[%add3A_63] : memref<331776xi32, #tpu.memory_space<hbm>> -> memref<192xi32, #tpu.memory_space<hbm>>
        %dma_wait3A_86 = tpu.memref_slice %arg5[%add3A_63] : memref<331776xi32, #tpu.memory_space<hbm>> -> memref<192xi32, #tpu.memory_space<hbm>>
        tpu.wait_dma2 semaphore(%run_scoped3A : memref<!tpu.dma_semaphore, #tpu.memory_space<semaphore_mem>>) src(%dma_wait3A_86 : memref<192xi32, #tpu.memory_space<hbm>>) dst(%arg13 : memref<192xi32, #tpu.memory_space<vmem>>)
        tpu.yield
      }) : () -> ()
      %scan3A_64 = arith.constant 0 : i32
      %scan3A_65 = arith.constant 0 : i32
      %scan3A_66 = arith.constant 12 : i32
      %scan3A_67 = arith.addi %scan3A_65, %scan3A_66 : i32
      %scan3A_68 = arith.constant 1 : i32
      scf.for %scan3A_83 = %scan3A_65 to %scan3A_67 step %scan3A_68  : i32 {
        %mul3A_84 = arith.constant 16 : i32
        %mul3A_85 = arith.muli %scan3A_83, %mul3A_84 : i32
        %iota3A = tpu.iota {dimensions = array<i32: 0>} : vector<16xi32>
        %add3A_86 = vector.broadcast %mul3A_85 : i32 to vector<16xi32>
        %add3A_87 = arith.addi %add3A_86, %iota3A : vector<16xi32>
        %get3A = arith.index_cast %mul3A_85 : i32 to index
        %get3A_88 = tpu.vector_load %arg12[%get3A] {strides = array<i32>} : memref<192xi32, #tpu.memory_space<vmem>>, vector<16xi32>,
        %get3A_89 = arith.index_cast %mul3A_85 : i32 to index
        %get3A_90 = tpu.vector_load %arg13[%get3A_89] {strides = array<i32>} : memref<192xi32, #tpu.memory_space<vmem>>, vector<16xi32>,
        %add3A_91 = vector.broadcast %add3A_63 : i32 to vector<16xi32>
        %add3A_92 = arith.addi %add3A_91, %add3A_87 : vector<16xi32>
        %lt3A = arith.constant 330000 : i32
        %lt3A_93 = vector.broadcast %lt3A : i32 to vector<16xi32>
        %lt3A_94 = arith.cmpi slt, %add3A_92, %lt3A_93 : vector<16xi32>
        %gather3A = tpu.vector_load_idx %arg10[%get3A_88] : memref<10240xf32, #tpu.memory_space<vmem>>[vector<16xi32>], vector<16xf32>,
        %gather3A_95 = tpu.vector_load_idx %arg11[%get3A_90] : memref<10240xf32, #tpu.memory_space<vmem>>[vector<16xi32>], vector<16xf32>,
        %add3A_96 = arith.addf %gather3A, %gather3A_95 : vector<16xf32>
        %ge3A = arith.constant 0.000000e+00 : f32
        %ge3A_97 = vector.broadcast %ge3A : f32 to vector<16xf32>
        %ge3A_98 = arith.cmpf oge, %add3A_96, %ge3A_97 : vector<16xf32>
        %mul3A_99 = arith.constant 2.000000e-01 : f32
        %mul3A_100 = vector.broadcast %mul3A_99 : f32 to vector<16xf32>
        %mul3A_101 = arith.mulf %mul3A_100, %add3A_96 : vector<16xf32>
        %select_n3A = arith.select %ge3A_98, %add3A_96, %mul3A_101 : vector<16xi1>, vector<16xf32>
        %exp3A = math.exp %select_n3A : vector<16xf32>
        %jit3A = arith.constant 0.000000e+00 : f32
        %broadcast_in_dim3A = vector.broadcast %jit3A : f32 to vector<16xf32>
        %select_n3A_102 = arith.select %lt3A_94, %exp3A, %broadcast_in_dim3A : vector<16xi1>, vector<16xf32>
        %swap3A = arith.index_cast %mul3A_85 : i32 to index
        %swap3A_103 = tpu.vector_load %arg15[%swap3A] {strides = array<i32>} : memref<192xf32, #tpu.memory_space<vmem>>, vector<16xf32>,
        tpu.vector_store %arg15[%swap3A], %select_n3A_102 {strides = array<i32>} : memref<192xf32, #tpu.memory_space<vmem>>, vector<16xf32>,
        %mul3A_104 = arith.constant 10240 : i32
        %mul3A_105 = arith.muli %add3A_1, %mul3A_104 : i32
        %add3A_106 = vector.broadcast %mul3A_105 : i32 to vector<16xi32>
        %add3A_107 = arith.addi %get3A_88, %add3A_106 : vector<16xi32>
        %swap3A_108 = arith.index_cast %mul3A_85 : i32 to index
        %swap3A_109 = tpu.vector_load %arg14[%swap3A_108] {strides = array<i32>} : memref<192xi32, #tpu.memory_space<vmem>>, vector<16xi32>,
        tpu.vector_store %arg14[%swap3A_108], %add3A_107 {strides = array<i32>} : memref<192xi32, #tpu.memory_space<vmem>>, vector<16xi32>,
      }
      %scan3A_69 = arith.constant 12 : i32
      %mul3A_70 = arith.constant 331776 : i32
      %mul3A_71 = arith.muli %add3A_1, %mul3A_70 : i32
      %add3A_72 = arith.addi %mul3A_71, %add3A_63 : i32
      "tpu.region"() ({
        %run_scoped3A = tpu.sem_alloc : memref<!tpu.dma_semaphore, #tpu.memory_space<semaphore_mem>>
        %dma_start3A_83 = tpu.memref_slice %arg8[%add3A_72] : memref<1327104xf32, #tpu.memory_space<hbm>> -> memref<192xf32, #tpu.memory_space<hbm>>
        %dma_start3A_84 = tpu.memref_slice %arg8[%add3A_72] : memref<1327104xf32, #tpu.memory_space<hbm>> -> memref<192xf32, #tpu.memory_space<hbm>>
        tpu.enqueue_dma source(%arg15 : memref<192xf32, #tpu.memory_space<vmem>>) target(%dma_start3A_84 : memref<192xf32, #tpu.memory_space<hbm>>) target_semaphore(%run_scoped3A : memref<!tpu.dma_semaphore, #tpu.memory_space<semaphore_mem>>)
        %dma_wait3A_85 = tpu.memref_slice %arg8[%add3A_72] : memref<1327104xf32, #tpu.memory_space<hbm>> -> memref<192xf32, #tpu.memory_space<hbm>>
        %dma_wait3A_86 = tpu.memref_slice %arg8[%add3A_72] : memref<1327104xf32, #tpu.memory_space<hbm>> -> memref<192xf32, #tpu.memory_space<hbm>>
        tpu.wait_dma2 semaphore(%run_scoped3A : memref<!tpu.dma_semaphore, #tpu.memory_space<semaphore_mem>>) src(%arg15 : memref<192xf32, #tpu.memory_space<vmem>>) dst(%dma_wait3A_86 : memref<192xf32, #tpu.memory_space<hbm>>)
        tpu.yield
      }) : () -> ()
      %dma_start3A = arith.constant 0 : i32
      %dma_start3A_73 = arith.constant 0 : i32
      %dma_start3A_74 = tpu.memref_slice %arg2[%dma_start3A, %dma_start3A_73] : memref<40960x128xf32, #tpu.memory_space<hbm>> -> memref<40960x128xf32, #tpu.memory_space<hbm>>
      tpu.enqueue_indirect_dma source(%dma_start3A_74 : memref<40960x128xf32, #tpu.memory_space<hbm>>) target(%arg16 : memref<192x128xf32, #tpu.memory_space<vmem>>) offsets(%arg14 : memref<192xi32, #tpu.memory_space<vmem>>) semaphore(%arg17 : memref<!tpu.dma_semaphore, #tpu.memory_space<semaphore_mem>>)
      %dma_wait3A = arith.constant 0 : i32
      %dma_wait3A_75 = arith.constant 0 : i32
      %dma_wait3A_76 = tpu.memref_slice %arg2[%dma_wait3A, %dma_wait3A_75] : memref<40960x128xf32, #tpu.memory_space<hbm>> -> memref<40960x128xf32, #tpu.memory_space<hbm>>
      tpu.wait_indirect_dma semaphore(%arg17 : memref<!tpu.dma_semaphore, #tpu.memory_space<semaphore_mem>>) src(%dma_wait3A_76 : memref<40960x128xf32, #tpu.memory_space<hbm>>) dst(%arg16 : memref<192x128xf32, #tpu.memory_space<vmem>>)
      %scan3A_77 = arith.constant 0 : i32
      %scan3A_78 = arith.constant 0 : i32
      %scan3A_79 = arith.constant 192 : i32
      %scan3A_80 = arith.addi %scan3A_78, %scan3A_79 : i32
      %scan3A_81 = arith.constant 1 : i32
      scf.for %scan3A_83 = %scan3A_78 to %scan3A_80 step %scan3A_81  : i32 {
        %broadcast_in_dim3A = vector.broadcast %scan3A_83 : i32 to vector<16xi32>
        %gather3A = tpu.vector_load_idx %arg15[%broadcast_in_dim3A] : memref<192xf32, #tpu.memory_space<vmem>>[vector<16xi32>], vector<16xf32>,
        %get3A = arith.index_cast %scan3A_83 : i32 to index
        %get3A_84 = arith.constant 0 : index
        %get3A_85 = tpu.vector_load %arg16[%get3A, %get3A_84] {strides = array<i32>} : memref<192x128xf32, #tpu.memory_space<vmem>>, vector<16xf32>,
        %mul3A_86 = arith.mulf %get3A_85, %gather3A : vector<16xf32>
        %swap3A = arith.index_cast %scan3A_83 : i32 to index
        %swap3A_87 = arith.constant 0 : index
        %swap3A_88 = tpu.vector_load %arg16[%swap3A, %swap3A_87] {strides = array<i32>} : memref<192x128xf32, #tpu.memory_space<vmem>>, vector<16xf32>,
        tpu.vector_store %arg16[%swap3A, %swap3A_87], %mul3A_86 {strides = array<i32>} : memref<192x128xf32, #tpu.memory_space<vmem>>, vector<16xf32>,
        %get3A_89 = arith.index_cast %scan3A_83 : i32 to index
        %get3A_90 = arith.constant 16 : index
        %get3A_91 = tpu.vector_load %arg16[%get3A_89, %get3A_90] {strides = array<i32>} : memref<192x128xf32, #tpu.memory_space<vmem>>, vector<16xf32>,
        %mul3A_92 = arith.mulf %get3A_91, %gather3A : vector<16xf32>
        %swap3A_93 = arith.index_cast %scan3A_83 : i32 to index
        %swap3A_94 = arith.constant 16 : index
        %swap3A_95 = tpu.vector_load %arg16[%swap3A_93, %swap3A_94] {strides = array<i32>} : memref<192x128xf32, #tpu.memory_space<vmem>>, vector<16xf32>,
        tpu.vector_store %arg16[%swap3A_93, %swap3A_94], %mul3A_92 {strides = array<i32>} : memref<192x128xf32, #tpu.memory_space<vmem>>, vector<16xf32>,
        %get3A_96 = arith.index_cast %scan3A_83 : i32 to index
        %get3A_97 = arith.constant 32 : index
        %get3A_98 = tpu.vector_load %arg16[%get3A_96, %get3A_97] {strides = array<i32>} : memref<192x128xf32, #tpu.memory_space<vmem>>, vector<16xf32>,
        %mul3A_99 = arith.mulf %get3A_98, %gather3A : vector<16xf32>
        %swap3A_100 = arith.index_cast %scan3A_83 : i32 to index
        %swap3A_101 = arith.constant 32 : index
        %swap3A_102 = tpu.vector_load %arg16[%swap3A_100, %swap3A_101] {strides = array<i32>} : memref<192x128xf32, #tpu.memory_space<vmem>>, vector<16xf32>,
        tpu.vector_store %arg16[%swap3A_100, %swap3A_101], %mul3A_99 {strides = array<i32>} : memref<192x128xf32, #tpu.memory_space<vmem>>, vector<16xf32>,
        %get3A_103 = arith.index_cast %scan3A_83 : i32 to index
        %get3A_104 = arith.constant 48 : index
        %get3A_105 = tpu.vector_load %arg16[%get3A_103, %get3A_104] {strides = array<i32>} : memref<192x128xf32, #tpu.memory_space<vmem>>, vector<16xf32>,
        %mul3A_106 = arith.mulf %get3A_105, %gather3A : vector<16xf32>
        %swap3A_107 = arith.index_cast %scan3A_83 : i32 to index
        %swap3A_108 = arith.constant 48 : index
        %swap3A_109 = tpu.vector_load %arg16[%swap3A_107, %swap3A_108] {strides = array<i32>} : memref<192x128xf32, #tpu.memory_space<vmem>>, vector<16xf32>,
        tpu.vector_store %arg16[%swap3A_107, %swap3A_108], %mul3A_106 {strides = array<i32>} : memref<192x128xf32, #tpu.memory_space<vmem>>, vector<16xf32>,
        %get3A_110 = arith.index_cast %scan3A_83 : i32 to index
        %get3A_111 = arith.constant 64 : index
        %get3A_112 = tpu.vector_load %arg16[%get3A_110, %get3A_111] {strides = array<i32>} : memref<192x128xf32, #tpu.memory_space<vmem>>, vector<16xf32>,
        %mul3A_113 = arith.mulf %get3A_112, %gather3A : vector<16xf32>
        %swap3A_114 = arith.index_cast %scan3A_83 : i32 to index
        %swap3A_115 = arith.constant 64 : index
        %swap3A_116 = tpu.vector_load %arg16[%swap3A_114, %swap3A_115] {strides = array<i32>} : memref<192x128xf32, #tpu.memory_space<vmem>>, vector<16xf32>,
        tpu.vector_store %arg16[%swap3A_114, %swap3A_115], %mul3A_113 {strides = array<i32>} : memref<192x128xf32, #tpu.memory_space<vmem>>, vector<16xf32>,
        %get3A_117 = arith.index_cast %scan3A_83 : i32 to index
        %get3A_118 = arith.constant 80 : index
        %get3A_119 = tpu.vector_load %arg16[%get3A_117, %get3A_118] {strides = array<i32>} : memref<192x128xf32, #tpu.memory_space<vmem>>, vector<16xf32>,
        %mul3A_120 = arith.mulf %get3A_119, %gather3A : vector<16xf32>
        %swap3A_121 = arith.index_cast %scan3A_83 : i32 to index
        %swap3A_122 = arith.constant 80 : index
        %swap3A_123 = tpu.vector_load %arg16[%swap3A_121, %swap3A_122] {strides = array<i32>} : memref<192x128xf32, #tpu.memory_space<vmem>>, vector<16xf32>,
        tpu.vector_store %arg16[%swap3A_121, %swap3A_122], %mul3A_120 {strides = array<i32>} : memref<192x128xf32, #tpu.memory_space<vmem>>, vector<16xf32>,
        %get3A_124 = arith.index_cast %scan3A_83 : i32 to index
        %get3A_125 = arith.constant 96 : index
        %get3A_126 = tpu.vector_load %arg16[%get3A_124, %get3A_125] {strides = array<i32>} : memref<192x128xf32, #tpu.memory_space<vmem>>, vector<16xf32>,
        %mul3A_127 = arith.mulf %get3A_126, %gather3A : vector<16xf32>
        %swap3A_128 = arith.index_cast %scan3A_83 : i32 to index
        %swap3A_129 = arith.constant 96 : index
        %swap3A_130 = tpu.vector_load %arg16[%swap3A_128, %swap3A_129] {strides = array<i32>} : memref<192x128xf32, #tpu.memory_space<vmem>>, vector<16xf32>,
        tpu.vector_store %arg16[%swap3A_128, %swap3A_129], %mul3A_127 {strides = array<i32>} : memref<192x128xf32, #tpu.memory_space<vmem>>, vector<16xf32>,
        %get3A_131 = arith.index_cast %scan3A_83 : i32 to index
        %get3A_132 = arith.constant 112 : index
        %get3A_133 = tpu.vector_load %arg16[%get3A_131, %get3A_132] {strides = array<i32>} : memref<192x128xf32, #tpu.memory_space<vmem>>, vector<16xf32>,
        %mul3A_134 = arith.mulf %get3A_133, %gather3A : vector<16xf32>
        %swap3A_135 = arith.index_cast %scan3A_83 : i32 to index
        %swap3A_136 = arith.constant 112 : index
        %swap3A_137 = tpu.vector_load %arg16[%swap3A_135, %swap3A_136] {strides = array<i32>} : memref<192x128xf32, #tpu.memory_space<vmem>>, vector<16xf32>,
        tpu.vector_store %arg16[%swap3A_135, %swap3A_136], %mul3A_134 {strides = array<i32>} : memref<192x128xf32, #tpu.memory_space<vmem>>, vector<16xf32>,
      }
      %scan3A_82 = arith.constant 192 : i32
      "tpu.region"() ({
        %run_scoped3A = tpu.sem_alloc : memref<!tpu.dma_semaphore, #tpu.memory_space<semaphore_mem>>
        %dma_start3A_83 = arith.constant 0 : i32
        %dma_start3A_84 = arith.constant 0 : i32
        %dma_start3A_85 = tpu.memref_slice %arg9[%dma_start3A_83, %dma_start3A_84] : memref<10240x128xf32, #tpu.memory_space<vmem_shared>> -> memref<10240x128xf32, #tpu.memory_space<vmem_shared>>
        tpu.enqueue_indirect_dma source(%arg16 : memref<192x128xf32, #tpu.memory_space<vmem>>) target(%dma_start3A_85 : memref<10240x128xf32, #tpu.memory_space<vmem_shared>>) offsets(%arg13 : memref<192xi32, #tpu.memory_space<vmem>>) semaphore(%run_scoped3A : memref<!tpu.dma_semaphore, #tpu.memory_space<semaphore_mem>>) {add = true}
        %dma_wait3A_86 = arith.constant 0 : i32
        %dma_wait3A_87 = arith.constant 0 : i32
        %dma_wait3A_88 = tpu.memref_slice %arg9[%dma_wait3A_86, %dma_wait3A_87] : memref<10240x128xf32, #tpu.memory_space<vmem_shared>> -> memref<10240x128xf32, #tpu.memory_space<vmem_shared>>
        tpu.wait_indirect_dma semaphore(%run_scoped3A : memref<!tpu.dma_semaphore, #tpu.memory_space<semaphore_mem>>) src(%arg16 : memref<192x128xf32, #tpu.memory_space<vmem>>) dst(%dma_wait3A_88 : memref<10240x128xf32, #tpu.memory_space<vmem_shared>>)
        tpu.yield
      }) : () -> ()
    }
    %scan3A_20 = arith.constant 108 : i32
    %barrier3A_21 = arith.constant 0 : index
    tpu.barrier barrier_id(%barrier3A_21)
    %mul3A_22 = arith.constant 640 : i32
    %mul3A_23 = arith.muli %arg1, %mul3A_22 : i32
    %mul3A_24 = arith.constant 640 : i32
    %mul3A_25 = arith.muli %arg1, %mul3A_24 : i32
    "tpu.region"() ({
      %run_scoped3A = tpu.sem_alloc : memref<!tpu.dma_semaphore, #tpu.memory_space<semaphore_mem>>
      %dma_start3A = arith.constant 0 : i32
      %dma_start3A_58 = tpu.memref_slice %arg7[%add3A_1, %mul3A_25, %dma_start3A] : memref<4x10240x128xf32, #tpu.memory_space<hbm>> -> memref<1x640x128xf32, #tpu.memory_space<hbm>>
      %dma_start3A_59 = tpu.memref_squeeze %dma_start3A_58 : memref<1x640x128xf32, #tpu.memory_space<hbm>> -> memref<640x128xf32, #tpu.memory_space<hbm>>
      %dma_start3A_60 = arith.constant 0 : i32
      %dma_start3A_61 = tpu.memref_slice %arg9[%mul3A_23, %dma_start3A_60] : memref<10240x128xf32, #tpu.memory_space<vmem_shared>> -> memref<640x128xf32, #tpu.memory_space<vmem_shared>>
      tpu.enqueue_dma source(%dma_start3A_61 : memref<640x128xf32, #tpu.memory_space<vmem_shared>>) target(%dma_start3A_59 : memref<640x128xf32, #tpu.memory_space<hbm>>) target_semaphore(%run_scoped3A : memref<!tpu.dma_semaphore, #tpu.memory_space<semaphore_mem>>)
      %dma_wait3A = arith.constant 0 : i32
      %dma_wait3A_62 = tpu.memref_slice %arg7[%add3A_1, %mul3A_25, %dma_wait3A] : memref<4x10240x128xf32, #tpu.memory_space<hbm>> -> memref<1x640x128xf32, #tpu.memory_space<hbm>>
      %dma_wait3A_63 = tpu.memref_squeeze %dma_wait3A_62 : memref<1x640x128xf32, #tpu.memory_space<hbm>> -> memref<640x128xf32, #tpu.memory_space<hbm>>
      %dma_wait3A_64 = arith.constant 0 : i32
      %dma_wait3A_65 = tpu.memref_slice %arg9[%mul3A_23, %dma_wait3A_64] : memref<10240x128xf32, #tpu.memory_space<vmem_shared>> -> memref<640x128xf32, #tpu.memory_space<vmem_shared>>
      tpu.wait_dma2 semaphore(%run_scoped3A : memref<!tpu.dma_semaphore, #tpu.memory_space<semaphore_mem>>) src(%dma_wait3A_65 : memref<640x128xf32, #tpu.memory_space<vmem_shared>>) dst(%dma_wait3A_63 : memref<640x128xf32, #tpu.memory_space<hbm>>)
      tpu.yield
    }) : () -> ()
    %barrier3A_26 = arith.constant 0 : index
    tpu.barrier barrier_id(%barrier3A_26)
    %mul3A_27 = arith.constant 2 : i32
    %mul3A_28 = arith.muli %mul3A_27, %arg0 : i32
    %add3A_29 = arith.constant 1 : i32
    %add3A_30 = arith.addi %mul3A_28, %add3A_29 : i32
    %mul3A_31 = arith.constant 2 : i32
    %mul3A_32 = arith.muli %mul3A_31, %add3A_30 : i32
    %mul3A_33 = arith.constant 10240 : i32
    %mul3A_34 = arith.muli %mul3A_32, %mul3A_33 : i32
    "tpu.region"() ({
      %run_scoped3A = tpu.sem_alloc : memref<!tpu.dma_semaphore, #tpu.memory_space<semaphore_mem>>
      %dma_start3A = tpu.memref_slice %arg3[%mul3A_34] : memref<163840xf32, #tpu.memory_space<hbm>> -> memref<10240xf32, #tpu.memory_space<hbm>>
      %dma_start3A_58 = tpu.memref_slice %arg3[%mul3A_34] : memref<163840xf32, #tpu.memory_space<hbm>> -> memref<10240xf32, #tpu.memory_space<hbm>>
      tpu.enqueue_dma source(%dma_start3A_58 : memref<10240xf32, #tpu.memory_space<hbm>>) target(%arg10 : memref<10240xf32, #tpu.memory_space<vmem>>) target_semaphore(%run_scoped3A : memref<!tpu.dma_semaphore, #tpu.memory_space<semaphore_mem>>)
      %dma_wait3A = tpu.memref_slice %arg3[%mul3A_34] : memref<163840xf32, #tpu.memory_space<hbm>> -> memref<10240xf32, #tpu.memory_space<hbm>>
      %dma_wait3A_59 = tpu.memref_slice %arg3[%mul3A_34] : memref<163840xf32, #tpu.memory_space<hbm>> -> memref<10240xf32, #tpu.memory_space<hbm>>
      tpu.wait_dma2 semaphore(%run_scoped3A : memref<!tpu.dma_semaphore, #tpu.memory_space<semaphore_mem>>) src(%dma_wait3A_59 : memref<10240xf32, #tpu.memory_space<hbm>>) dst(%arg10 : memref<10240xf32, #tpu.memory_space<vmem>>)
      tpu.yield
    }) : () -> ()
    %mul3A_35 = arith.constant 2 : i32
    %mul3A_36 = arith.muli %mul3A_35, %add3A_30 : i32
    %add3A_37 = arith.constant 1 : i32
    %add3A_38 = arith.addi %mul3A_36, %add3A_37 : i32
    %mul3A_39 = arith.constant 10240 : i32
    %mul3A_40 = arith.muli %add3A_38, %mul3A_39 : i32
    "tpu.region"() ({
      %run_scoped3A = tpu.sem_alloc : memref<!tpu.dma_semaphore, #tpu.memory_space<semaphore_mem>>
      %dma_start3A = tpu.memref_slice %arg3[%mul3A_40] : memref<163840xf32, #tpu.memory_space<hbm>> -> memref<10240xf32, #tpu.memory_space<hbm>>
      %dma_start3A_58 = tpu.memref_slice %arg3[%mul3A_40] : memref<163840xf32, #tpu.memory_space<hbm>> -> memref<10240xf32, #tpu.memory_space<hbm>>
      tpu.enqueue_dma source(%dma_start3A_58 : memref<10240xf32, #tpu.memory_space<hbm>>) target(%arg11 : memref<10240xf32, #tpu.memory_space<vmem>>) target_semaphore(%run_scoped3A : memref<!tpu.dma_semaphore, #tpu.memory_space<semaphore_mem>>)
      %dma_wait3A = tpu.memref_slice %arg3[%mul3A_40] : memref<163840xf32, #tpu.memory_space<hbm>> -> memref<10240xf32, #tpu.memory_space<hbm>>
      %dma_wait3A_59 = tpu.memref_slice %arg3[%mul3A_40] : memref<163840xf32, #tpu.memory_space<hbm>> -> memref<10240xf32, #tpu.memory_space<hbm>>
      tpu.wait_dma2 semaphore(%run_scoped3A : memref<!tpu.dma_semaphore, #tpu.memory_space<semaphore_mem>>) src(%dma_wait3A_59 : memref<10240xf32, #tpu.memory_space<hbm>>) dst(%arg11 : memref<10240xf32, #tpu.memory_space<vmem>>)
      tpu.yield
    }) : () -> ()
    %mul3A_41 = arith.constant 640 : i32
    %mul3A_42 = arith.muli %arg1, %mul3A_41 : i32
    %mul3A_43 = arith.constant 640 : i32
    %mul3A_44 = arith.muli %arg1, %mul3A_43 : i32
    "tpu.region"() ({
      %run_scoped3A = tpu.sem_alloc : memref<!tpu.dma_semaphore, #tpu.memory_space<semaphore_mem>>
      %dma_start3A = arith.constant 0 : i32
      %dma_start3A_58 = tpu.memref_slice %arg9[%mul3A_44, %dma_start3A] : memref<10240x128xf32, #tpu.memory_space<vmem_shared>> -> memref<640x128xf32, #tpu.memory_space<vmem_shared>>
      %dma_start3A_59 = arith.constant 0 : i32
      %dma_start3A_60 = tpu.memref_slice %arg6[%mul3A_42, %dma_start3A_59] : memref<10240x128xf32, #tpu.memory_space<hbm>> -> memref<640x128xf32, #tpu.memory_space<hbm>>
      tpu.enqueue_dma source(%dma_start3A_60 : memref<640x128xf32, #tpu.memory_space<hbm>>) target(%dma_start3A_58 : memref<640x128xf32, #tpu.memory_space<vmem_shared>>) target_semaphore(%run_scoped3A : memref<!tpu.dma_semaphore, #tpu.memory_space<semaphore_mem>>)
      %dma_wait3A = arith.constant 0 : i32
      %dma_wait3A_61 = tpu.memref_slice %arg9[%mul3A_44, %dma_wait3A] : memref<10240x128xf32, #tpu.memory_space<vmem_shared>> -> memref<640x128xf32, #tpu.memory_space<vmem_shared>>
      %dma_wait3A_62 = arith.constant 0 : i32
      %dma_wait3A_63 = tpu.memref_slice %arg6[%mul3A_42, %dma_wait3A_62] : memref<10240x128xf32, #tpu.memory_space<hbm>> -> memref<640x128xf32, #tpu.memory_space<hbm>>
      tpu.wait_dma2 semaphore(%run_scoped3A : memref<!tpu.dma_semaphore, #tpu.memory_space<semaphore_mem>>) src(%dma_wait3A_63 : memref<640x128xf32, #tpu.memory_space<hbm>>) dst(%dma_wait3A_61 : memref<640x128xf32, #tpu.memory_space<vmem_shared>>)
      tpu.yield
    }) : () -> ()
    %barrier3A_45 = arith.constant 0 : index
    tpu.barrier barrier_id(%barrier3A_45)
    %scan3A_46 = arith.constant 0 : i32
    %scan3A_47 = arith.constant 0 : i32
    %scan3A_48 = arith.constant 108 : i32
    %scan3A_49 = arith.addi %scan3A_47, %scan3A_48 : i32
    %scan3A_50 = arith.constant 1 : i32
    scf.for %scan3A_58 = %scan3A_47 to %scan3A_49 step %scan3A_50  : i32 {
      %mul3A_59 = arith.constant 20736 : i32
      %mul3A_60 = arith.muli %arg1, %mul3A_59 : i32
      %mul3A_61 = arith.constant 192 : i32
      %mul3A_62 = arith.muli %scan3A_58, %mul3A_61 : i32
      %add3A_63 = arith.addi %mul3A_60, %mul3A_62 : i32
      "tpu.region"() ({
        %run_scoped3A = tpu.sem_alloc : memref<!tpu.dma_semaphore, #tpu.memory_space<semaphore_mem>>
        %dma_start3A_83 = tpu.memref_slice %arg4[%add3A_63] : memref<331776xi32, #tpu.memory_space<hbm>> -> memref<192xi32, #tpu.memory_space<hbm>>
        %dma_start3A_84 = tpu.memref_slice %arg4[%add3A_63] : memref<331776xi32, #tpu.memory_space<hbm>> -> memref<192xi32, #tpu.memory_space<hbm>>
        tpu.enqueue_dma source(%dma_start3A_84 : memref<192xi32, #tpu.memory_space<hbm>>) target(%arg12 : memref<192xi32, #tpu.memory_space<vmem>>) target_semaphore(%run_scoped3A : memref<!tpu.dma_semaphore, #tpu.memory_space<semaphore_mem>>)
        %dma_wait3A_85 = tpu.memref_slice %arg4[%add3A_63] : memref<331776xi32, #tpu.memory_space<hbm>> -> memref<192xi32, #tpu.memory_space<hbm>>
        %dma_wait3A_86 = tpu.memref_slice %arg4[%add3A_63] : memref<331776xi32, #tpu.memory_space<hbm>> -> memref<192xi32, #tpu.memory_space<hbm>>
        tpu.wait_dma2 semaphore(%run_scoped3A : memref<!tpu.dma_semaphore, #tpu.memory_space<semaphore_mem>>) src(%dma_wait3A_86 : memref<192xi32, #tpu.memory_space<hbm>>) dst(%arg12 : memref<192xi32, #tpu.memory_space<vmem>>)
        tpu.yield
      }) : () -> ()
      "tpu.region"() ({
        %run_scoped3A = tpu.sem_alloc : memref<!tpu.dma_semaphore, #tpu.memory_space<semaphore_mem>>
        %dma_start3A_83 = tpu.memref_slice %arg5[%add3A_63] : memref<331776xi32, #tpu.memory_space<hbm>> -> memref<192xi32, #tpu.memory_space<hbm>>
        %dma_start3A_84 = tpu.memref_slice %arg5[%add3A_63] : memref<331776xi32, #tpu.memory_space<hbm>> -> memref<192xi32, #tpu.memory_space<hbm>>
        tpu.enqueue_dma source(%dma_start3A_84 : memref<192xi32, #tpu.memory_space<hbm>>) target(%arg13 : memref<192xi32, #tpu.memory_space<vmem>>) target_semaphore(%run_scoped3A : memref<!tpu.dma_semaphore, #tpu.memory_space<semaphore_mem>>)
        %dma_wait3A_85 = tpu.memref_slice %arg5[%add3A_63] : memref<331776xi32, #tpu.memory_space<hbm>> -> memref<192xi32, #tpu.memory_space<hbm>>
        %dma_wait3A_86 = tpu.memref_slice %arg5[%add3A_63] : memref<331776xi32, #tpu.memory_space<hbm>> -> memref<192xi32, #tpu.memory_space<hbm>>
        tpu.wait_dma2 semaphore(%run_scoped3A : memref<!tpu.dma_semaphore, #tpu.memory_space<semaphore_mem>>) src(%dma_wait3A_86 : memref<192xi32, #tpu.memory_space<hbm>>) dst(%arg13 : memref<192xi32, #tpu.memory_space<vmem>>)
        tpu.yield
      }) : () -> ()
      %scan3A_64 = arith.constant 0 : i32
      %scan3A_65 = arith.constant 0 : i32
      %scan3A_66 = arith.constant 12 : i32
      %scan3A_67 = arith.addi %scan3A_65, %scan3A_66 : i32
      %scan3A_68 = arith.constant 1 : i32
      scf.for %scan3A_83 = %scan3A_65 to %scan3A_67 step %scan3A_68  : i32 {
        %mul3A_84 = arith.constant 16 : i32
        %mul3A_85 = arith.muli %scan3A_83, %mul3A_84 : i32
        %iota3A = tpu.iota {dimensions = array<i32: 0>} : vector<16xi32>
        %add3A_86 = vector.broadcast %mul3A_85 : i32 to vector<16xi32>
        %add3A_87 = arith.addi %add3A_86, %iota3A : vector<16xi32>
        %get3A = arith.index_cast %mul3A_85 : i32 to index
        %get3A_88 = tpu.vector_load %arg12[%get3A] {strides = array<i32>} : memref<192xi32, #tpu.memory_space<vmem>>, vector<16xi32>,
        %get3A_89 = arith.index_cast %mul3A_85 : i32 to index
        %get3A_90 = tpu.vector_load %arg13[%get3A_89] {strides = array<i32>} : memref<192xi32, #tpu.memory_space<vmem>>, vector<16xi32>,
        %add3A_91 = vector.broadcast %add3A_63 : i32 to vector<16xi32>
        %add3A_92 = arith.addi %add3A_91, %add3A_87 : vector<16xi32>
        %lt3A = arith.constant 330000 : i32
        %lt3A_93 = vector.broadcast %lt3A : i32 to vector<16xi32>
        %lt3A_94 = arith.cmpi slt, %add3A_92, %lt3A_93 : vector<16xi32>
        %gather3A = tpu.vector_load_idx %arg10[%get3A_88] : memref<10240xf32, #tpu.memory_space<vmem>>[vector<16xi32>], vector<16xf32>,
        %gather3A_95 = tpu.vector_load_idx %arg11[%get3A_90] : memref<10240xf32, #tpu.memory_space<vmem>>[vector<16xi32>], vector<16xf32>,
        %add3A_96 = arith.addf %gather3A, %gather3A_95 : vector<16xf32>
        %ge3A = arith.constant 0.000000e+00 : f32
        %ge3A_97 = vector.broadcast %ge3A : f32 to vector<16xf32>
        %ge3A_98 = arith.cmpf oge, %add3A_96, %ge3A_97 : vector<16xf32>
        %mul3A_99 = arith.constant 2.000000e-01 : f32
        %mul3A_100 = vector.broadcast %mul3A_99 : f32 to vector<16xf32>
        %mul3A_101 = arith.mulf %mul3A_100, %add3A_96 : vector<16xf32>
        %select_n3A = arith.select %ge3A_98, %add3A_96, %mul3A_101 : vector<16xi1>, vector<16xf32>
        %exp3A = math.exp %select_n3A : vector<16xf32>
        %jit3A = arith.constant 0.000000e+00 : f32
        %broadcast_in_dim3A = vector.broadcast %jit3A : f32 to vector<16xf32>
        %select_n3A_102 = arith.select %lt3A_94, %exp3A, %broadcast_in_dim3A : vector<16xi1>, vector<16xf32>
        %swap3A = arith.index_cast %mul3A_85 : i32 to index
        %swap3A_103 = tpu.vector_load %arg15[%swap3A] {strides = array<i32>} : memref<192xf32, #tpu.memory_space<vmem>>, vector<16xf32>,
        tpu.vector_store %arg15[%swap3A], %select_n3A_102 {strides = array<i32>} : memref<192xf32, #tpu.memory_space<vmem>>, vector<16xf32>,
        %mul3A_104 = arith.constant 10240 : i32
        %mul3A_105 = arith.muli %add3A_30, %mul3A_104 : i32
        %add3A_106 = vector.broadcast %mul3A_105 : i32 to vector<16xi32>
        %add3A_107 = arith.addi %get3A_88, %add3A_106 : vector<16xi32>
        %swap3A_108 = arith.index_cast %mul3A_85 : i32 to index
        %swap3A_109 = tpu.vector_load %arg14[%swap3A_108] {strides = array<i32>} : memref<192xi32, #tpu.memory_space<vmem>>, vector<16xi32>,
        tpu.vector_store %arg14[%swap3A_108], %add3A_107 {strides = array<i32>} : memref<192xi32, #tpu.memory_space<vmem>>, vector<16xi32>,
      }
      %scan3A_69 = arith.constant 12 : i32
      %mul3A_70 = arith.constant 331776 : i32
      %mul3A_71 = arith.muli %add3A_30, %mul3A_70 : i32
      %add3A_72 = arith.addi %mul3A_71, %add3A_63 : i32
      "tpu.region"() ({
        %run_scoped3A = tpu.sem_alloc : memref<!tpu.dma_semaphore, #tpu.memory_space<semaphore_mem>>
        %dma_start3A_83 = tpu.memref_slice %arg8[%add3A_72] : memref<1327104xf32, #tpu.memory_space<hbm>> -> memref<192xf32, #tpu.memory_space<hbm>>
        %dma_start3A_84 = tpu.memref_slice %arg8[%add3A_72] : memref<1327104xf32, #tpu.memory_space<hbm>> -> memref<192xf32, #tpu.memory_space<hbm>>
        tpu.enqueue_dma source(%arg15 : memref<192xf32, #tpu.memory_space<vmem>>) target(%dma_start3A_84 : memref<192xf32, #tpu.memory_space<hbm>>) target_semaphore(%run_scoped3A : memref<!tpu.dma_semaphore, #tpu.memory_space<semaphore_mem>>)
        %dma_wait3A_85 = tpu.memref_slice %arg8[%add3A_72] : memref<1327104xf32, #tpu.memory_space<hbm>> -> memref<192xf32, #tpu.memory_space<hbm>>
        %dma_wait3A_86 = tpu.memref_slice %arg8[%add3A_72] : memref<1327104xf32, #tpu.memory_space<hbm>> -> memref<192xf32, #tpu.memory_space<hbm>>
        tpu.wait_dma2 semaphore(%run_scoped3A : memref<!tpu.dma_semaphore, #tpu.memory_space<semaphore_mem>>) src(%arg15 : memref<192xf32, #tpu.memory_space<vmem>>) dst(%dma_wait3A_86 : memref<192xf32, #tpu.memory_space<hbm>>)
        tpu.yield
      }) : () -> ()
      %dma_start3A = arith.constant 0 : i32
      %dma_start3A_73 = arith.constant 0 : i32
      %dma_start3A_74 = tpu.memref_slice %arg2[%dma_start3A, %dma_start3A_73] : memref<40960x128xf32, #tpu.memory_space<hbm>> -> memref<40960x128xf32, #tpu.memory_space<hbm>>
      tpu.enqueue_indirect_dma source(%dma_start3A_74 : memref<40960x128xf32, #tpu.memory_space<hbm>>) target(%arg16 : memref<192x128xf32, #tpu.memory_space<vmem>>) offsets(%arg14 : memref<192xi32, #tpu.memory_space<vmem>>) semaphore(%arg17 : memref<!tpu.dma_semaphore, #tpu.memory_space<semaphore_mem>>)
      %dma_wait3A = arith.constant 0 : i32
      %dma_wait3A_75 = arith.constant 0 : i32
      %dma_wait3A_76 = tpu.memref_slice %arg2[%dma_wait3A, %dma_wait3A_75] : memref<40960x128xf32, #tpu.memory_space<hbm>> -> memref<40960x128xf32, #tpu.memory_space<hbm>>
      tpu.wait_indirect_dma semaphore(%arg17 : memref<!tpu.dma_semaphore, #tpu.memory_space<semaphore_mem>>) src(%dma_wait3A_76 : memref<40960x128xf32, #tpu.memory_space<hbm>>) dst(%arg16 : memref<192x128xf32, #tpu.memory_space<vmem>>)
      %scan3A_77 = arith.constant 0 : i32
      %scan3A_78 = arith.constant 0 : i32
      %scan3A_79 = arith.constant 192 : i32
      %scan3A_80 = arith.addi %scan3A_78, %scan3A_79 : i32
      %scan3A_81 = arith.constant 1 : i32
      scf.for %scan3A_83 = %scan3A_78 to %scan3A_80 step %scan3A_81  : i32 {
        %broadcast_in_dim3A = vector.broadcast %scan3A_83 : i32 to vector<16xi32>
        %gather3A = tpu.vector_load_idx %arg15[%broadcast_in_dim3A] : memref<192xf32, #tpu.memory_space<vmem>>[vector<16xi32>], vector<16xf32>,
        %get3A = arith.index_cast %scan3A_83 : i32 to index
        %get3A_84 = arith.constant 0 : index
        %get3A_85 = tpu.vector_load %arg16[%get3A, %get3A_84] {strides = array<i32>} : memref<192x128xf32, #tpu.memory_space<vmem>>, vector<16xf32>,
        %mul3A_86 = arith.mulf %get3A_85, %gather3A : vector<16xf32>
        %swap3A = arith.index_cast %scan3A_83 : i32 to index
        %swap3A_87 = arith.constant 0 : index
        %swap3A_88 = tpu.vector_load %arg16[%swap3A, %swap3A_87] {strides = array<i32>} : memref<192x128xf32, #tpu.memory_space<vmem>>, vector<16xf32>,
        tpu.vector_store %arg16[%swap3A, %swap3A_87], %mul3A_86 {strides = array<i32>} : memref<192x128xf32, #tpu.memory_space<vmem>>, vector<16xf32>,
        %get3A_89 = arith.index_cast %scan3A_83 : i32 to index
        %get3A_90 = arith.constant 16 : index
        %get3A_91 = tpu.vector_load %arg16[%get3A_89, %get3A_90] {strides = array<i32>} : memref<192x128xf32, #tpu.memory_space<vmem>>, vector<16xf32>,
        %mul3A_92 = arith.mulf %get3A_91, %gather3A : vector<16xf32>
        %swap3A_93 = arith.index_cast %scan3A_83 : i32 to index
        %swap3A_94 = arith.constant 16 : index
        %swap3A_95 = tpu.vector_load %arg16[%swap3A_93, %swap3A_94] {strides = array<i32>} : memref<192x128xf32, #tpu.memory_space<vmem>>, vector<16xf32>,
        tpu.vector_store %arg16[%swap3A_93, %swap3A_94], %mul3A_92 {strides = array<i32>} : memref<192x128xf32, #tpu.memory_space<vmem>>, vector<16xf32>,
        %get3A_96 = arith.index_cast %scan3A_83 : i32 to index
        %get3A_97 = arith.constant 32 : index
        %get3A_98 = tpu.vector_load %arg16[%get3A_96, %get3A_97] {strides = array<i32>} : memref<192x128xf32, #tpu.memory_space<vmem>>, vector<16xf32>,
        %mul3A_99 = arith.mulf %get3A_98, %gather3A : vector<16xf32>
        %swap3A_100 = arith.index_cast %scan3A_83 : i32 to index
        %swap3A_101 = arith.constant 32 : index
        %swap3A_102 = tpu.vector_load %arg16[%swap3A_100, %swap3A_101] {strides = array<i32>} : memref<192x128xf32, #tpu.memory_space<vmem>>, vector<16xf32>,
        tpu.vector_store %arg16[%swap3A_100, %swap3A_101], %mul3A_99 {strides = array<i32>} : memref<192x128xf32, #tpu.memory_space<vmem>>, vector<16xf32>,
        %get3A_103 = arith.index_cast %scan3A_83 : i32 to index
        %get3A_104 = arith.constant 48 : index
        %get3A_105 = tpu.vector_load %arg16[%get3A_103, %get3A_104] {strides = array<i32>} : memref<192x128xf32, #tpu.memory_space<vmem>>, vector<16xf32>,
        %mul3A_106 = arith.mulf %get3A_105, %gather3A : vector<16xf32>
        %swap3A_107 = arith.index_cast %scan3A_83 : i32 to index
        %swap3A_108 = arith.constant 48 : index
        %swap3A_109 = tpu.vector_load %arg16[%swap3A_107, %swap3A_108] {strides = array<i32>} : memref<192x128xf32, #tpu.memory_space<vmem>>, vector<16xf32>,
        tpu.vector_store %arg16[%swap3A_107, %swap3A_108], %mul3A_106 {strides = array<i32>} : memref<192x128xf32, #tpu.memory_space<vmem>>, vector<16xf32>,
        %get3A_110 = arith.index_cast %scan3A_83 : i32 to index
        %get3A_111 = arith.constant 64 : index
        %get3A_112 = tpu.vector_load %arg16[%get3A_110, %get3A_111] {strides = array<i32>} : memref<192x128xf32, #tpu.memory_space<vmem>>, vector<16xf32>,
        %mul3A_113 = arith.mulf %get3A_112, %gather3A : vector<16xf32>
        %swap3A_114 = arith.index_cast %scan3A_83 : i32 to index
        %swap3A_115 = arith.constant 64 : index
        %swap3A_116 = tpu.vector_load %arg16[%swap3A_114, %swap3A_115] {strides = array<i32>} : memref<192x128xf32, #tpu.memory_space<vmem>>, vector<16xf32>,
        tpu.vector_store %arg16[%swap3A_114, %swap3A_115], %mul3A_113 {strides = array<i32>} : memref<192x128xf32, #tpu.memory_space<vmem>>, vector<16xf32>,
        %get3A_117 = arith.index_cast %scan3A_83 : i32 to index
        %get3A_118 = arith.constant 80 : index
        %get3A_119 = tpu.vector_load %arg16[%get3A_117, %get3A_118] {strides = array<i32>} : memref<192x128xf32, #tpu.memory_space<vmem>>, vector<16xf32>,
        %mul3A_120 = arith.mulf %get3A_119, %gather3A : vector<16xf32>
        %swap3A_121 = arith.index_cast %scan3A_83 : i32 to index
        %swap3A_122 = arith.constant 80 : index
        %swap3A_123 = tpu.vector_load %arg16[%swap3A_121, %swap3A_122] {strides = array<i32>} : memref<192x128xf32, #tpu.memory_space<vmem>>, vector<16xf32>,
        tpu.vector_store %arg16[%swap3A_121, %swap3A_122], %mul3A_120 {strides = array<i32>} : memref<192x128xf32, #tpu.memory_space<vmem>>, vector<16xf32>,
        %get3A_124 = arith.index_cast %scan3A_83 : i32 to index
        %get3A_125 = arith.constant 96 : index
        %get3A_126 = tpu.vector_load %arg16[%get3A_124, %get3A_125] {strides = array<i32>} : memref<192x128xf32, #tpu.memory_space<vmem>>, vector<16xf32>,
        %mul3A_127 = arith.mulf %get3A_126, %gather3A : vector<16xf32>
        %swap3A_128 = arith.index_cast %scan3A_83 : i32 to index
        %swap3A_129 = arith.constant 96 : index
        %swap3A_130 = tpu.vector_load %arg16[%swap3A_128, %swap3A_129] {strides = array<i32>} : memref<192x128xf32, #tpu.memory_space<vmem>>, vector<16xf32>,
        tpu.vector_store %arg16[%swap3A_128, %swap3A_129], %mul3A_127 {strides = array<i32>} : memref<192x128xf32, #tpu.memory_space<vmem>>, vector<16xf32>,
        %get3A_131 = arith.index_cast %scan3A_83 : i32 to index
        %get3A_132 = arith.constant 112 : index
        %get3A_133 = tpu.vector_load %arg16[%get3A_131, %get3A_132] {strides = array<i32>} : memref<192x128xf32, #tpu.memory_space<vmem>>, vector<16xf32>,
        %mul3A_134 = arith.mulf %get3A_133, %gather3A : vector<16xf32>
        %swap3A_135 = arith.index_cast %scan3A_83 : i32 to index
        %swap3A_136 = arith.constant 112 : index
        %swap3A_137 = tpu.vector_load %arg16[%swap3A_135, %swap3A_136] {strides = array<i32>} : memref<192x128xf32, #tpu.memory_space<vmem>>, vector<16xf32>,
        tpu.vector_store %arg16[%swap3A_135, %swap3A_136], %mul3A_134 {strides = array<i32>} : memref<192x128xf32, #tpu.memory_space<vmem>>, vector<16xf32>,
      }
      %scan3A_82 = arith.constant 192 : i32
      "tpu.region"() ({
        %run_scoped3A = tpu.sem_alloc : memref<!tpu.dma_semaphore, #tpu.memory_space<semaphore_mem>>
        %dma_start3A_83 = arith.constant 0 : i32
        %dma_start3A_84 = arith.constant 0 : i32
        %dma_start3A_85 = tpu.memref_slice %arg9[%dma_start3A_83, %dma_start3A_84] : memref<10240x128xf32, #tpu.memory_space<vmem_shared>> -> memref<10240x128xf32, #tpu.memory_space<vmem_shared>>
        tpu.enqueue_indirect_dma source(%arg16 : memref<192x128xf32, #tpu.memory_space<vmem>>) target(%dma_start3A_85 : memref<10240x128xf32, #tpu.memory_space<vmem_shared>>) offsets(%arg13 : memref<192xi32, #tpu.memory_space<vmem>>) semaphore(%run_scoped3A : memref<!tpu.dma_semaphore, #tpu.memory_space<semaphore_mem>>) {add = true}
        %dma_wait3A_86 = arith.constant 0 : i32
        %dma_wait3A_87 = arith.constant 0 : i32
        %dma_wait3A_88 = tpu.memref_slice %arg9[%dma_wait3A_86, %dma_wait3A_87] : memref<10240x128xf32, #tpu.memory_space<vmem_shared>> -> memref<10240x128xf32, #tpu.memory_space<vmem_shared>>
        tpu.wait_indirect_dma semaphore(%run_scoped3A : memref<!tpu.dma_semaphore, #tpu.memory_space<semaphore_mem>>) src(%arg16 : memref<192x128xf32, #tpu.memory_space<vmem>>) dst(%dma_wait3A_88 : memref<10240x128xf32, #tpu.memory_space<vmem_shared>>)
        tpu.yield
      }) : () -> ()
    }
    %scan3A_51 = arith.constant 108 : i32
    %barrier3A_52 = arith.constant 0 : index
    tpu.barrier barrier_id(%barrier3A_52)
    %mul3A_53 = arith.constant 640 : i32
    %mul3A_54 = arith.muli %arg1, %mul3A_53 : i32
    %mul3A_55 = arith.constant 640 : i32
    %mul3A_56 = arith.muli %arg1, %mul3A_55 : i32
    "tpu.region"() ({
      %run_scoped3A = tpu.sem_alloc : memref<!tpu.dma_semaphore, #tpu.memory_space<semaphore_mem>>
      %dma_start3A = arith.constant 0 : i32
      %dma_start3A_58 = tpu.memref_slice %arg7[%add3A_30, %mul3A_56, %dma_start3A] : memref<4x10240x128xf32, #tpu.memory_space<hbm>> -> memref<1x640x128xf32, #tpu.memory_space<hbm>>
      %dma_start3A_59 = tpu.memref_squeeze %dma_start3A_58 : memref<1x640x128xf32, #tpu.memory_space<hbm>> -> memref<640x128xf32, #tpu.memory_space<hbm>>
      %dma_start3A_60 = arith.constant 0 : i32
      %dma_start3A_61 = tpu.memref_slice %arg9[%mul3A_54, %dma_start3A_60] : memref<10240x128xf32, #tpu.memory_space<vmem_shared>> -> memref<640x128xf32, #tpu.memory_space<vmem_shared>>
      tpu.enqueue_dma source(%dma_start3A_61 : memref<640x128xf32, #tpu.memory_space<vmem_shared>>) target(%dma_start3A_59 : memref<640x128xf32, #tpu.memory_space<hbm>>) target_semaphore(%run_scoped3A : memref<!tpu.dma_semaphore, #tpu.memory_space<semaphore_mem>>)
      %dma_wait3A = arith.constant 0 : i32
      %dma_wait3A_62 = tpu.memref_slice %arg7[%add3A_30, %mul3A_56, %dma_wait3A] : memref<4x10240x128xf32, #tpu.memory_space<hbm>> -> memref<1x640x128xf32, #tpu.memory_space<hbm>>
      %dma_wait3A_63 = tpu.memref_squeeze %dma_wait3A_62 : memref<1x640x128xf32, #tpu.memory_space<hbm>> -> memref<640x128xf32, #tpu.memory_space<hbm>>
      %dma_wait3A_64 = arith.constant 0 : i32
      %dma_wait3A_65 = tpu.memref_slice %arg9[%mul3A_54, %dma_wait3A_64] : memref<10240x128xf32, #tpu.memory_space<vmem_shared>> -> memref<640x128xf32, #tpu.memory_space<vmem_shared>>
      tpu.wait_dma2 semaphore(%run_scoped3A : memref<!tpu.dma_semaphore, #tpu.memory_space<semaphore_mem>>) src(%dma_wait3A_65 : memref<640x128xf32, #tpu.memory_space<vmem_shared>>) dst(%dma_wait3A_63 : memref<640x128xf32, #tpu.memory_space<hbm>>)
      tpu.yield
    }) : () -> ()
    %barrier3A_57 = arith.constant 0 : index
    tpu.barrier barrier_id(%barrier3A_57)
    return
  }
}

#map = affine_map<(d0, d1) -> (0, 0)>
#map1 = affine_map<(d0, d1) -> (0)>
#map2 = affine_map<(d0, d1) -> (0, 0, 0)>
module attributes {stable_mosaic.version = 14 : i64} {
  func.func @_num_body(%arg0: i32, %arg1: i32, %arg2: memref<40960x128xf32, #tpu.memory_space<hbm>>, %arg3: memref<163840xf32, #tpu.memory_space<hbm>>, %arg4: memref<331776xi32, #tpu.memory_space<hbm>>, %arg5: memref<331776xi32, #tpu.memory_space<hbm>>, %arg6: memref<10240x128xf32, #tpu.memory_space<hbm>>, %arg7: memref<4x10240x128xf32, #tpu.memory_space<hbm>>, %arg8: memref<1327104xf32, #tpu.memory_space<hbm>>, %arg9: memref<10240x128xf32, #tpu.memory_space<vmem_shared>>, %arg10: memref<10240xf32, #tpu.memory_space<vmem>>, %arg11: memref<10240xf32, #tpu.memory_space<vmem>>, %arg12: memref<192xi32, #tpu.memory_space<vmem>>, %arg13: memref<192xi32, #tpu.memory_space<vmem>>, %arg14: memref<192xi32, #tpu.memory_space<vmem>>, %arg15: memref<192xf32, #tpu.memory_space<vmem>>, %arg16: memref<192x128xf32, #tpu.memory_space<vmem>>, %arg17: memref<!tpu.dma_semaphore, #tpu.memory_space<semaphore_mem>>) attributes {dimension_semantics = [#tpu.dimension_semantics<core_parallel>, #tpu.dimension_semantics<subcore_parallel>], iteration_bounds = array<i64: 2, 16>, scalar_prefetch = 0 : i64, scratch_operands = 9 : i64, tpu.core_type = #tpu.core_type<sc_vector_subcore>, window_params = [{transform_indices = #map}, {transform_indices = #map1}, {transform_indices = #map1}, {transform_indices = #map1}, {transform_indices = #map}, {transform_indices = #map2}, {transform_indices = #map1}]} {
    %mul3A = arith.constant 2 : i32
    %mul3A_0 = arith.muli %mul3A, %arg0 : i32
    %add3A = arith.constant 0 : i32
    %add3A_1 = arith.addi %mul3A_0, %add3A : i32
    %mul3A_2 = arith.constant 2 : i32
    %mul3A_3 = arith.muli %mul3A_2, %add3A_1 : i32
    %mul3A_4 = arith.constant 10240 : i32
    %mul3A_5 = arith.muli %mul3A_3, %mul3A_4 : i32
    "tpu.region"() ({
      %run_scoped3A = tpu.sem_alloc : memref<!tpu.dma_semaphore, #tpu.memory_space<semaphore_mem>>
      %dma_start3A = tpu.memref_slice %arg3[%mul3A_5] : memref<163840xf32, #tpu.memory_space<hbm>> -> memref<10240xf32, #tpu.memory_space<hbm>>
      %dma_start3A_58 = tpu.memref_slice %arg3[%mul3A_5] : memref<163840xf32, #tpu.memory_space<hbm>> -> memref<10240xf32, #tpu.memory_space<hbm>>
      tpu.enqueue_dma source(%dma_start3A_58 : memref<10240xf32, #tpu.memory_space<hbm>>) target(%arg10 : memref<10240xf32, #tpu.memory_space<vmem>>) target_semaphore(%run_scoped3A : memref<!tpu.dma_semaphore, #tpu.memory_space<semaphore_mem>>)
      %dma_wait3A = tpu.memref_slice %arg3[%mul3A_5] : memref<163840xf32, #tpu.memory_space<hbm>> -> memref<10240xf32, #tpu.memory_space<hbm>>
      %dma_wait3A_59 = tpu.memref_slice %arg3[%mul3A_5] : memref<163840xf32, #tpu.memory_space<hbm>> -> memref<10240xf32, #tpu.memory_space<hbm>>
      tpu.wait_dma2 semaphore(%run_scoped3A : memref<!tpu.dma_semaphore, #tpu.memory_space<semaphore_mem>>) src(%dma_wait3A_59 : memref<10240xf32, #tpu.memory_space<hbm>>) dst(%arg10 : memref<10240xf32, #tpu.memory_space<vmem>>)
      tpu.yield
    }) : () -> ()
    %mul3A_6 = arith.constant 2 : i32
    %mul3A_7 = arith.muli %mul3A_6, %add3A_1 : i32
    %add3A_8 = arith.constant 1 : i32
    %add3A_9 = arith.addi %mul3A_7, %add3A_8 : i32
    %mul3A_10 = arith.constant 10240 : i32
    %mul3A_11 = arith.muli %add3A_9, %mul3A_10 : i32
    "tpu.region"() ({
      %run_scoped3A = tpu.sem_alloc : memref<!tpu.dma_semaphore, #tpu.memory_space<semaphore_mem>>
      %dma_start3A = tpu.memref_slice %arg3[%mul3A_11] : memref<163840xf32, #tpu.memory_space<hbm>> -> memref<10240xf32, #tpu.memory_space<hbm>>
      %dma_start3A_58 = tpu.memref_slice %arg3[%mul3A_11] : memref<163840xf32, #tpu.memory_space<hbm>> -> memref<10240xf32, #tpu.memory_space<hbm>>
      tpu.enqueue_dma source(%dma_start3A_58 : memref<10240xf32, #tpu.memory_space<hbm>>) target(%arg11 : memref<10240xf32, #tpu.memory_space<vmem>>) target_semaphore(%run_scoped3A : memref<!tpu.dma_semaphore, #tpu.memory_space<semaphore_mem>>)
      %dma_wait3A = tpu.memref_slice %arg3[%mul3A_11] : memref<163840xf32, #tpu.memory_space<hbm>> -> memref<10240xf32, #tpu.memory_space<hbm>>
      %dma_wait3A_59 = tpu.memref_slice %arg3[%mul3A_11] : memref<163840xf32, #tpu.memory_space<hbm>> -> memref<10240xf32, #tpu.memory_space<hbm>>
      tpu.wait_dma2 semaphore(%run_scoped3A : memref<!tpu.dma_semaphore, #tpu.memory_space<semaphore_mem>>) src(%dma_wait3A_59 : memref<10240xf32, #tpu.memory_space<hbm>>) dst(%arg11 : memref<10240xf32, #tpu.memory_space<vmem>>)
      tpu.yield
    }) : () -> ()
    %mul3A_12 = arith.constant 640 : i32
    %mul3A_13 = arith.muli %arg1, %mul3A_12 : i32
    %mul3A_14 = arith.constant 640 : i32
    %mul3A_15 = arith.muli %arg1, %mul3A_14 : i32
    "tpu.region"() ({
      %run_scoped3A = tpu.sem_alloc : memref<!tpu.dma_semaphore, #tpu.memory_space<semaphore_mem>>
      %dma_start3A = arith.constant 0 : i32
      %dma_start3A_58 = tpu.memref_slice %arg9[%mul3A_15, %dma_start3A] : memref<10240x128xf32, #tpu.memory_space<vmem_shared>> -> memref<640x128xf32, #tpu.memory_space<vmem_shared>>
      %dma_start3A_59 = arith.constant 0 : i32
      %dma_start3A_60 = tpu.memref_slice %arg6[%mul3A_13, %dma_start3A_59] : memref<10240x128xf32, #tpu.memory_space<hbm>> -> memref<640x128xf32, #tpu.memory_space<hbm>>
      tpu.enqueue_dma source(%dma_start3A_60 : memref<640x128xf32, #tpu.memory_space<hbm>>) target(%dma_start3A_58 : memref<640x128xf32, #tpu.memory_space<vmem_shared>>) target_semaphore(%run_scoped3A : memref<!tpu.dma_semaphore, #tpu.memory_space<semaphore_mem>>)
      %dma_wait3A = arith.constant 0 : i32
      %dma_wait3A_61 = tpu.memref_slice %arg9[%mul3A_15, %dma_wait3A] : memref<10240x128xf32, #tpu.memory_space<vmem_shared>> -> memref<640x128xf32, #tpu.memory_space<vmem_shared>>
      %dma_wait3A_62 = arith.constant 0 : i32
      %dma_wait3A_63 = tpu.memref_slice %arg6[%mul3A_13, %dma_wait3A_62] : memref<10240x128xf32, #tpu.memory_space<hbm>> -> memref<640x128xf32, #tpu.memory_space<hbm>>
      tpu.wait_dma2 semaphore(%run_scoped3A : memref<!tpu.dma_semaphore, #tpu.memory_space<semaphore_mem>>) src(%dma_wait3A_63 : memref<640x128xf32, #tpu.memory_space<hbm>>) dst(%dma_wait3A_61 : memref<640x128xf32, #tpu.memory_space<vmem_shared>>)
      tpu.yield
    }) : () -> ()
    %barrier3A = arith.constant 0 : index
    tpu.barrier barrier_id(%barrier3A)
    %scan3A = arith.constant 0 : i32
    %scan3A_16 = arith.constant 0 : i32
    %scan3A_17 = arith.constant 108 : i32
    %scan3A_18 = arith.addi %scan3A_16, %scan3A_17 : i32
    %scan3A_19 = arith.constant 1 : i32
    scf.for %scan3A_58 = %scan3A_16 to %scan3A_18 step %scan3A_19  : i32 {
      %mul3A_59 = arith.constant 20736 : i32
      %mul3A_60 = arith.muli %arg1, %mul3A_59 : i32
      %mul3A_61 = arith.constant 192 : i32
      %mul3A_62 = arith.muli %scan3A_58, %mul3A_61 : i32
      %add3A_63 = arith.addi %mul3A_60, %mul3A_62 : i32
      "tpu.region"() ({
        %run_scoped3A = tpu.sem_alloc : memref<!tpu.dma_semaphore, #tpu.memory_space<semaphore_mem>>
        %dma_start3A_83 = tpu.memref_slice %arg4[%add3A_63] : memref<331776xi32, #tpu.memory_space<hbm>> -> memref<192xi32, #tpu.memory_space<hbm>>
        %dma_start3A_84 = tpu.memref_slice %arg4[%add3A_63] : memref<331776xi32, #tpu.memory_space<hbm>> -> memref<192xi32, #tpu.memory_space<hbm>>
        tpu.enqueue_dma source(%dma_start3A_84 : memref<192xi32, #tpu.memory_space<hbm>>) target(%arg12 : memref<192xi32, #tpu.memory_space<vmem>>) target_semaphore(%run_scoped3A : memref<!tpu.dma_semaphore, #tpu.memory_space<semaphore_mem>>)
        %dma_wait3A_85 = tpu.memref_slice %arg4[%add3A_63] : memref<331776xi32, #tpu.memory_space<hbm>> -> memref<192xi32, #tpu.memory_space<hbm>>
        %dma_wait3A_86 = tpu.memref_slice %arg4[%add3A_63] : memref<331776xi32, #tpu.memory_space<hbm>> -> memref<192xi32, #tpu.memory_space<hbm>>
        tpu.wait_dma2 semaphore(%run_scoped3A : memref<!tpu.dma_semaphore, #tpu.memory_space<semaphore_mem>>) src(%dma_wait3A_86 : memref<192xi32, #tpu.memory_space<hbm>>) dst(%arg12 : memref<192xi32, #tpu.memory_space<vmem>>)
        tpu.yield
      }) : () -> ()
      "tpu.region"() ({
        %run_scoped3A = tpu.sem_alloc : memref<!tpu.dma_semaphore, #tpu.memory_space<semaphore_mem>>
        %dma_start3A_83 = tpu.memref_slice %arg5[%add3A_63] : memref<331776xi32, #tpu.memory_space<hbm>> -> memref<192xi32, #tpu.memory_space<hbm>>
        %dma_start3A_84 = tpu.memref_slice %arg5[%add3A_63] : memref<331776xi32, #tpu.memory_space<hbm>> -> memref<192xi32, #tpu.memory_space<hbm>>
        tpu.enqueue_dma source(%dma_start3A_84 : memref<192xi32, #tpu.memory_space<hbm>>) target(%arg13 : memref<192xi32, #tpu.memory_space<vmem>>) target_semaphore(%run_scoped3A : memref<!tpu.dma_semaphore, #tpu.memory_space<semaphore_mem>>)
        %dma_wait3A_85 = tpu.memref_slice %arg5[%add3A_63] : memref<331776xi32, #tpu.memory_space<hbm>> -> memref<192xi32, #tpu.memory_space<hbm>>
        %dma_wait3A_86 = tpu.memref_slice %arg5[%add3A_63] : memref<331776xi32, #tpu.memory_space<hbm>> -> memref<192xi32, #tpu.memory_space<hbm>>
        tpu.wait_dma2 semaphore(%run_scoped3A : memref<!tpu.dma_semaphore, #tpu.memory_space<semaphore_mem>>) src(%dma_wait3A_86 : memref<192xi32, #tpu.memory_space<hbm>>) dst(%arg13 : memref<192xi32, #tpu.memory_space<vmem>>)
        tpu.yield
      }) : () -> ()
      %scan3A_64 = arith.constant 0 : i32
      %scan3A_65 = arith.constant 0 : i32
      %scan3A_66 = arith.constant 12 : i32
      %scan3A_67 = arith.addi %scan3A_65, %scan3A_66 : i32
      %scan3A_68 = arith.constant 1 : i32
      scf.for %scan3A_83 = %scan3A_65 to %scan3A_67 step %scan3A_68  : i32 {
        %mul3A_84 = arith.constant 16 : i32
        %mul3A_85 = arith.muli %scan3A_83, %mul3A_84 : i32
        %iota3A = tpu.iota {dimensions = array<i32: 0>} : vector<16xi32>
        %add3A_86 = vector.broadcast %mul3A_85 : i32 to vector<16xi32>
        %add3A_87 = arith.addi %add3A_86, %iota3A : vector<16xi32>
        %get3A = arith.index_cast %mul3A_85 : i32 to index
        %get3A_88 = tpu.vector_load %arg12[%get3A] {strides = array<i32>} : memref<192xi32, #tpu.memory_space<vmem>>, vector<16xi32>,
        %get3A_89 = arith.index_cast %mul3A_85 : i32 to index
        %get3A_90 = tpu.vector_load %arg13[%get3A_89] {strides = array<i32>} : memref<192xi32, #tpu.memory_space<vmem>>, vector<16xi32>,
        %add3A_91 = vector.broadcast %add3A_63 : i32 to vector<16xi32>
        %add3A_92 = arith.addi %add3A_91, %add3A_87 : vector<16xi32>
        %lt3A = arith.constant 330000 : i32
        %lt3A_93 = vector.broadcast %lt3A : i32 to vector<16xi32>
        %lt3A_94 = arith.cmpi slt, %add3A_92, %lt3A_93 : vector<16xi32>
        %gather3A = tpu.vector_load_idx %arg10[%get3A_88] : memref<10240xf32, #tpu.memory_space<vmem>>[vector<16xi32>], vector<16xf32>,
        %gather3A_95 = tpu.vector_load_idx %arg11[%get3A_90] : memref<10240xf32, #tpu.memory_space<vmem>>[vector<16xi32>], vector<16xf32>,
        %add3A_96 = arith.addf %gather3A, %gather3A_95 : vector<16xf32>
        %ge3A = arith.constant 0.000000e+00 : f32
        %ge3A_97 = vector.broadcast %ge3A : f32 to vector<16xf32>
        %ge3A_98 = arith.cmpf oge, %add3A_96, %ge3A_97 : vector<16xf32>
        %mul3A_99 = arith.constant 2.000000e-01 : f32
        %mul3A_100 = vector.broadcast %mul3A_99 : f32 to vector<16xf32>
        %mul3A_101 = arith.mulf %mul3A_100, %add3A_96 : vector<16xf32>
        %select_n3A = arith.select %ge3A_98, %add3A_96, %mul3A_101 : vector<16xi1>, vector<16xf32>
        %exp3A = math.exp %select_n3A : vector<16xf32>
        %jit3A = arith.constant 0.000000e+00 : f32
        %broadcast_in_dim3A = vector.broadcast %jit3A : f32 to vector<16xf32>
        %select_n3A_102 = arith.select %lt3A_94, %exp3A, %broadcast_in_dim3A : vector<16xi1>, vector<16xf32>
        %swap3A = arith.index_cast %mul3A_85 : i32 to index
        %swap3A_103 = tpu.vector_load %arg15[%swap3A] {strides = array<i32>} : memref<192xf32, #tpu.memory_space<vmem>>, vector<16xf32>,
        tpu.vector_store %arg15[%swap3A], %select_n3A_102 {strides = array<i32>} : memref<192xf32, #tpu.memory_space<vmem>>, vector<16xf32>,
        %mul3A_104 = arith.constant 10240 : i32
        %mul3A_105 = arith.muli %add3A_1, %mul3A_104 : i32
        %add3A_106 = vector.broadcast %mul3A_105 : i32 to vector<16xi32>
        %add3A_107 = arith.addi %get3A_88, %add3A_106 : vector<16xi32>
        %swap3A_108 = arith.index_cast %mul3A_85 : i32 to index
        %swap3A_109 = tpu.vector_load %arg14[%swap3A_108] {strides = array<i32>} : memref<192xi32, #tpu.memory_space<vmem>>, vector<16xi32>,
        tpu.vector_store %arg14[%swap3A_108], %add3A_107 {strides = array<i32>} : memref<192xi32, #tpu.memory_space<vmem>>, vector<16xi32>,
      }
      %scan3A_69 = arith.constant 12 : i32
      %mul3A_70 = arith.constant 331776 : i32
      %mul3A_71 = arith.muli %add3A_1, %mul3A_70 : i32
      %add3A_72 = arith.addi %mul3A_71, %add3A_63 : i32
      "tpu.region"() ({
        %run_scoped3A = tpu.sem_alloc : memref<!tpu.dma_semaphore, #tpu.memory_space<semaphore_mem>>
        %dma_start3A_83 = tpu.memref_slice %arg8[%add3A_72] : memref<1327104xf32, #tpu.memory_space<hbm>> -> memref<192xf32, #tpu.memory_space<hbm>>
        %dma_start3A_84 = tpu.memref_slice %arg8[%add3A_72] : memref<1327104xf32, #tpu.memory_space<hbm>> -> memref<192xf32, #tpu.memory_space<hbm>>
        tpu.enqueue_dma source(%arg15 : memref<192xf32, #tpu.memory_space<vmem>>) target(%dma_start3A_84 : memref<192xf32, #tpu.memory_space<hbm>>) target_semaphore(%run_scoped3A : memref<!tpu.dma_semaphore, #tpu.memory_space<semaphore_mem>>)
        %dma_wait3A_85 = tpu.memref_slice %arg8[%add3A_72] : memref<1327104xf32, #tpu.memory_space<hbm>> -> memref<192xf32, #tpu.memory_space<hbm>>
        %dma_wait3A_86 = tpu.memref_slice %arg8[%add3A_72] : memref<1327104xf32, #tpu.memory_space<hbm>> -> memref<192xf32, #tpu.memory_space<hbm>>
        tpu.wait_dma2 semaphore(%run_scoped3A : memref<!tpu.dma_semaphore, #tpu.memory_space<semaphore_mem>>) src(%arg15 : memref<192xf32, #tpu.memory_space<vmem>>) dst(%dma_wait3A_86 : memref<192xf32, #tpu.memory_space<hbm>>)
        tpu.yield
      }) : () -> ()
      %dma_start3A = arith.constant 0 : i32
      %dma_start3A_73 = arith.constant 0 : i32
      %dma_start3A_74 = tpu.memref_slice %arg2[%dma_start3A, %dma_start3A_73] : memref<40960x128xf32, #tpu.memory_space<hbm>> -> memref<40960x128xf32, #tpu.memory_space<hbm>>
      tpu.enqueue_indirect_dma source(%dma_start3A_74 : memref<40960x128xf32, #tpu.memory_space<hbm>>) target(%arg16 : memref<192x128xf32, #tpu.memory_space<vmem>>) offsets(%arg14 : memref<192xi32, #tpu.memory_space<vmem>>) semaphore(%arg17 : memref<!tpu.dma_semaphore, #tpu.memory_space<semaphore_mem>>)
      %dma_wait3A = arith.constant 0 : i32
      %dma_wait3A_75 = arith.constant 0 : i32
      %dma_wait3A_76 = tpu.memref_slice %arg2[%dma_wait3A, %dma_wait3A_75] : memref<40960x128xf32, #tpu.memory_space<hbm>> -> memref<40960x128xf32, #tpu.memory_space<hbm>>
      tpu.wait_indirect_dma semaphore(%arg17 : memref<!tpu.dma_semaphore, #tpu.memory_space<semaphore_mem>>) src(%dma_wait3A_76 : memref<40960x128xf32, #tpu.memory_space<hbm>>) dst(%arg16 : memref<192x128xf32, #tpu.memory_space<vmem>>)
      %scan3A_77 = arith.constant 0 : i32
      %scan3A_78 = arith.constant 0 : i32
      %scan3A_79 = arith.constant 192 : i32
      %scan3A_80 = arith.addi %scan3A_78, %scan3A_79 : i32
      %scan3A_81 = arith.constant 1 : i32
      scf.for %scan3A_83 = %scan3A_78 to %scan3A_80 step %scan3A_81  : i32 {
        %broadcast_in_dim3A = vector.broadcast %scan3A_83 : i32 to vector<16xi32>
        %gather3A = tpu.vector_load_idx %arg15[%broadcast_in_dim3A] : memref<192xf32, #tpu.memory_space<vmem>>[vector<16xi32>], vector<16xf32>,
        %get3A = arith.index_cast %scan3A_83 : i32 to index
        %get3A_84 = arith.constant 0 : index
        %get3A_85 = tpu.vector_load %arg16[%get3A, %get3A_84] {strides = array<i32>} : memref<192x128xf32, #tpu.memory_space<vmem>>, vector<16xf32>,
        %mul3A_86 = arith.mulf %get3A_85, %gather3A : vector<16xf32>
        %swap3A = arith.index_cast %scan3A_83 : i32 to index
        %swap3A_87 = arith.constant 0 : index
        %swap3A_88 = tpu.vector_load %arg16[%swap3A, %swap3A_87] {strides = array<i32>} : memref<192x128xf32, #tpu.memory_space<vmem>>, vector<16xf32>,
        tpu.vector_store %arg16[%swap3A, %swap3A_87], %mul3A_86 {strides = array<i32>} : memref<192x128xf32, #tpu.memory_space<vmem>>, vector<16xf32>,
        %get3A_89 = arith.index_cast %scan3A_83 : i32 to index
        %get3A_90 = arith.constant 16 : index
        %get3A_91 = tpu.vector_load %arg16[%get3A_89, %get3A_90] {strides = array<i32>} : memref<192x128xf32, #tpu.memory_space<vmem>>, vector<16xf32>,
        %mul3A_92 = arith.mulf %get3A_91, %gather3A : vector<16xf32>
        %swap3A_93 = arith.index_cast %scan3A_83 : i32 to index
        %swap3A_94 = arith.constant 16 : index
        %swap3A_95 = tpu.vector_load %arg16[%swap3A_93, %swap3A_94] {strides = array<i32>} : memref<192x128xf32, #tpu.memory_space<vmem>>, vector<16xf32>,
        tpu.vector_store %arg16[%swap3A_93, %swap3A_94], %mul3A_92 {strides = array<i32>} : memref<192x128xf32, #tpu.memory_space<vmem>>, vector<16xf32>,
        %get3A_96 = arith.index_cast %scan3A_83 : i32 to index
        %get3A_97 = arith.constant 32 : index
        %get3A_98 = tpu.vector_load %arg16[%get3A_96, %get3A_97] {strides = array<i32>} : memref<192x128xf32, #tpu.memory_space<vmem>>, vector<16xf32>,
        %mul3A_99 = arith.mulf %get3A_98, %gather3A : vector<16xf32>
        %swap3A_100 = arith.index_cast %scan3A_83 : i32 to index
        %swap3A_101 = arith.constant 32 : index
        %swap3A_102 = tpu.vector_load %arg16[%swap3A_100, %swap3A_101] {strides = array<i32>} : memref<192x128xf32, #tpu.memory_space<vmem>>, vector<16xf32>,
        tpu.vector_store %arg16[%swap3A_100, %swap3A_101], %mul3A_99 {strides = array<i32>} : memref<192x128xf32, #tpu.memory_space<vmem>>, vector<16xf32>,
        %get3A_103 = arith.index_cast %scan3A_83 : i32 to index
        %get3A_104 = arith.constant 48 : index
        %get3A_105 = tpu.vector_load %arg16[%get3A_103, %get3A_104] {strides = array<i32>} : memref<192x128xf32, #tpu.memory_space<vmem>>, vector<16xf32>,
        %mul3A_106 = arith.mulf %get3A_105, %gather3A : vector<16xf32>
        %swap3A_107 = arith.index_cast %scan3A_83 : i32 to index
        %swap3A_108 = arith.constant 48 : index
        %swap3A_109 = tpu.vector_load %arg16[%swap3A_107, %swap3A_108] {strides = array<i32>} : memref<192x128xf32, #tpu.memory_space<vmem>>, vector<16xf32>,
        tpu.vector_store %arg16[%swap3A_107, %swap3A_108], %mul3A_106 {strides = array<i32>} : memref<192x128xf32, #tpu.memory_space<vmem>>, vector<16xf32>,
        %get3A_110 = arith.index_cast %scan3A_83 : i32 to index
        %get3A_111 = arith.constant 64 : index
        %get3A_112 = tpu.vector_load %arg16[%get3A_110, %get3A_111] {strides = array<i32>} : memref<192x128xf32, #tpu.memory_space<vmem>>, vector<16xf32>,
        %mul3A_113 = arith.mulf %get3A_112, %gather3A : vector<16xf32>
        %swap3A_114 = arith.index_cast %scan3A_83 : i32 to index
        %swap3A_115 = arith.constant 64 : index
        %swap3A_116 = tpu.vector_load %arg16[%swap3A_114, %swap3A_115] {strides = array<i32>} : memref<192x128xf32, #tpu.memory_space<vmem>>, vector<16xf32>,
        tpu.vector_store %arg16[%swap3A_114, %swap3A_115], %mul3A_113 {strides = array<i32>} : memref<192x128xf32, #tpu.memory_space<vmem>>, vector<16xf32>,
        %get3A_117 = arith.index_cast %scan3A_83 : i32 to index
        %get3A_118 = arith.constant 80 : index
        %get3A_119 = tpu.vector_load %arg16[%get3A_117, %get3A_118] {strides = array<i32>} : memref<192x128xf32, #tpu.memory_space<vmem>>, vector<16xf32>,
        %mul3A_120 = arith.mulf %get3A_119, %gather3A : vector<16xf32>
        %swap3A_121 = arith.index_cast %scan3A_83 : i32 to index
        %swap3A_122 = arith.constant 80 : index
        %swap3A_123 = tpu.vector_load %arg16[%swap3A_121, %swap3A_122] {strides = array<i32>} : memref<192x128xf32, #tpu.memory_space<vmem>>, vector<16xf32>,
        tpu.vector_store %arg16[%swap3A_121, %swap3A_122], %mul3A_120 {strides = array<i32>} : memref<192x128xf32, #tpu.memory_space<vmem>>, vector<16xf32>,
        %get3A_124 = arith.index_cast %scan3A_83 : i32 to index
        %get3A_125 = arith.constant 96 : index
        %get3A_126 = tpu.vector_load %arg16[%get3A_124, %get3A_125] {strides = array<i32>} : memref<192x128xf32, #tpu.memory_space<vmem>>, vector<16xf32>,
        %mul3A_127 = arith.mulf %get3A_126, %gather3A : vector<16xf32>
        %swap3A_128 = arith.index_cast %scan3A_83 : i32 to index
        %swap3A_129 = arith.constant 96 : index
        %swap3A_130 = tpu.vector_load %arg16[%swap3A_128, %swap3A_129] {strides = array<i32>} : memref<192x128xf32, #tpu.memory_space<vmem>>, vector<16xf32>,
        tpu.vector_store %arg16[%swap3A_128, %swap3A_129], %mul3A_127 {strides = array<i32>} : memref<192x128xf32, #tpu.memory_space<vmem>>, vector<16xf32>,
        %get3A_131 = arith.index_cast %scan3A_83 : i32 to index
        %get3A_132 = arith.constant 112 : index
        %get3A_133 = tpu.vector_load %arg16[%get3A_131, %get3A_132] {strides = array<i32>} : memref<192x128xf32, #tpu.memory_space<vmem>>, vector<16xf32>,
        %mul3A_134 = arith.mulf %get3A_133, %gather3A : vector<16xf32>
        %swap3A_135 = arith.index_cast %scan3A_83 : i32 to index
        %swap3A_136 = arith.constant 112 : index
        %swap3A_137 = tpu.vector_load %arg16[%swap3A_135, %swap3A_136] {strides = array<i32>} : memref<192x128xf32, #tpu.memory_space<vmem>>, vector<16xf32>,
        tpu.vector_store %arg16[%swap3A_135, %swap3A_136], %mul3A_134 {strides = array<i32>} : memref<192x128xf32, #tpu.memory_space<vmem>>, vector<16xf32>,
      }
      %scan3A_82 = arith.constant 192 : i32
      "tpu.region"() ({
        %run_scoped3A = tpu.sem_alloc : memref<!tpu.dma_semaphore, #tpu.memory_space<semaphore_mem>>
        %dma_start3A_83 = arith.constant 0 : i32
        %dma_start3A_84 = arith.constant 0 : i32
        %dma_start3A_85 = tpu.memref_slice %arg9[%dma_start3A_83, %dma_start3A_84] : memref<10240x128xf32, #tpu.memory_space<vmem_shared>> -> memref<10240x128xf32, #tpu.memory_space<vmem_shared>>
        tpu.enqueue_indirect_dma source(%arg16 : memref<192x128xf32, #tpu.memory_space<vmem>>) target(%dma_start3A_85 : memref<10240x128xf32, #tpu.memory_space<vmem_shared>>) offsets(%arg13 : memref<192xi32, #tpu.memory_space<vmem>>) semaphore(%run_scoped3A : memref<!tpu.dma_semaphore, #tpu.memory_space<semaphore_mem>>) {add = true}
        %dma_wait3A_86 = arith.constant 0 : i32
        %dma_wait3A_87 = arith.constant 0 : i32
        %dma_wait3A_88 = tpu.memref_slice %arg9[%dma_wait3A_86, %dma_wait3A_87] : memref<10240x128xf32, #tpu.memory_space<vmem_shared>> -> memref<10240x128xf32, #tpu.memory_space<vmem_shared>>
        tpu.wait_indirect_dma semaphore(%run_scoped3A : memref<!tpu.dma_semaphore, #tpu.memory_space<semaphore_mem>>) src(%arg16 : memref<192x128xf32, #tpu.memory_space<vmem>>) dst(%dma_wait3A_88 : memref<10240x128xf32, #tpu.memory_space<vmem_shared>>)
        tpu.yield
      }) : () -> ()
    }
    %scan3A_20 = arith.constant 108 : i32
    %barrier3A_21 = arith.constant 0 : index
    tpu.barrier barrier_id(%barrier3A_21)
    %mul3A_22 = arith.constant 640 : i32
    %mul3A_23 = arith.muli %arg1, %mul3A_22 : i32
    %mul3A_24 = arith.constant 640 : i32
    %mul3A_25 = arith.muli %arg1, %mul3A_24 : i32
    "tpu.region"() ({
      %run_scoped3A = tpu.sem_alloc : memref<!tpu.dma_semaphore, #tpu.memory_space<semaphore_mem>>
      %dma_start3A = arith.constant 0 : i32
      %dma_start3A_58 = tpu.memref_slice %arg7[%add3A_1, %mul3A_25, %dma_start3A] : memref<4x10240x128xf32, #tpu.memory_space<hbm>> -> memref<1x640x128xf32, #tpu.memory_space<hbm>>
      %dma_start3A_59 = tpu.memref_squeeze %dma_start3A_58 : memref<1x640x128xf32, #tpu.memory_space<hbm>> -> memref<640x128xf32, #tpu.memory_space<hbm>>
      %dma_start3A_60 = arith.constant 0 : i32
      %dma_start3A_61 = tpu.memref_slice %arg9[%mul3A_23, %dma_start3A_60] : memref<10240x128xf32, #tpu.memory_space<vmem_shared>> -> memref<640x128xf32, #tpu.memory_space<vmem_shared>>
      tpu.enqueue_dma source(%dma_start3A_61 : memref<640x128xf32, #tpu.memory_space<vmem_shared>>) target(%dma_start3A_59 : memref<640x128xf32, #tpu.memory_space<hbm>>) target_semaphore(%run_scoped3A : memref<!tpu.dma_semaphore, #tpu.memory_space<semaphore_mem>>)
      %dma_wait3A = arith.constant 0 : i32
      %dma_wait3A_62 = tpu.memref_slice %arg7[%add3A_1, %mul3A_25, %dma_wait3A] : memref<4x10240x128xf32, #tpu.memory_space<hbm>> -> memref<1x640x128xf32, #tpu.memory_space<hbm>>
      %dma_wait3A_63 = tpu.memref_squeeze %dma_wait3A_62 : memref<1x640x128xf32, #tpu.memory_space<hbm>> -> memref<640x128xf32, #tpu.memory_space<hbm>>
      %dma_wait3A_64 = arith.constant 0 : i32
      %dma_wait3A_65 = tpu.memref_slice %arg9[%mul3A_23, %dma_wait3A_64] : memref<10240x128xf32, #tpu.memory_space<vmem_shared>> -> memref<640x128xf32, #tpu.memory_space<vmem_shared>>
      tpu.wait_dma2 semaphore(%run_scoped3A : memref<!tpu.dma_semaphore, #tpu.memory_space<semaphore_mem>>) src(%dma_wait3A_65 : memref<640x128xf32, #tpu.memory_space<vmem_shared>>) dst(%dma_wait3A_63 : memref<640x128xf32, #tpu.memory_space<hbm>>)
      tpu.yield
    }) : () -> ()
    %barrier3A_26 = arith.constant 0 : index
    tpu.barrier barrier_id(%barrier3A_26)
    %mul3A_27 = arith.constant 2 : i32
    %mul3A_28 = arith.muli %mul3A_27, %arg0 : i32
    %add3A_29 = arith.constant 1 : i32
    %add3A_30 = arith.addi %mul3A_28, %add3A_29 : i32
    %mul3A_31 = arith.constant 2 : i32
    %mul3A_32 = arith.muli %mul3A_31, %add3A_30 : i32
    %mul3A_33 = arith.constant 10240 : i32
    %mul3A_34 = arith.muli %mul3A_32, %mul3A_33 : i32
    "tpu.region"() ({
      %run_scoped3A = tpu.sem_alloc : memref<!tpu.dma_semaphore, #tpu.memory_space<semaphore_mem>>
      %dma_start3A = tpu.memref_slice %arg3[%mul3A_34] : memref<163840xf32, #tpu.memory_space<hbm>> -> memref<10240xf32, #tpu.memory_space<hbm>>
      %dma_start3A_58 = tpu.memref_slice %arg3[%mul3A_34] : memref<163840xf32, #tpu.memory_space<hbm>> -> memref<10240xf32, #tpu.memory_space<hbm>>
      tpu.enqueue_dma source(%dma_start3A_58 : memref<10240xf32, #tpu.memory_space<hbm>>) target(%arg10 : memref<10240xf32, #tpu.memory_space<vmem>>) target_semaphore(%run_scoped3A : memref<!tpu.dma_semaphore, #tpu.memory_space<semaphore_mem>>)
      %dma_wait3A = tpu.memref_slice %arg3[%mul3A_34] : memref<163840xf32, #tpu.memory_space<hbm>> -> memref<10240xf32, #tpu.memory_space<hbm>>
      %dma_wait3A_59 = tpu.memref_slice %arg3[%mul3A_34] : memref<163840xf32, #tpu.memory_space<hbm>> -> memref<10240xf32, #tpu.memory_space<hbm>>
      tpu.wait_dma2 semaphore(%run_scoped3A : memref<!tpu.dma_semaphore, #tpu.memory_space<semaphore_mem>>) src(%dma_wait3A_59 : memref<10240xf32, #tpu.memory_space<hbm>>) dst(%arg10 : memref<10240xf32, #tpu.memory_space<vmem>>)
      tpu.yield
    }) : () -> ()
    %mul3A_35 = arith.constant 2 : i32
    %mul3A_36 = arith.muli %mul3A_35, %add3A_30 : i32
    %add3A_37 = arith.constant 1 : i32
    %add3A_38 = arith.addi %mul3A_36, %add3A_37 : i32
    %mul3A_39 = arith.constant 10240 : i32
    %mul3A_40 = arith.muli %add3A_38, %mul3A_39 : i32
    "tpu.region"() ({
      %run_scoped3A = tpu.sem_alloc : memref<!tpu.dma_semaphore, #tpu.memory_space<semaphore_mem>>
      %dma_start3A = tpu.memref_slice %arg3[%mul3A_40] : memref<163840xf32, #tpu.memory_space<hbm>> -> memref<10240xf32, #tpu.memory_space<hbm>>
      %dma_start3A_58 = tpu.memref_slice %arg3[%mul3A_40] : memref<163840xf32, #tpu.memory_space<hbm>> -> memref<10240xf32, #tpu.memory_space<hbm>>
      tpu.enqueue_dma source(%dma_start3A_58 : memref<10240xf32, #tpu.memory_space<hbm>>) target(%arg11 : memref<10240xf32, #tpu.memory_space<vmem>>) target_semaphore(%run_scoped3A : memref<!tpu.dma_semaphore, #tpu.memory_space<semaphore_mem>>)
      %dma_wait3A = tpu.memref_slice %arg3[%mul3A_40] : memref<163840xf32, #tpu.memory_space<hbm>> -> memref<10240xf32, #tpu.memory_space<hbm>>
      %dma_wait3A_59 = tpu.memref_slice %arg3[%mul3A_40] : memref<163840xf32, #tpu.memory_space<hbm>> -> memref<10240xf32, #tpu.memory_space<hbm>>
      tpu.wait_dma2 semaphore(%run_scoped3A : memref<!tpu.dma_semaphore, #tpu.memory_space<semaphore_mem>>) src(%dma_wait3A_59 : memref<10240xf32, #tpu.memory_space<hbm>>) dst(%arg11 : memref<10240xf32, #tpu.memory_space<vmem>>)
      tpu.yield
    }) : () -> ()
    %mul3A_41 = arith.constant 640 : i32
    %mul3A_42 = arith.muli %arg1, %mul3A_41 : i32
    %mul3A_43 = arith.constant 640 : i32
    %mul3A_44 = arith.muli %arg1, %mul3A_43 : i32
    "tpu.region"() ({
      %run_scoped3A = tpu.sem_alloc : memref<!tpu.dma_semaphore, #tpu.memory_space<semaphore_mem>>
      %dma_start3A = arith.constant 0 : i32
      %dma_start3A_58 = tpu.memref_slice %arg9[%mul3A_44, %dma_start3A] : memref<10240x128xf32, #tpu.memory_space<vmem_shared>> -> memref<640x128xf32, #tpu.memory_space<vmem_shared>>
      %dma_start3A_59 = arith.constant 0 : i32
      %dma_start3A_60 = tpu.memref_slice %arg6[%mul3A_42, %dma_start3A_59] : memref<10240x128xf32, #tpu.memory_space<hbm>> -> memref<640x128xf32, #tpu.memory_space<hbm>>
      tpu.enqueue_dma source(%dma_start3A_60 : memref<640x128xf32, #tpu.memory_space<hbm>>) target(%dma_start3A_58 : memref<640x128xf32, #tpu.memory_space<vmem_shared>>) target_semaphore(%run_scoped3A : memref<!tpu.dma_semaphore, #tpu.memory_space<semaphore_mem>>)
      %dma_wait3A = arith.constant 0 : i32
      %dma_wait3A_61 = tpu.memref_slice %arg9[%mul3A_44, %dma_wait3A] : memref<10240x128xf32, #tpu.memory_space<vmem_shared>> -> memref<640x128xf32, #tpu.memory_space<vmem_shared>>
      %dma_wait3A_62 = arith.constant 0 : i32
      %dma_wait3A_63 = tpu.memref_slice %arg6[%mul3A_42, %dma_wait3A_62] : memref<10240x128xf32, #tpu.memory_space<hbm>> -> memref<640x128xf32, #tpu.memory_space<hbm>>
      tpu.wait_dma2 semaphore(%run_scoped3A : memref<!tpu.dma_semaphore, #tpu.memory_space<semaphore_mem>>) src(%dma_wait3A_63 : memref<640x128xf32, #tpu.memory_space<hbm>>) dst(%dma_wait3A_61 : memref<640x128xf32, #tpu.memory_space<vmem_shared>>)
      tpu.yield
    }) : () -> ()
    %barrier3A_45 = arith.constant 0 : index
    tpu.barrier barrier_id(%barrier3A_45)
    %scan3A_46 = arith.constant 0 : i32
    %scan3A_47 = arith.constant 0 : i32
    %scan3A_48 = arith.constant 108 : i32
    %scan3A_49 = arith.addi %scan3A_47, %scan3A_48 : i32
    %scan3A_50 = arith.constant 1 : i32
    scf.for %scan3A_58 = %scan3A_47 to %scan3A_49 step %scan3A_50  : i32 {
      %mul3A_59 = arith.constant 20736 : i32
      %mul3A_60 = arith.muli %arg1, %mul3A_59 : i32
      %mul3A_61 = arith.constant 192 : i32
      %mul3A_62 = arith.muli %scan3A_58, %mul3A_61 : i32
      %add3A_63 = arith.addi %mul3A_60, %mul3A_62 : i32
      "tpu.region"() ({
        %run_scoped3A = tpu.sem_alloc : memref<!tpu.dma_semaphore, #tpu.memory_space<semaphore_mem>>
        %dma_start3A_83 = tpu.memref_slice %arg4[%add3A_63] : memref<331776xi32, #tpu.memory_space<hbm>> -> memref<192xi32, #tpu.memory_space<hbm>>
        %dma_start3A_84 = tpu.memref_slice %arg4[%add3A_63] : memref<331776xi32, #tpu.memory_space<hbm>> -> memref<192xi32, #tpu.memory_space<hbm>>
        tpu.enqueue_dma source(%dma_start3A_84 : memref<192xi32, #tpu.memory_space<hbm>>) target(%arg12 : memref<192xi32, #tpu.memory_space<vmem>>) target_semaphore(%run_scoped3A : memref<!tpu.dma_semaphore, #tpu.memory_space<semaphore_mem>>)
        %dma_wait3A_85 = tpu.memref_slice %arg4[%add3A_63] : memref<331776xi32, #tpu.memory_space<hbm>> -> memref<192xi32, #tpu.memory_space<hbm>>
        %dma_wait3A_86 = tpu.memref_slice %arg4[%add3A_63] : memref<331776xi32, #tpu.memory_space<hbm>> -> memref<192xi32, #tpu.memory_space<hbm>>
        tpu.wait_dma2 semaphore(%run_scoped3A : memref<!tpu.dma_semaphore, #tpu.memory_space<semaphore_mem>>) src(%dma_wait3A_86 : memref<192xi32, #tpu.memory_space<hbm>>) dst(%arg12 : memref<192xi32, #tpu.memory_space<vmem>>)
        tpu.yield
      }) : () -> ()
      "tpu.region"() ({
        %run_scoped3A = tpu.sem_alloc : memref<!tpu.dma_semaphore, #tpu.memory_space<semaphore_mem>>
        %dma_start3A_83 = tpu.memref_slice %arg5[%add3A_63] : memref<331776xi32, #tpu.memory_space<hbm>> -> memref<192xi32, #tpu.memory_space<hbm>>
        %dma_start3A_84 = tpu.memref_slice %arg5[%add3A_63] : memref<331776xi32, #tpu.memory_space<hbm>> -> memref<192xi32, #tpu.memory_space<hbm>>
        tpu.enqueue_dma source(%dma_start3A_84 : memref<192xi32, #tpu.memory_space<hbm>>) target(%arg13 : memref<192xi32, #tpu.memory_space<vmem>>) target_semaphore(%run_scoped3A : memref<!tpu.dma_semaphore, #tpu.memory_space<semaphore_mem>>)
        %dma_wait3A_85 = tpu.memref_slice %arg5[%add3A_63] : memref<331776xi32, #tpu.memory_space<hbm>> -> memref<192xi32, #tpu.memory_space<hbm>>
        %dma_wait3A_86 = tpu.memref_slice %arg5[%add3A_63] : memref<331776xi32, #tpu.memory_space<hbm>> -> memref<192xi32, #tpu.memory_space<hbm>>
        tpu.wait_dma2 semaphore(%run_scoped3A : memref<!tpu.dma_semaphore, #tpu.memory_space<semaphore_mem>>) src(%dma_wait3A_86 : memref<192xi32, #tpu.memory_space<hbm>>) dst(%arg13 : memref<192xi32, #tpu.memory_space<vmem>>)
        tpu.yield
      }) : () -> ()
      %scan3A_64 = arith.constant 0 : i32
      %scan3A_65 = arith.constant 0 : i32
      %scan3A_66 = arith.constant 12 : i32
      %scan3A_67 = arith.addi %scan3A_65, %scan3A_66 : i32
      %scan3A_68 = arith.constant 1 : i32
      scf.for %scan3A_83 = %scan3A_65 to %scan3A_67 step %scan3A_68  : i32 {
        %mul3A_84 = arith.constant 16 : i32
        %mul3A_85 = arith.muli %scan3A_83, %mul3A_84 : i32
        %iota3A = tpu.iota {dimensions = array<i32: 0>} : vector<16xi32>
        %add3A_86 = vector.broadcast %mul3A_85 : i32 to vector<16xi32>
        %add3A_87 = arith.addi %add3A_86, %iota3A : vector<16xi32>
        %get3A = arith.index_cast %mul3A_85 : i32 to index
        %get3A_88 = tpu.vector_load %arg12[%get3A] {strides = array<i32>} : memref<192xi32, #tpu.memory_space<vmem>>, vector<16xi32>,
        %get3A_89 = arith.index_cast %mul3A_85 : i32 to index
        %get3A_90 = tpu.vector_load %arg13[%get3A_89] {strides = array<i32>} : memref<192xi32, #tpu.memory_space<vmem>>, vector<16xi32>,
        %add3A_91 = vector.broadcast %add3A_63 : i32 to vector<16xi32>
        %add3A_92 = arith.addi %add3A_91, %add3A_87 : vector<16xi32>
        %lt3A = arith.constant 330000 : i32
        %lt3A_93 = vector.broadcast %lt3A : i32 to vector<16xi32>
        %lt3A_94 = arith.cmpi slt, %add3A_92, %lt3A_93 : vector<16xi32>
        %gather3A = tpu.vector_load_idx %arg10[%get3A_88] : memref<10240xf32, #tpu.memory_space<vmem>>[vector<16xi32>], vector<16xf32>,
        %gather3A_95 = tpu.vector_load_idx %arg11[%get3A_90] : memref<10240xf32, #tpu.memory_space<vmem>>[vector<16xi32>], vector<16xf32>,
        %add3A_96 = arith.addf %gather3A, %gather3A_95 : vector<16xf32>
        %ge3A = arith.constant 0.000000e+00 : f32
        %ge3A_97 = vector.broadcast %ge3A : f32 to vector<16xf32>
        %ge3A_98 = arith.cmpf oge, %add3A_96, %ge3A_97 : vector<16xf32>
        %mul3A_99 = arith.constant 2.000000e-01 : f32
        %mul3A_100 = vector.broadcast %mul3A_99 : f32 to vector<16xf32>
        %mul3A_101 = arith.mulf %mul3A_100, %add3A_96 : vector<16xf32>
        %select_n3A = arith.select %ge3A_98, %add3A_96, %mul3A_101 : vector<16xi1>, vector<16xf32>
        %exp3A = math.exp %select_n3A : vector<16xf32>
        %jit3A = arith.constant 0.000000e+00 : f32
        %broadcast_in_dim3A = vector.broadcast %jit3A : f32 to vector<16xf32>
        %select_n3A_102 = arith.select %lt3A_94, %exp3A, %broadcast_in_dim3A : vector<16xi1>, vector<16xf32>
        %swap3A = arith.index_cast %mul3A_85 : i32 to index
        %swap3A_103 = tpu.vector_load %arg15[%swap3A] {strides = array<i32>} : memref<192xf32, #tpu.memory_space<vmem>>, vector<16xf32>,
        tpu.vector_store %arg15[%swap3A], %select_n3A_102 {strides = array<i32>} : memref<192xf32, #tpu.memory_space<vmem>>, vector<16xf32>,
        %mul3A_104 = arith.constant 10240 : i32
        %mul3A_105 = arith.muli %add3A_30, %mul3A_104 : i32
        %add3A_106 = vector.broadcast %mul3A_105 : i32 to vector<16xi32>
        %add3A_107 = arith.addi %get3A_88, %add3A_106 : vector<16xi32>
        %swap3A_108 = arith.index_cast %mul3A_85 : i32 to index
        %swap3A_109 = tpu.vector_load %arg14[%swap3A_108] {strides = array<i32>} : memref<192xi32, #tpu.memory_space<vmem>>, vector<16xi32>,
        tpu.vector_store %arg14[%swap3A_108], %add3A_107 {strides = array<i32>} : memref<192xi32, #tpu.memory_space<vmem>>, vector<16xi32>,
      }
      %scan3A_69 = arith.constant 12 : i32
      %mul3A_70 = arith.constant 331776 : i32
      %mul3A_71 = arith.muli %add3A_30, %mul3A_70 : i32
      %add3A_72 = arith.addi %mul3A_71, %add3A_63 : i32
      "tpu.region"() ({
        %run_scoped3A = tpu.sem_alloc : memref<!tpu.dma_semaphore, #tpu.memory_space<semaphore_mem>>
        %dma_start3A_83 = tpu.memref_slice %arg8[%add3A_72] : memref<1327104xf32, #tpu.memory_space<hbm>> -> memref<192xf32, #tpu.memory_space<hbm>>
        %dma_start3A_84 = tpu.memref_slice %arg8[%add3A_72] : memref<1327104xf32, #tpu.memory_space<hbm>> -> memref<192xf32, #tpu.memory_space<hbm>>
        tpu.enqueue_dma source(%arg15 : memref<192xf32, #tpu.memory_space<vmem>>) target(%dma_start3A_84 : memref<192xf32, #tpu.memory_space<hbm>>) target_semaphore(%run_scoped3A : memref<!tpu.dma_semaphore, #tpu.memory_space<semaphore_mem>>)
        %dma_wait3A_85 = tpu.memref_slice %arg8[%add3A_72] : memref<1327104xf32, #tpu.memory_space<hbm>> -> memref<192xf32, #tpu.memory_space<hbm>>
        %dma_wait3A_86 = tpu.memref_slice %arg8[%add3A_72] : memref<1327104xf32, #tpu.memory_space<hbm>> -> memref<192xf32, #tpu.memory_space<hbm>>
        tpu.wait_dma2 semaphore(%run_scoped3A : memref<!tpu.dma_semaphore, #tpu.memory_space<semaphore_mem>>) src(%arg15 : memref<192xf32, #tpu.memory_space<vmem>>) dst(%dma_wait3A_86 : memref<192xf32, #tpu.memory_space<hbm>>)
        tpu.yield
      }) : () -> ()
      %dma_start3A = arith.constant 0 : i32
      %dma_start3A_73 = arith.constant 0 : i32
      %dma_start3A_74 = tpu.memref_slice %arg2[%dma_start3A, %dma_start3A_73] : memref<40960x128xf32, #tpu.memory_space<hbm>> -> memref<40960x128xf32, #tpu.memory_space<hbm>>
      tpu.enqueue_indirect_dma source(%dma_start3A_74 : memref<40960x128xf32, #tpu.memory_space<hbm>>) target(%arg16 : memref<192x128xf32, #tpu.memory_space<vmem>>) offsets(%arg14 : memref<192xi32, #tpu.memory_space<vmem>>) semaphore(%arg17 : memref<!tpu.dma_semaphore, #tpu.memory_space<semaphore_mem>>)
      %dma_wait3A = arith.constant 0 : i32
      %dma_wait3A_75 = arith.constant 0 : i32
      %dma_wait3A_76 = tpu.memref_slice %arg2[%dma_wait3A, %dma_wait3A_75] : memref<40960x128xf32, #tpu.memory_space<hbm>> -> memref<40960x128xf32, #tpu.memory_space<hbm>>
      tpu.wait_indirect_dma semaphore(%arg17 : memref<!tpu.dma_semaphore, #tpu.memory_space<semaphore_mem>>) src(%dma_wait3A_76 : memref<40960x128xf32, #tpu.memory_space<hbm>>) dst(%arg16 : memref<192x128xf32, #tpu.memory_space<vmem>>)
      %scan3A_77 = arith.constant 0 : i32
      %scan3A_78 = arith.constant 0 : i32
      %scan3A_79 = arith.constant 192 : i32
      %scan3A_80 = arith.addi %scan3A_78, %scan3A_79 : i32
      %scan3A_81 = arith.constant 1 : i32
      scf.for %scan3A_83 = %scan3A_78 to %scan3A_80 step %scan3A_81  : i32 {
        %broadcast_in_dim3A = vector.broadcast %scan3A_83 : i32 to vector<16xi32>
        %gather3A = tpu.vector_load_idx %arg15[%broadcast_in_dim3A] : memref<192xf32, #tpu.memory_space<vmem>>[vector<16xi32>], vector<16xf32>,
        %get3A = arith.index_cast %scan3A_83 : i32 to index
        %get3A_84 = arith.constant 0 : index
        %get3A_85 = tpu.vector_load %arg16[%get3A, %get3A_84] {strides = array<i32>} : memref<192x128xf32, #tpu.memory_space<vmem>>, vector<16xf32>,
        %mul3A_86 = arith.mulf %get3A_85, %gather3A : vector<16xf32>
        %swap3A = arith.index_cast %scan3A_83 : i32 to index
        %swap3A_87 = arith.constant 0 : index
        %swap3A_88 = tpu.vector_load %arg16[%swap3A, %swap3A_87] {strides = array<i32>} : memref<192x128xf32, #tpu.memory_space<vmem>>, vector<16xf32>,
        tpu.vector_store %arg16[%swap3A, %swap3A_87], %mul3A_86 {strides = array<i32>} : memref<192x128xf32, #tpu.memory_space<vmem>>, vector<16xf32>,
        %get3A_89 = arith.index_cast %scan3A_83 : i32 to index
        %get3A_90 = arith.constant 16 : index
        %get3A_91 = tpu.vector_load %arg16[%get3A_89, %get3A_90] {strides = array<i32>} : memref<192x128xf32, #tpu.memory_space<vmem>>, vector<16xf32>,
        %mul3A_92 = arith.mulf %get3A_91, %gather3A : vector<16xf32>
        %swap3A_93 = arith.index_cast %scan3A_83 : i32 to index
        %swap3A_94 = arith.constant 16 : index
        %swap3A_95 = tpu.vector_load %arg16[%swap3A_93, %swap3A_94] {strides = array<i32>} : memref<192x128xf32, #tpu.memory_space<vmem>>, vector<16xf32>,
        tpu.vector_store %arg16[%swap3A_93, %swap3A_94], %mul3A_92 {strides = array<i32>} : memref<192x128xf32, #tpu.memory_space<vmem>>, vector<16xf32>,
        %get3A_96 = arith.index_cast %scan3A_83 : i32 to index
        %get3A_97 = arith.constant 32 : index
        %get3A_98 = tpu.vector_load %arg16[%get3A_96, %get3A_97] {strides = array<i32>} : memref<192x128xf32, #tpu.memory_space<vmem>>, vector<16xf32>,
        %mul3A_99 = arith.mulf %get3A_98, %gather3A : vector<16xf32>
        %swap3A_100 = arith.index_cast %scan3A_83 : i32 to index
        %swap3A_101 = arith.constant 32 : index
        %swap3A_102 = tpu.vector_load %arg16[%swap3A_100, %swap3A_101] {strides = array<i32>} : memref<192x128xf32, #tpu.memory_space<vmem>>, vector<16xf32>,
        tpu.vector_store %arg16[%swap3A_100, %swap3A_101], %mul3A_99 {strides = array<i32>} : memref<192x128xf32, #tpu.memory_space<vmem>>, vector<16xf32>,
        %get3A_103 = arith.index_cast %scan3A_83 : i32 to index
        %get3A_104 = arith.constant 48 : index
        %get3A_105 = tpu.vector_load %arg16[%get3A_103, %get3A_104] {strides = array<i32>} : memref<192x128xf32, #tpu.memory_space<vmem>>, vector<16xf32>,
        %mul3A_106 = arith.mulf %get3A_105, %gather3A : vector<16xf32>
        %swap3A_107 = arith.index_cast %scan3A_83 : i32 to index
        %swap3A_108 = arith.constant 48 : index
        %swap3A_109 = tpu.vector_load %arg16[%swap3A_107, %swap3A_108] {strides = array<i32>} : memref<192x128xf32, #tpu.memory_space<vmem>>, vector<16xf32>,
        tpu.vector_store %arg16[%swap3A_107, %swap3A_108], %mul3A_106 {strides = array<i32>} : memref<192x128xf32, #tpu.memory_space<vmem>>, vector<16xf32>,
        %get3A_110 = arith.index_cast %scan3A_83 : i32 to index
        %get3A_111 = arith.constant 64 : index
        %get3A_112 = tpu.vector_load %arg16[%get3A_110, %get3A_111] {strides = array<i32>} : memref<192x128xf32, #tpu.memory_space<vmem>>, vector<16xf32>,
        %mul3A_113 = arith.mulf %get3A_112, %gather3A : vector<16xf32>
        %swap3A_114 = arith.index_cast %scan3A_83 : i32 to index
        %swap3A_115 = arith.constant 64 : index
        %swap3A_116 = tpu.vector_load %arg16[%swap3A_114, %swap3A_115] {strides = array<i32>} : memref<192x128xf32, #tpu.memory_space<vmem>>, vector<16xf32>,
        tpu.vector_store %arg16[%swap3A_114, %swap3A_115], %mul3A_113 {strides = array<i32>} : memref<192x128xf32, #tpu.memory_space<vmem>>, vector<16xf32>,
        %get3A_117 = arith.index_cast %scan3A_83 : i32 to index
        %get3A_118 = arith.constant 80 : index
        %get3A_119 = tpu.vector_load %arg16[%get3A_117, %get3A_118] {strides = array<i32>} : memref<192x128xf32, #tpu.memory_space<vmem>>, vector<16xf32>,
        %mul3A_120 = arith.mulf %get3A_119, %gather3A : vector<16xf32>
        %swap3A_121 = arith.index_cast %scan3A_83 : i32 to index
        %swap3A_122 = arith.constant 80 : index
        %swap3A_123 = tpu.vector_load %arg16[%swap3A_121, %swap3A_122] {strides = array<i32>} : memref<192x128xf32, #tpu.memory_space<vmem>>, vector<16xf32>,
        tpu.vector_store %arg16[%swap3A_121, %swap3A_122], %mul3A_120 {strides = array<i32>} : memref<192x128xf32, #tpu.memory_space<vmem>>, vector<16xf32>,
        %get3A_124 = arith.index_cast %scan3A_83 : i32 to index
        %get3A_125 = arith.constant 96 : index
        %get3A_126 = tpu.vector_load %arg16[%get3A_124, %get3A_125] {strides = array<i32>} : memref<192x128xf32, #tpu.memory_space<vmem>>, vector<16xf32>,
        %mul3A_127 = arith.mulf %get3A_126, %gather3A : vector<16xf32>
        %swap3A_128 = arith.index_cast %scan3A_83 : i32 to index
        %swap3A_129 = arith.constant 96 : index
        %swap3A_130 = tpu.vector_load %arg16[%swap3A_128, %swap3A_129] {strides = array<i32>} : memref<192x128xf32, #tpu.memory_space<vmem>>, vector<16xf32>,
        tpu.vector_store %arg16[%swap3A_128, %swap3A_129], %mul3A_127 {strides = array<i32>} : memref<192x128xf32, #tpu.memory_space<vmem>>, vector<16xf32>,
        %get3A_131 = arith.index_cast %scan3A_83 : i32 to index
        %get3A_132 = arith.constant 112 : index
        %get3A_133 = tpu.vector_load %arg16[%get3A_131, %get3A_132] {strides = array<i32>} : memref<192x128xf32, #tpu.memory_space<vmem>>, vector<16xf32>,
        %mul3A_134 = arith.mulf %get3A_133, %gather3A : vector<16xf32>
        %swap3A_135 = arith.index_cast %scan3A_83 : i32 to index
        %swap3A_136 = arith.constant 112 : index
        %swap3A_137 = tpu.vector_load %arg16[%swap3A_135, %swap3A_136] {strides = array<i32>} : memref<192x128xf32, #tpu.memory_space<vmem>>, vector<16xf32>,
        tpu.vector_store %arg16[%swap3A_135, %swap3A_136], %mul3A_134 {strides = array<i32>} : memref<192x128xf32, #tpu.memory_space<vmem>>, vector<16xf32>,
      }
      %scan3A_82 = arith.constant 192 : i32
      "tpu.region"() ({
        %run_scoped3A = tpu.sem_alloc : memref<!tpu.dma_semaphore, #tpu.memory_space<semaphore_mem>>
        %dma_start3A_83 = arith.constant 0 : i32
        %dma_start3A_84 = arith.constant 0 : i32
        %dma_start3A_85 = tpu.memref_slice %arg9[%dma_start3A_83, %dma_start3A_84] : memref<10240x128xf32, #tpu.memory_space<vmem_shared>> -> memref<10240x128xf32, #tpu.memory_space<vmem_shared>>
        tpu.enqueue_indirect_dma source(%arg16 : memref<192x128xf32, #tpu.memory_space<vmem>>) target(%dma_start3A_85 : memref<10240x128xf32, #tpu.memory_space<vmem_shared>>) offsets(%arg13 : memref<192xi32, #tpu.memory_space<vmem>>) semaphore(%run_scoped3A : memref<!tpu.dma_semaphore, #tpu.memory_space<semaphore_mem>>) {add = true}
        %dma_wait3A_86 = arith.constant 0 : i32
        %dma_wait3A_87 = arith.constant 0 : i32
        %dma_wait3A_88 = tpu.memref_slice %arg9[%dma_wait3A_86, %dma_wait3A_87] : memref<10240x128xf32, #tpu.memory_space<vmem_shared>> -> memref<10240x128xf32, #tpu.memory_space<vmem_shared>>
        tpu.wait_indirect_dma semaphore(%run_scoped3A : memref<!tpu.dma_semaphore, #tpu.memory_space<semaphore_mem>>) src(%arg16 : memref<192x128xf32, #tpu.memory_space<vmem>>) dst(%dma_wait3A_88 : memref<10240x128xf32, #tpu.memory_space<vmem_shared>>)
        tpu.yield
      }) : () -> ()
    }
    %scan3A_51 = arith.constant 108 : i32
    %barrier3A_52 = arith.constant 0 : index
    tpu.barrier barrier_id(%barrier3A_52)
    %mul3A_53 = arith.constant 640 : i32
    %mul3A_54 = arith.muli %arg1, %mul3A_53 : i32
    %mul3A_55 = arith.constant 640 : i32
    %mul3A_56 = arith.muli %arg1, %mul3A_55 : i32
    "tpu.region"() ({
      %run_scoped3A = tpu.sem_alloc : memref<!tpu.dma_semaphore, #tpu.memory_space<semaphore_mem>>
      %dma_start3A = arith.constant 0 : i32
      %dma_start3A_58 = tpu.memref_slice %arg7[%add3A_30, %mul3A_56, %dma_start3A] : memref<4x10240x128xf32, #tpu.memory_space<hbm>> -> memref<1x640x128xf32, #tpu.memory_space<hbm>>
      %dma_start3A_59 = tpu.memref_squeeze %dma_start3A_58 : memref<1x640x128xf32, #tpu.memory_space<hbm>> -> memref<640x128xf32, #tpu.memory_space<hbm>>
      %dma_start3A_60 = arith.constant 0 : i32
      %dma_start3A_61 = tpu.memref_slice %arg9[%mul3A_54, %dma_start3A_60] : memref<10240x128xf32, #tpu.memory_space<vmem_shared>> -> memref<640x128xf32, #tpu.memory_space<vmem_shared>>
      tpu.enqueue_dma source(%dma_start3A_61 : memref<640x128xf32, #tpu.memory_space<vmem_shared>>) target(%dma_start3A_59 : memref<640x128xf32, #tpu.memory_space<hbm>>) target_semaphore(%run_scoped3A : memref<!tpu.dma_semaphore, #tpu.memory_space<semaphore_mem>>)
      %dma_wait3A = arith.constant 0 : i32
      %dma_wait3A_62 = tpu.memref_slice %arg7[%add3A_30, %mul3A_56, %dma_wait3A] : memref<4x10240x128xf32, #tpu.memory_space<hbm>> -> memref<1x640x128xf32, #tpu.memory_space<hbm>>
      %dma_wait3A_63 = tpu.memref_squeeze %dma_wait3A_62 : memref<1x640x128xf32, #tpu.memory_space<hbm>> -> memref<640x128xf32, #tpu.memory_space<hbm>>
      %dma_wait3A_64 = arith.constant 0 : i32
      %dma_wait3A_65 = tpu.memref_slice %arg9[%mul3A_54, %dma_wait3A_64] : memref<10240x128xf32, #tpu.memory_space<vmem_shared>> -> memref<640x128xf32, #tpu.memory_space<vmem_shared>>
      tpu.wait_dma2 semaphore(%run_scoped3A : memref<!tpu.dma_semaphore, #tpu.memory_space<semaphore_mem>>) src(%dma_wait3A_65 : memref<640x128xf32, #tpu.memory_space<vmem_shared>>) dst(%dma_wait3A_63 : memref<640x128xf32, #tpu.memory_space<hbm>>)
      tpu.yield
    }) : () -> ()
    %barrier3A_57 = arith.constant 0 : index
    tpu.barrier barrier_id(%barrier3A_57)
    return
  }
}

#map = affine_map<(d0, d1) -> (0)>
#map1 = affine_map<(d0, d1) -> (0, 0)>
#map2 = affine_map<(d0, d1) -> (0, 0, 0)>
module attributes {stable_mosaic.version = 14 : i64} {
  func.func @_den_body(%arg0: i32, %arg1: i32, %arg2: memref<1327104xf32, #tpu.memory_space<hbm>>, %arg3: memref<331776xi32, #tpu.memory_space<hbm>>, %arg4: memref<10240x128xf32, #tpu.memory_space<hbm>>, %arg5: memref<4x10240x128xf32, #tpu.memory_space<hbm>>, %arg6: memref<10240x128xf32, #tpu.memory_space<vmem_shared>>, %arg7: memref<192xi32, #tpu.memory_space<vmem>>, %arg8: memref<192xf32, #tpu.memory_space<vmem>>, %arg9: memref<192x128xf32, #tpu.memory_space<vmem>>, %arg10: memref<!tpu.dma_semaphore, #tpu.memory_space<semaphore_mem>>) attributes {dimension_semantics = [#tpu.dimension_semantics<core_parallel>, #tpu.dimension_semantics<subcore_parallel>], iteration_bounds = array<i64: 2, 16>, scalar_prefetch = 0 : i64, scratch_operands = 5 : i64, tpu.core_type = #tpu.core_type<sc_vector_subcore>, window_params = [{transform_indices = #map}, {transform_indices = #map}, {transform_indices = #map1}, {transform_indices = #map2}]} {
    %scan3A = arith.constant 0 : i32
    %scan3A_0 = arith.constant 0 : i32
    %scan3A_1 = arith.constant 192 : i32
    %scan3A_2 = arith.addi %scan3A_0, %scan3A_1 : i32
    %scan3A_3 = arith.constant 1 : i32
    scf.for %scan3A_44 = %scan3A_0 to %scan3A_2 step %scan3A_3  : i32 {
      %broadcast_in_dim3A = arith.constant 0.000000e+00 : f32
      %broadcast_in_dim3A_45 = vector.broadcast %broadcast_in_dim3A : f32 to vector<16xf32>
      %swap3A = arith.index_cast %scan3A_44 : i32 to index
      %swap3A_46 = arith.constant 0 : index
      %swap3A_47 = tpu.vector_load %arg9[%swap3A, %swap3A_46] {strides = array<i32>} : memref<192x128xf32, #tpu.memory_space<vmem>>, vector<16xf32>,
      tpu.vector_store %arg9[%swap3A, %swap3A_46], %broadcast_in_dim3A_45 {strides = array<i32>} : memref<192x128xf32, #tpu.memory_space<vmem>>, vector<16xf32>,
      %broadcast_in_dim3A_48 = arith.constant 0.000000e+00 : f32
      %broadcast_in_dim3A_49 = vector.broadcast %broadcast_in_dim3A_48 : f32 to vector<16xf32>
      %swap3A_50 = arith.index_cast %scan3A_44 : i32 to index
      %swap3A_51 = arith.constant 16 : index
      %swap3A_52 = tpu.vector_load %arg9[%swap3A_50, %swap3A_51] {strides = array<i32>} : memref<192x128xf32, #tpu.memory_space<vmem>>, vector<16xf32>,
      tpu.vector_store %arg9[%swap3A_50, %swap3A_51], %broadcast_in_dim3A_49 {strides = array<i32>} : memref<192x128xf32, #tpu.memory_space<vmem>>, vector<16xf32>,
      %broadcast_in_dim3A_53 = arith.constant 0.000000e+00 : f32
      %broadcast_in_dim3A_54 = vector.broadcast %broadcast_in_dim3A_53 : f32 to vector<16xf32>
      %swap3A_55 = arith.index_cast %scan3A_44 : i32 to index
      %swap3A_56 = arith.constant 32 : index
      %swap3A_57 = tpu.vector_load %arg9[%swap3A_55, %swap3A_56] {strides = array<i32>} : memref<192x128xf32, #tpu.memory_space<vmem>>, vector<16xf32>,
      tpu.vector_store %arg9[%swap3A_55, %swap3A_56], %broadcast_in_dim3A_54 {strides = array<i32>} : memref<192x128xf32, #tpu.memory_space<vmem>>, vector<16xf32>,
      %broadcast_in_dim3A_58 = arith.constant 0.000000e+00 : f32
      %broadcast_in_dim3A_59 = vector.broadcast %broadcast_in_dim3A_58 : f32 to vector<16xf32>
      %swap3A_60 = arith.index_cast %scan3A_44 : i32 to index
      %swap3A_61 = arith.constant 48 : index
      %swap3A_62 = tpu.vector_load %arg9[%swap3A_60, %swap3A_61] {strides = array<i32>} : memref<192x128xf32, #tpu.memory_space<vmem>>, vector<16xf32>,
      tpu.vector_store %arg9[%swap3A_60, %swap3A_61], %broadcast_in_dim3A_59 {strides = array<i32>} : memref<192x128xf32, #tpu.memory_space<vmem>>, vector<16xf32>,
      %broadcast_in_dim3A_63 = arith.constant 0.000000e+00 : f32
      %broadcast_in_dim3A_64 = vector.broadcast %broadcast_in_dim3A_63 : f32 to vector<16xf32>
      %swap3A_65 = arith.index_cast %scan3A_44 : i32 to index
      %swap3A_66 = arith.constant 64 : index
      %swap3A_67 = tpu.vector_load %arg9[%swap3A_65, %swap3A_66] {strides = array<i32>} : memref<192x128xf32, #tpu.memory_space<vmem>>, vector<16xf32>,
      tpu.vector_store %arg9[%swap3A_65, %swap3A_66], %broadcast_in_dim3A_64 {strides = array<i32>} : memref<192x128xf32, #tpu.memory_space<vmem>>, vector<16xf32>,
      %broadcast_in_dim3A_68 = arith.constant 0.000000e+00 : f32
      %broadcast_in_dim3A_69 = vector.broadcast %broadcast_in_dim3A_68 : f32 to vector<16xf32>
      %swap3A_70 = arith.index_cast %scan3A_44 : i32 to index
      %swap3A_71 = arith.constant 80 : index
      %swap3A_72 = tpu.vector_load %arg9[%swap3A_70, %swap3A_71] {strides = array<i32>} : memref<192x128xf32, #tpu.memory_space<vmem>>, vector<16xf32>,
      tpu.vector_store %arg9[%swap3A_70, %swap3A_71], %broadcast_in_dim3A_69 {strides = array<i32>} : memref<192x128xf32, #tpu.memory_space<vmem>>, vector<16xf32>,
      %broadcast_in_dim3A_73 = arith.constant 0.000000e+00 : f32
      %broadcast_in_dim3A_74 = vector.broadcast %broadcast_in_dim3A_73 : f32 to vector<16xf32>
      %swap3A_75 = arith.index_cast %scan3A_44 : i32 to index
      %swap3A_76 = arith.constant 96 : index
      %swap3A_77 = tpu.vector_load %arg9[%swap3A_75, %swap3A_76] {strides = array<i32>} : memref<192x128xf32, #tpu.memory_space<vmem>>, vector<16xf32>,
      tpu.vector_store %arg9[%swap3A_75, %swap3A_76], %broadcast_in_dim3A_74 {strides = array<i32>} : memref<192x128xf32, #tpu.memory_space<vmem>>, vector<16xf32>,
      %broadcast_in_dim3A_78 = arith.constant 0.000000e+00 : f32
      %broadcast_in_dim3A_79 = vector.broadcast %broadcast_in_dim3A_78 : f32 to vector<16xf32>
      %swap3A_80 = arith.index_cast %scan3A_44 : i32 to index
      %swap3A_81 = arith.constant 112 : index
      %swap3A_82 = tpu.vector_load %arg9[%swap3A_80, %swap3A_81] {strides = array<i32>} : memref<192x128xf32, #tpu.memory_space<vmem>>, vector<16xf32>,
      tpu.vector_store %arg9[%swap3A_80, %swap3A_81], %broadcast_in_dim3A_79 {strides = array<i32>} : memref<192x128xf32, #tpu.memory_space<vmem>>, vector<16xf32>,
    }
    %scan3A_4 = arith.constant 192 : i32
    %mul3A = arith.constant 2 : i32
    %mul3A_5 = arith.muli %mul3A, %arg0 : i32
    %add3A = arith.constant 0 : i32
    %add3A_6 = arith.addi %mul3A_5, %add3A : i32
    %mul3A_7 = arith.constant 640 : i32
    %mul3A_8 = arith.muli %arg1, %mul3A_7 : i32
    %mul3A_9 = arith.constant 640 : i32
    %mul3A_10 = arith.muli %arg1, %mul3A_9 : i32
    "tpu.region"() ({
      %run_scoped3A = tpu.sem_alloc : memref<!tpu.dma_semaphore, #tpu.memory_space<semaphore_mem>>
      %dma_start3A = arith.constant 0 : i32
      %dma_start3A_44 = tpu.memref_slice %arg6[%mul3A_10, %dma_start3A] : memref<10240x128xf32, #tpu.memory_space<vmem_shared>> -> memref<640x128xf32, #tpu.memory_space<vmem_shared>>
      %dma_start3A_45 = arith.constant 0 : i32
      %dma_start3A_46 = tpu.memref_slice %arg4[%mul3A_8, %dma_start3A_45] : memref<10240x128xf32, #tpu.memory_space<hbm>> -> memref<640x128xf32, #tpu.memory_space<hbm>>
      tpu.enqueue_dma source(%dma_start3A_46 : memref<640x128xf32, #tpu.memory_space<hbm>>) target(%dma_start3A_44 : memref<640x128xf32, #tpu.memory_space<vmem_shared>>) target_semaphore(%run_scoped3A : memref<!tpu.dma_semaphore, #tpu.memory_space<semaphore_mem>>)
      %dma_wait3A = arith.constant 0 : i32
      %dma_wait3A_47 = tpu.memref_slice %arg6[%mul3A_10, %dma_wait3A] : memref<10240x128xf32, #tpu.memory_space<vmem_shared>> -> memref<640x128xf32, #tpu.memory_space<vmem_shared>>
      %dma_wait3A_48 = arith.constant 0 : i32
      %dma_wait3A_49 = tpu.memref_slice %arg4[%mul3A_8, %dma_wait3A_48] : memref<10240x128xf32, #tpu.memory_space<hbm>> -> memref<640x128xf32, #tpu.memory_space<hbm>>
      tpu.wait_dma2 semaphore(%run_scoped3A : memref<!tpu.dma_semaphore, #tpu.memory_space<semaphore_mem>>) src(%dma_wait3A_49 : memref<640x128xf32, #tpu.memory_space<hbm>>) dst(%dma_wait3A_47 : memref<640x128xf32, #tpu.memory_space<vmem_shared>>)
      tpu.yield
    }) : () -> ()
    %barrier3A = arith.constant 0 : index
    tpu.barrier barrier_id(%barrier3A)
    %scan3A_11 = arith.constant 0 : i32
    %scan3A_12 = arith.constant 0 : i32
    %scan3A_13 = arith.constant 108 : i32
    %scan3A_14 = arith.addi %scan3A_12, %scan3A_13 : i32
    %scan3A_15 = arith.constant 1 : i32
    scf.for %scan3A_44 = %scan3A_12 to %scan3A_14 step %scan3A_15  : i32 {
      %mul3A_45 = arith.constant 20736 : i32
      %mul3A_46 = arith.muli %arg1, %mul3A_45 : i32
      %mul3A_47 = arith.constant 192 : i32
      %mul3A_48 = arith.muli %scan3A_44, %mul3A_47 : i32
      %add3A_49 = arith.addi %mul3A_46, %mul3A_48 : i32
      "tpu.region"() ({
        %run_scoped3A = tpu.sem_alloc : memref<!tpu.dma_semaphore, #tpu.memory_space<semaphore_mem>>
        %dma_start3A = tpu.memref_slice %arg3[%add3A_49] : memref<331776xi32, #tpu.memory_space<hbm>> -> memref<192xi32, #tpu.memory_space<hbm>>
        %dma_start3A_59 = tpu.memref_slice %arg3[%add3A_49] : memref<331776xi32, #tpu.memory_space<hbm>> -> memref<192xi32, #tpu.memory_space<hbm>>
        tpu.enqueue_dma source(%dma_start3A_59 : memref<192xi32, #tpu.memory_space<hbm>>) target(%arg7 : memref<192xi32, #tpu.memory_space<vmem>>) target_semaphore(%run_scoped3A : memref<!tpu.dma_semaphore, #tpu.memory_space<semaphore_mem>>)
        %dma_wait3A = tpu.memref_slice %arg3[%add3A_49] : memref<331776xi32, #tpu.memory_space<hbm>> -> memref<192xi32, #tpu.memory_space<hbm>>
        %dma_wait3A_60 = tpu.memref_slice %arg3[%add3A_49] : memref<331776xi32, #tpu.memory_space<hbm>> -> memref<192xi32, #tpu.memory_space<hbm>>
        tpu.wait_dma2 semaphore(%run_scoped3A : memref<!tpu.dma_semaphore, #tpu.memory_space<semaphore_mem>>) src(%dma_wait3A_60 : memref<192xi32, #tpu.memory_space<hbm>>) dst(%arg7 : memref<192xi32, #tpu.memory_space<vmem>>)
        tpu.yield
      }) : () -> ()
      %mul3A_50 = arith.constant 331776 : i32
      %mul3A_51 = arith.muli %add3A_6, %mul3A_50 : i32
      %add3A_52 = arith.addi %mul3A_51, %add3A_49 : i32
      "tpu.region"() ({
        %run_scoped3A = tpu.sem_alloc : memref<!tpu.dma_semaphore, #tpu.memory_space<semaphore_mem>>
        %dma_start3A = tpu.memref_slice %arg2[%add3A_52] : memref<1327104xf32, #tpu.memory_space<hbm>> -> memref<192xf32, #tpu.memory_space<hbm>>
        %dma_start3A_59 = tpu.memref_slice %arg2[%add3A_52] : memref<1327104xf32, #tpu.memory_space<hbm>> -> memref<192xf32, #tpu.memory_space<hbm>>
        tpu.enqueue_dma source(%dma_start3A_59 : memref<192xf32, #tpu.memory_space<hbm>>) target(%arg8 : memref<192xf32, #tpu.memory_space<vmem>>) target_semaphore(%run_scoped3A : memref<!tpu.dma_semaphore, #tpu.memory_space<semaphore_mem>>)
        %dma_wait3A = tpu.memref_slice %arg2[%add3A_52] : memref<1327104xf32, #tpu.memory_space<hbm>> -> memref<192xf32, #tpu.memory_space<hbm>>
        %dma_wait3A_60 = tpu.memref_slice %arg2[%add3A_52] : memref<1327104xf32, #tpu.memory_space<hbm>> -> memref<192xf32, #tpu.memory_space<hbm>>
        tpu.wait_dma2 semaphore(%run_scoped3A : memref<!tpu.dma_semaphore, #tpu.memory_space<semaphore_mem>>) src(%dma_wait3A_60 : memref<192xf32, #tpu.memory_space<hbm>>) dst(%arg8 : memref<192xf32, #tpu.memory_space<vmem>>)
        tpu.yield
      }) : () -> ()
      %scan3A_53 = arith.constant 0 : i32
      %scan3A_54 = arith.constant 0 : i32
      %scan3A_55 = arith.constant 12 : i32
      %scan3A_56 = arith.addi %scan3A_54, %scan3A_55 : i32
      %scan3A_57 = arith.constant 1 : i32
      scf.for %scan3A_59 = %scan3A_54 to %scan3A_56 step %scan3A_57  : i32 {
        %mul3A_60 = arith.constant 16 : i32
        %mul3A_61 = arith.muli %scan3A_59, %mul3A_60 : i32
        %iota3A = tpu.iota {dimensions = array<i32: 0>} : vector<16xi32>
        %add3A_62 = vector.broadcast %mul3A_61 : i32 to vector<16xi32>
        %add3A_63 = arith.addi %add3A_62, %iota3A : vector<16xi32>
        %get3A = arith.index_cast %mul3A_61 : i32 to index
        %get3A_64 = tpu.vector_load %arg8[%get3A] {strides = array<i32>} : memref<192xf32, #tpu.memory_space<vmem>>, vector<16xf32>,
        %broadcast_in_dim3A = arith.constant 0 : i32
        %broadcast_in_dim3A_65 = vector.broadcast %broadcast_in_dim3A : i32 to vector<16xi32>
        tpu.vector_store_idx %arg9[%add3A_63, %broadcast_in_dim3A_65], %get3A_64 : memref<192x128xf32, #tpu.memory_space<vmem>>[vector<16xi32>, vector<16xi32>], vector<16xf32>,
      }
      %scan3A_58 = arith.constant 12 : i32
      "tpu.region"() ({
        %run_scoped3A = tpu.sem_alloc : memref<!tpu.dma_semaphore, #tpu.memory_space<semaphore_mem>>
        %dma_start3A = arith.constant 0 : i32
        %dma_start3A_59 = arith.constant 0 : i32
        %dma_start3A_60 = tpu.memref_slice %arg6[%dma_start3A, %dma_start3A_59] : memref<10240x128xf32, #tpu.memory_space<vmem_shared>> -> memref<10240x128xf32, #tpu.memory_space<vmem_shared>>
        tpu.enqueue_indirect_dma source(%arg9 : memref<192x128xf32, #tpu.memory_space<vmem>>) target(%dma_start3A_60 : memref<10240x128xf32, #tpu.memory_space<vmem_shared>>) offsets(%arg7 : memref<192xi32, #tpu.memory_space<vmem>>) semaphore(%run_scoped3A : memref<!tpu.dma_semaphore, #tpu.memory_space<semaphore_mem>>) {add = true}
        %dma_wait3A = arith.constant 0 : i32
        %dma_wait3A_61 = arith.constant 0 : i32
        %dma_wait3A_62 = tpu.memref_slice %arg6[%dma_wait3A, %dma_wait3A_61] : memref<10240x128xf32, #tpu.memory_space<vmem_shared>> -> memref<10240x128xf32, #tpu.memory_space<vmem_shared>>
        tpu.wait_indirect_dma semaphore(%run_scoped3A : memref<!tpu.dma_semaphore, #tpu.memory_space<semaphore_mem>>) src(%arg9 : memref<192x128xf32, #tpu.memory_space<vmem>>) dst(%dma_wait3A_62 : memref<10240x128xf32, #tpu.memory_space<vmem_shared>>)
        tpu.yield
      }) : () -> ()
    }
    %scan3A_16 = arith.constant 108 : i32
    %barrier3A_17 = arith.constant 0 : index
    tpu.barrier barrier_id(%barrier3A_17)
    %mul3A_18 = arith.constant 640 : i32
    %mul3A_19 = arith.muli %arg1, %mul3A_18 : i32
    %mul3A_20 = arith.constant 640 : i32
    %mul3A_21 = arith.muli %arg1, %mul3A_20 : i32
    "tpu.region"() ({
      %run_scoped3A = tpu.sem_alloc : memref<!tpu.dma_semaphore, #tpu.memory_space<semaphore_mem>>
      %dma_start3A = arith.constant 0 : i32
      %dma_start3A_44 = tpu.memref_slice %arg5[%add3A_6, %mul3A_21, %dma_start3A] : memref<4x10240x128xf32, #tpu.memory_space<hbm>> -> memref<1x640x128xf32, #tpu.memory_space<hbm>>
      %dma_start3A_45 = tpu.memref_squeeze %dma_start3A_44 : memref<1x640x128xf32, #tpu.memory_space<hbm>> -> memref<640x128xf32, #tpu.memory_space<hbm>>
      %dma_start3A_46 = arith.constant 0 : i32
      %dma_start3A_47 = tpu.memref_slice %arg6[%mul3A_19, %dma_start3A_46] : memref<10240x128xf32, #tpu.memory_space<vmem_shared>> -> memref<640x128xf32, #tpu.memory_space<vmem_shared>>
      tpu.enqueue_dma source(%dma_start3A_47 : memref<640x128xf32, #tpu.memory_space<vmem_shared>>) target(%dma_start3A_45 : memref<640x128xf32, #tpu.memory_space<hbm>>) target_semaphore(%run_scoped3A : memref<!tpu.dma_semaphore, #tpu.memory_space<semaphore_mem>>)
      %dma_wait3A = arith.constant 0 : i32
      %dma_wait3A_48 = tpu.memref_slice %arg5[%add3A_6, %mul3A_21, %dma_wait3A] : memref<4x10240x128xf32, #tpu.memory_space<hbm>> -> memref<1x640x128xf32, #tpu.memory_space<hbm>>
      %dma_wait3A_49 = tpu.memref_squeeze %dma_wait3A_48 : memref<1x640x128xf32, #tpu.memory_space<hbm>> -> memref<640x128xf32, #tpu.memory_space<hbm>>
      %dma_wait3A_50 = arith.constant 0 : i32
      %dma_wait3A_51 = tpu.memref_slice %arg6[%mul3A_19, %dma_wait3A_50] : memref<10240x128xf32, #tpu.memory_space<vmem_shared>> -> memref<640x128xf32, #tpu.memory_space<vmem_shared>>
      tpu.wait_dma2 semaphore(%run_scoped3A : memref<!tpu.dma_semaphore, #tpu.memory_space<semaphore_mem>>) src(%dma_wait3A_51 : memref<640x128xf32, #tpu.memory_space<vmem_shared>>) dst(%dma_wait3A_49 : memref<640x128xf32, #tpu.memory_space<hbm>>)
      tpu.yield
    }) : () -> ()
    %barrier3A_22 = arith.constant 0 : index
    tpu.barrier barrier_id(%barrier3A_22)
    %mul3A_23 = arith.constant 2 : i32
    %mul3A_24 = arith.muli %mul3A_23, %arg0 : i32
    %add3A_25 = arith.constant 1 : i32
    %add3A_26 = arith.addi %mul3A_24, %add3A_25 : i32
    %mul3A_27 = arith.constant 640 : i32
    %mul3A_28 = arith.muli %arg1, %mul3A_27 : i32
    %mul3A_29 = arith.constant 640 : i32
    %mul3A_30 = arith.muli %arg1, %mul3A_29 : i32
    "tpu.region"() ({
      %run_scoped3A = tpu.sem_alloc : memref<!tpu.dma_semaphore, #tpu.memory_space<semaphore_mem>>
      %dma_start3A = arith.constant 0 : i32
      %dma_start3A_44 = tpu.memref_slice %arg6[%mul3A_30, %dma_start3A] : memref<10240x128xf32, #tpu.memory_space<vmem_shared>> -> memref<640x128xf32, #tpu.memory_space<vmem_shared>>
      %dma_start3A_45 = arith.constant 0 : i32
      %dma_start3A_46 = tpu.memref_slice %arg4[%mul3A_28, %dma_start3A_45] : memref<10240x128xf32, #tpu.memory_space<hbm>> -> memref<640x128xf32, #tpu.memory_space<hbm>>
      tpu.enqueue_dma source(%dma_start3A_46 : memref<640x128xf32, #tpu.memory_space<hbm>>) target(%dma_start3A_44 : memref<640x128xf32, #tpu.memory_space<vmem_shared>>) target_semaphore(%run_scoped3A : memref<!tpu.dma_semaphore, #tpu.memory_space<semaphore_mem>>)
      %dma_wait3A = arith.constant 0 : i32
      %dma_wait3A_47 = tpu.memref_slice %arg6[%mul3A_30, %dma_wait3A] : memref<10240x128xf32, #tpu.memory_space<vmem_shared>> -> memref<640x128xf32, #tpu.memory_space<vmem_shared>>
      %dma_wait3A_48 = arith.constant 0 : i32
      %dma_wait3A_49 = tpu.memref_slice %arg4[%mul3A_28, %dma_wait3A_48] : memref<10240x128xf32, #tpu.memory_space<hbm>> -> memref<640x128xf32, #tpu.memory_space<hbm>>
      tpu.wait_dma2 semaphore(%run_scoped3A : memref<!tpu.dma_semaphore, #tpu.memory_space<semaphore_mem>>) src(%dma_wait3A_49 : memref<640x128xf32, #tpu.memory_space<hbm>>) dst(%dma_wait3A_47 : memref<640x128xf32, #tpu.memory_space<vmem_shared>>)
      tpu.yield
    }) : () -> ()
    %barrier3A_31 = arith.constant 0 : index
    tpu.barrier barrier_id(%barrier3A_31)
    %scan3A_32 = arith.constant 0 : i32
    %scan3A_33 = arith.constant 0 : i32
    %scan3A_34 = arith.constant 108 : i32
    %scan3A_35 = arith.addi %scan3A_33, %scan3A_34 : i32
    %scan3A_36 = arith.constant 1 : i32
    scf.for %scan3A_44 = %scan3A_33 to %scan3A_35 step %scan3A_36  : i32 {
      %mul3A_45 = arith.constant 20736 : i32
      %mul3A_46 = arith.muli %arg1, %mul3A_45 : i32
      %mul3A_47 = arith.constant 192 : i32
      %mul3A_48 = arith.muli %scan3A_44, %mul3A_47 : i32
      %add3A_49 = arith.addi %mul3A_46, %mul3A_48 : i32
      "tpu.region"() ({
        %run_scoped3A = tpu.sem_alloc : memref<!tpu.dma_semaphore, #tpu.memory_space<semaphore_mem>>
        %dma_start3A = tpu.memref_slice %arg3[%add3A_49] : memref<331776xi32, #tpu.memory_space<hbm>> -> memref<192xi32, #tpu.memory_space<hbm>>
        %dma_start3A_59 = tpu.memref_slice %arg3[%add3A_49] : memref<331776xi32, #tpu.memory_space<hbm>> -> memref<192xi32, #tpu.memory_space<hbm>>
        tpu.enqueue_dma source(%dma_start3A_59 : memref<192xi32, #tpu.memory_space<hbm>>) target(%arg7 : memref<192xi32, #tpu.memory_space<vmem>>) target_semaphore(%run_scoped3A : memref<!tpu.dma_semaphore, #tpu.memory_space<semaphore_mem>>)
        %dma_wait3A = tpu.memref_slice %arg3[%add3A_49] : memref<331776xi32, #tpu.memory_space<hbm>> -> memref<192xi32, #tpu.memory_space<hbm>>
        %dma_wait3A_60 = tpu.memref_slice %arg3[%add3A_49] : memref<331776xi32, #tpu.memory_space<hbm>> -> memref<192xi32, #tpu.memory_space<hbm>>
        tpu.wait_dma2 semaphore(%run_scoped3A : memref<!tpu.dma_semaphore, #tpu.memory_space<semaphore_mem>>) src(%dma_wait3A_60 : memref<192xi32, #tpu.memory_space<hbm>>) dst(%arg7 : memref<192xi32, #tpu.memory_space<vmem>>)
        tpu.yield
      }) : () -> ()
      %mul3A_50 = arith.constant 331776 : i32
      %mul3A_51 = arith.muli %add3A_26, %mul3A_50 : i32
      %add3A_52 = arith.addi %mul3A_51, %add3A_49 : i32
      "tpu.region"() ({
        %run_scoped3A = tpu.sem_alloc : memref<!tpu.dma_semaphore, #tpu.memory_space<semaphore_mem>>
        %dma_start3A = tpu.memref_slice %arg2[%add3A_52] : memref<1327104xf32, #tpu.memory_space<hbm>> -> memref<192xf32, #tpu.memory_space<hbm>>
        %dma_start3A_59 = tpu.memref_slice %arg2[%add3A_52] : memref<1327104xf32, #tpu.memory_space<hbm>> -> memref<192xf32, #tpu.memory_space<hbm>>
        tpu.enqueue_dma source(%dma_start3A_59 : memref<192xf32, #tpu.memory_space<hbm>>) target(%arg8 : memref<192xf32, #tpu.memory_space<vmem>>) target_semaphore(%run_scoped3A : memref<!tpu.dma_semaphore, #tpu.memory_space<semaphore_mem>>)
        %dma_wait3A = tpu.memref_slice %arg2[%add3A_52] : memref<1327104xf32, #tpu.memory_space<hbm>> -> memref<192xf32, #tpu.memory_space<hbm>>
        %dma_wait3A_60 = tpu.memref_slice %arg2[%add3A_52] : memref<1327104xf32, #tpu.memory_space<hbm>> -> memref<192xf32, #tpu.memory_space<hbm>>
        tpu.wait_dma2 semaphore(%run_scoped3A : memref<!tpu.dma_semaphore, #tpu.memory_space<semaphore_mem>>) src(%dma_wait3A_60 : memref<192xf32, #tpu.memory_space<hbm>>) dst(%arg8 : memref<192xf32, #tpu.memory_space<vmem>>)
        tpu.yield
      }) : () -> ()
      %scan3A_53 = arith.constant 0 : i32
      %scan3A_54 = arith.constant 0 : i32
      %scan3A_55 = arith.constant 12 : i32
      %scan3A_56 = arith.addi %scan3A_54, %scan3A_55 : i32
      %scan3A_57 = arith.constant 1 : i32
      scf.for %scan3A_59 = %scan3A_54 to %scan3A_56 step %scan3A_57  : i32 {
        %mul3A_60 = arith.constant 16 : i32
        %mul3A_61 = arith.muli %scan3A_59, %mul3A_60 : i32
        %iota3A = tpu.iota {dimensions = array<i32: 0>} : vector<16xi32>
        %add3A_62 = vector.broadcast %mul3A_61 : i32 to vector<16xi32>
        %add3A_63 = arith.addi %add3A_62, %iota3A : vector<16xi32>
        %get3A = arith.index_cast %mul3A_61 : i32 to index
        %get3A_64 = tpu.vector_load %arg8[%get3A] {strides = array<i32>} : memref<192xf32, #tpu.memory_space<vmem>>, vector<16xf32>,
        %broadcast_in_dim3A = arith.constant 0 : i32
        %broadcast_in_dim3A_65 = vector.broadcast %broadcast_in_dim3A : i32 to vector<16xi32>
        tpu.vector_store_idx %arg9[%add3A_63, %broadcast_in_dim3A_65], %get3A_64 : memref<192x128xf32, #tpu.memory_space<vmem>>[vector<16xi32>, vector<16xi32>], vector<16xf32>,
      }
      %scan3A_58 = arith.constant 12 : i32
      "tpu.region"() ({
        %run_scoped3A = tpu.sem_alloc : memref<!tpu.dma_semaphore, #tpu.memory_space<semaphore_mem>>
        %dma_start3A = arith.constant 0 : i32
        %dma_start3A_59 = arith.constant 0 : i32
        %dma_start3A_60 = tpu.memref_slice %arg6[%dma_start3A, %dma_start3A_59] : memref<10240x128xf32, #tpu.memory_space<vmem_shared>> -> memref<10240x128xf32, #tpu.memory_space<vmem_shared>>
        tpu.enqueue_indirect_dma source(%arg9 : memref<192x128xf32, #tpu.memory_space<vmem>>) target(%dma_start3A_60 : memref<10240x128xf32, #tpu.memory_space<vmem_shared>>) offsets(%arg7 : memref<192xi32, #tpu.memory_space<vmem>>) semaphore(%run_scoped3A : memref<!tpu.dma_semaphore, #tpu.memory_space<semaphore_mem>>) {add = true}
        %dma_wait3A = arith.constant 0 : i32
        %dma_wait3A_61 = arith.constant 0 : i32
        %dma_wait3A_62 = tpu.memref_slice %arg6[%dma_wait3A, %dma_wait3A_61] : memref<10240x128xf32, #tpu.memory_space<vmem_shared>> -> memref<10240x128xf32, #tpu.memory_space<vmem_shared>>
        tpu.wait_indirect_dma semaphore(%run_scoped3A : memref<!tpu.dma_semaphore, #tpu.memory_space<semaphore_mem>>) src(%arg9 : memref<192x128xf32, #tpu.memory_space<vmem>>) dst(%dma_wait3A_62 : memref<10240x128xf32, #tpu.memory_space<vmem_shared>>)
        tpu.yield
      }) : () -> ()
    }
    %scan3A_37 = arith.constant 108 : i32
    %barrier3A_38 = arith.constant 0 : index
    tpu.barrier barrier_id(%barrier3A_38)
    %mul3A_39 = arith.constant 640 : i32
    %mul3A_40 = arith.muli %arg1, %mul3A_39 : i32
    %mul3A_41 = arith.constant 640 : i32
    %mul3A_42 = arith.muli %arg1, %mul3A_41 : i32
    "tpu.region"() ({
      %run_scoped3A = tpu.sem_alloc : memref<!tpu.dma_semaphore, #tpu.memory_space<semaphore_mem>>
      %dma_start3A = arith.constant 0 : i32
      %dma_start3A_44 = tpu.memref_slice %arg5[%add3A_26, %mul3A_42, %dma_start3A] : memref<4x10240x128xf32, #tpu.memory_space<hbm>> -> memref<1x640x128xf32, #tpu.memory_space<hbm>>
      %dma_start3A_45 = tpu.memref_squeeze %dma_start3A_44 : memref<1x640x128xf32, #tpu.memory_space<hbm>> -> memref<640x128xf32, #tpu.memory_space<hbm>>
      %dma_start3A_46 = arith.constant 0 : i32
      %dma_start3A_47 = tpu.memref_slice %arg6[%mul3A_40, %dma_start3A_46] : memref<10240x128xf32, #tpu.memory_space<vmem_shared>> -> memref<640x128xf32, #tpu.memory_space<vmem_shared>>
      tpu.enqueue_dma source(%dma_start3A_47 : memref<640x128xf32, #tpu.memory_space<vmem_shared>>) target(%dma_start3A_45 : memref<640x128xf32, #tpu.memory_space<hbm>>) target_semaphore(%run_scoped3A : memref<!tpu.dma_semaphore, #tpu.memory_space<semaphore_mem>>)
      %dma_wait3A = arith.constant 0 : i32
      %dma_wait3A_48 = tpu.memref_slice %arg5[%add3A_26, %mul3A_42, %dma_wait3A] : memref<4x10240x128xf32, #tpu.memory_space<hbm>> -> memref<1x640x128xf32, #tpu.memory_space<hbm>>
      %dma_wait3A_49 = tpu.memref_squeeze %dma_wait3A_48 : memref<1x640x128xf32, #tpu.memory_space<hbm>> -> memref<640x128xf32, #tpu.memory_space<hbm>>
      %dma_wait3A_50 = arith.constant 0 : i32
      %dma_wait3A_51 = tpu.memref_slice %arg6[%mul3A_40, %dma_wait3A_50] : memref<10240x128xf32, #tpu.memory_space<vmem_shared>> -> memref<640x128xf32, #tpu.memory_space<vmem_shared>>
      tpu.wait_dma2 semaphore(%run_scoped3A : memref<!tpu.dma_semaphore, #tpu.memory_space<semaphore_mem>>) src(%dma_wait3A_51 : memref<640x128xf32, #tpu.memory_space<vmem_shared>>) dst(%dma_wait3A_49 : memref<640x128xf32, #tpu.memory_space<hbm>>)
      tpu.yield
    }) : () -> ()
    %barrier3A_43 = arith.constant 0 : index
    tpu.barrier barrier_id(%barrier3A_43)
    return
  }
}

#map = affine_map<(d0, d1) -> (0)>
#map1 = affine_map<(d0, d1) -> (0, 0)>
#map2 = affine_map<(d0, d1) -> (0, 0, 0)>
module attributes {stable_mosaic.version = 14 : i64} {
  func.func @_den_body(%arg0: i32, %arg1: i32, %arg2: memref<1327104xf32, #tpu.memory_space<hbm>>, %arg3: memref<331776xi32, #tpu.memory_space<hbm>>, %arg4: memref<10240x128xf32, #tpu.memory_space<hbm>>, %arg5: memref<4x10240x128xf32, #tpu.memory_space<hbm>>, %arg6: memref<10240x128xf32, #tpu.memory_space<vmem_shared>>, %arg7: memref<192xi32, #tpu.memory_space<vmem>>, %arg8: memref<192xf32, #tpu.memory_space<vmem>>, %arg9: memref<192x128xf32, #tpu.memory_space<vmem>>, %arg10: memref<!tpu.dma_semaphore, #tpu.memory_space<semaphore_mem>>) attributes {dimension_semantics = [#tpu.dimension_semantics<core_parallel>, #tpu.dimension_semantics<subcore_parallel>], iteration_bounds = array<i64: 2, 16>, scalar_prefetch = 0 : i64, scratch_operands = 5 : i64, tpu.core_type = #tpu.core_type<sc_vector_subcore>, window_params = [{transform_indices = #map}, {transform_indices = #map}, {transform_indices = #map1}, {transform_indices = #map2}]} {
    %scan3A = arith.constant 0 : i32
    %scan3A_0 = arith.constant 0 : i32
    %scan3A_1 = arith.constant 192 : i32
    %scan3A_2 = arith.addi %scan3A_0, %scan3A_1 : i32
    %scan3A_3 = arith.constant 1 : i32
    scf.for %scan3A_44 = %scan3A_0 to %scan3A_2 step %scan3A_3  : i32 {
      %broadcast_in_dim3A = arith.constant 0.000000e+00 : f32
      %broadcast_in_dim3A_45 = vector.broadcast %broadcast_in_dim3A : f32 to vector<16xf32>
      %swap3A = arith.index_cast %scan3A_44 : i32 to index
      %swap3A_46 = arith.constant 0 : index
      %swap3A_47 = tpu.vector_load %arg9[%swap3A, %swap3A_46] {strides = array<i32>} : memref<192x128xf32, #tpu.memory_space<vmem>>, vector<16xf32>,
      tpu.vector_store %arg9[%swap3A, %swap3A_46], %broadcast_in_dim3A_45 {strides = array<i32>} : memref<192x128xf32, #tpu.memory_space<vmem>>, vector<16xf32>,
      %broadcast_in_dim3A_48 = arith.constant 0.000000e+00 : f32
      %broadcast_in_dim3A_49 = vector.broadcast %broadcast_in_dim3A_48 : f32 to vector<16xf32>
      %swap3A_50 = arith.index_cast %scan3A_44 : i32 to index
      %swap3A_51 = arith.constant 16 : index
      %swap3A_52 = tpu.vector_load %arg9[%swap3A_50, %swap3A_51] {strides = array<i32>} : memref<192x128xf32, #tpu.memory_space<vmem>>, vector<16xf32>,
      tpu.vector_store %arg9[%swap3A_50, %swap3A_51], %broadcast_in_dim3A_49 {strides = array<i32>} : memref<192x128xf32, #tpu.memory_space<vmem>>, vector<16xf32>,
      %broadcast_in_dim3A_53 = arith.constant 0.000000e+00 : f32
      %broadcast_in_dim3A_54 = vector.broadcast %broadcast_in_dim3A_53 : f32 to vector<16xf32>
      %swap3A_55 = arith.index_cast %scan3A_44 : i32 to index
      %swap3A_56 = arith.constant 32 : index
      %swap3A_57 = tpu.vector_load %arg9[%swap3A_55, %swap3A_56] {strides = array<i32>} : memref<192x128xf32, #tpu.memory_space<vmem>>, vector<16xf32>,
      tpu.vector_store %arg9[%swap3A_55, %swap3A_56], %broadcast_in_dim3A_54 {strides = array<i32>} : memref<192x128xf32, #tpu.memory_space<vmem>>, vector<16xf32>,
      %broadcast_in_dim3A_58 = arith.constant 0.000000e+00 : f32
      %broadcast_in_dim3A_59 = vector.broadcast %broadcast_in_dim3A_58 : f32 to vector<16xf32>
      %swap3A_60 = arith.index_cast %scan3A_44 : i32 to index
      %swap3A_61 = arith.constant 48 : index
      %swap3A_62 = tpu.vector_load %arg9[%swap3A_60, %swap3A_61] {strides = array<i32>} : memref<192x128xf32, #tpu.memory_space<vmem>>, vector<16xf32>,
      tpu.vector_store %arg9[%swap3A_60, %swap3A_61], %broadcast_in_dim3A_59 {strides = array<i32>} : memref<192x128xf32, #tpu.memory_space<vmem>>, vector<16xf32>,
      %broadcast_in_dim3A_63 = arith.constant 0.000000e+00 : f32
      %broadcast_in_dim3A_64 = vector.broadcast %broadcast_in_dim3A_63 : f32 to vector<16xf32>
      %swap3A_65 = arith.index_cast %scan3A_44 : i32 to index
      %swap3A_66 = arith.constant 64 : index
      %swap3A_67 = tpu.vector_load %arg9[%swap3A_65, %swap3A_66] {strides = array<i32>} : memref<192x128xf32, #tpu.memory_space<vmem>>, vector<16xf32>,
      tpu.vector_store %arg9[%swap3A_65, %swap3A_66], %broadcast_in_dim3A_64 {strides = array<i32>} : memref<192x128xf32, #tpu.memory_space<vmem>>, vector<16xf32>,
      %broadcast_in_dim3A_68 = arith.constant 0.000000e+00 : f32
      %broadcast_in_dim3A_69 = vector.broadcast %broadcast_in_dim3A_68 : f32 to vector<16xf32>
      %swap3A_70 = arith.index_cast %scan3A_44 : i32 to index
      %swap3A_71 = arith.constant 80 : index
      %swap3A_72 = tpu.vector_load %arg9[%swap3A_70, %swap3A_71] {strides = array<i32>} : memref<192x128xf32, #tpu.memory_space<vmem>>, vector<16xf32>,
      tpu.vector_store %arg9[%swap3A_70, %swap3A_71], %broadcast_in_dim3A_69 {strides = array<i32>} : memref<192x128xf32, #tpu.memory_space<vmem>>, vector<16xf32>,
      %broadcast_in_dim3A_73 = arith.constant 0.000000e+00 : f32
      %broadcast_in_dim3A_74 = vector.broadcast %broadcast_in_dim3A_73 : f32 to vector<16xf32>
      %swap3A_75 = arith.index_cast %scan3A_44 : i32 to index
      %swap3A_76 = arith.constant 96 : index
      %swap3A_77 = tpu.vector_load %arg9[%swap3A_75, %swap3A_76] {strides = array<i32>} : memref<192x128xf32, #tpu.memory_space<vmem>>, vector<16xf32>,
      tpu.vector_store %arg9[%swap3A_75, %swap3A_76], %broadcast_in_dim3A_74 {strides = array<i32>} : memref<192x128xf32, #tpu.memory_space<vmem>>, vector<16xf32>,
      %broadcast_in_dim3A_78 = arith.constant 0.000000e+00 : f32
      %broadcast_in_dim3A_79 = vector.broadcast %broadcast_in_dim3A_78 : f32 to vector<16xf32>
      %swap3A_80 = arith.index_cast %scan3A_44 : i32 to index
      %swap3A_81 = arith.constant 112 : index
      %swap3A_82 = tpu.vector_load %arg9[%swap3A_80, %swap3A_81] {strides = array<i32>} : memref<192x128xf32, #tpu.memory_space<vmem>>, vector<16xf32>,
      tpu.vector_store %arg9[%swap3A_80, %swap3A_81], %broadcast_in_dim3A_79 {strides = array<i32>} : memref<192x128xf32, #tpu.memory_space<vmem>>, vector<16xf32>,
    }
    %scan3A_4 = arith.constant 192 : i32
    %mul3A = arith.constant 2 : i32
    %mul3A_5 = arith.muli %mul3A, %arg0 : i32
    %add3A = arith.constant 0 : i32
    %add3A_6 = arith.addi %mul3A_5, %add3A : i32
    %mul3A_7 = arith.constant 640 : i32
    %mul3A_8 = arith.muli %arg1, %mul3A_7 : i32
    %mul3A_9 = arith.constant 640 : i32
    %mul3A_10 = arith.muli %arg1, %mul3A_9 : i32
    "tpu.region"() ({
      %run_scoped3A = tpu.sem_alloc : memref<!tpu.dma_semaphore, #tpu.memory_space<semaphore_mem>>
      %dma_start3A = arith.constant 0 : i32
      %dma_start3A_44 = tpu.memref_slice %arg6[%mul3A_10, %dma_start3A] : memref<10240x128xf32, #tpu.memory_space<vmem_shared>> -> memref<640x128xf32, #tpu.memory_space<vmem_shared>>
      %dma_start3A_45 = arith.constant 0 : i32
      %dma_start3A_46 = tpu.memref_slice %arg4[%mul3A_8, %dma_start3A_45] : memref<10240x128xf32, #tpu.memory_space<hbm>> -> memref<640x128xf32, #tpu.memory_space<hbm>>
      tpu.enqueue_dma source(%dma_start3A_46 : memref<640x128xf32, #tpu.memory_space<hbm>>) target(%dma_start3A_44 : memref<640x128xf32, #tpu.memory_space<vmem_shared>>) target_semaphore(%run_scoped3A : memref<!tpu.dma_semaphore, #tpu.memory_space<semaphore_mem>>)
      %dma_wait3A = arith.constant 0 : i32
      %dma_wait3A_47 = tpu.memref_slice %arg6[%mul3A_10, %dma_wait3A] : memref<10240x128xf32, #tpu.memory_space<vmem_shared>> -> memref<640x128xf32, #tpu.memory_space<vmem_shared>>
      %dma_wait3A_48 = arith.constant 0 : i32
      %dma_wait3A_49 = tpu.memref_slice %arg4[%mul3A_8, %dma_wait3A_48] : memref<10240x128xf32, #tpu.memory_space<hbm>> -> memref<640x128xf32, #tpu.memory_space<hbm>>
      tpu.wait_dma2 semaphore(%run_scoped3A : memref<!tpu.dma_semaphore, #tpu.memory_space<semaphore_mem>>) src(%dma_wait3A_49 : memref<640x128xf32, #tpu.memory_space<hbm>>) dst(%dma_wait3A_47 : memref<640x128xf32, #tpu.memory_space<vmem_shared>>)
      tpu.yield
    }) : () -> ()
    %barrier3A = arith.constant 0 : index
    tpu.barrier barrier_id(%barrier3A)
    %scan3A_11 = arith.constant 0 : i32
    %scan3A_12 = arith.constant 0 : i32
    %scan3A_13 = arith.constant 108 : i32
    %scan3A_14 = arith.addi %scan3A_12, %scan3A_13 : i32
    %scan3A_15 = arith.constant 1 : i32
    scf.for %scan3A_44 = %scan3A_12 to %scan3A_14 step %scan3A_15  : i32 {
      %mul3A_45 = arith.constant 20736 : i32
      %mul3A_46 = arith.muli %arg1, %mul3A_45 : i32
      %mul3A_47 = arith.constant 192 : i32
      %mul3A_48 = arith.muli %scan3A_44, %mul3A_47 : i32
      %add3A_49 = arith.addi %mul3A_46, %mul3A_48 : i32
      "tpu.region"() ({
        %run_scoped3A = tpu.sem_alloc : memref<!tpu.dma_semaphore, #tpu.memory_space<semaphore_mem>>
        %dma_start3A = tpu.memref_slice %arg3[%add3A_49] : memref<331776xi32, #tpu.memory_space<hbm>> -> memref<192xi32, #tpu.memory_space<hbm>>
        %dma_start3A_59 = tpu.memref_slice %arg3[%add3A_49] : memref<331776xi32, #tpu.memory_space<hbm>> -> memref<192xi32, #tpu.memory_space<hbm>>
        tpu.enqueue_dma source(%dma_start3A_59 : memref<192xi32, #tpu.memory_space<hbm>>) target(%arg7 : memref<192xi32, #tpu.memory_space<vmem>>) target_semaphore(%run_scoped3A : memref<!tpu.dma_semaphore, #tpu.memory_space<semaphore_mem>>)
        %dma_wait3A = tpu.memref_slice %arg3[%add3A_49] : memref<331776xi32, #tpu.memory_space<hbm>> -> memref<192xi32, #tpu.memory_space<hbm>>
        %dma_wait3A_60 = tpu.memref_slice %arg3[%add3A_49] : memref<331776xi32, #tpu.memory_space<hbm>> -> memref<192xi32, #tpu.memory_space<hbm>>
        tpu.wait_dma2 semaphore(%run_scoped3A : memref<!tpu.dma_semaphore, #tpu.memory_space<semaphore_mem>>) src(%dma_wait3A_60 : memref<192xi32, #tpu.memory_space<hbm>>) dst(%arg7 : memref<192xi32, #tpu.memory_space<vmem>>)
        tpu.yield
      }) : () -> ()
      %mul3A_50 = arith.constant 331776 : i32
      %mul3A_51 = arith.muli %add3A_6, %mul3A_50 : i32
      %add3A_52 = arith.addi %mul3A_51, %add3A_49 : i32
      "tpu.region"() ({
        %run_scoped3A = tpu.sem_alloc : memref<!tpu.dma_semaphore, #tpu.memory_space<semaphore_mem>>
        %dma_start3A = tpu.memref_slice %arg2[%add3A_52] : memref<1327104xf32, #tpu.memory_space<hbm>> -> memref<192xf32, #tpu.memory_space<hbm>>
        %dma_start3A_59 = tpu.memref_slice %arg2[%add3A_52] : memref<1327104xf32, #tpu.memory_space<hbm>> -> memref<192xf32, #tpu.memory_space<hbm>>
        tpu.enqueue_dma source(%dma_start3A_59 : memref<192xf32, #tpu.memory_space<hbm>>) target(%arg8 : memref<192xf32, #tpu.memory_space<vmem>>) target_semaphore(%run_scoped3A : memref<!tpu.dma_semaphore, #tpu.memory_space<semaphore_mem>>)
        %dma_wait3A = tpu.memref_slice %arg2[%add3A_52] : memref<1327104xf32, #tpu.memory_space<hbm>> -> memref<192xf32, #tpu.memory_space<hbm>>
        %dma_wait3A_60 = tpu.memref_slice %arg2[%add3A_52] : memref<1327104xf32, #tpu.memory_space<hbm>> -> memref<192xf32, #tpu.memory_space<hbm>>
        tpu.wait_dma2 semaphore(%run_scoped3A : memref<!tpu.dma_semaphore, #tpu.memory_space<semaphore_mem>>) src(%dma_wait3A_60 : memref<192xf32, #tpu.memory_space<hbm>>) dst(%arg8 : memref<192xf32, #tpu.memory_space<vmem>>)
        tpu.yield
      }) : () -> ()
      %scan3A_53 = arith.constant 0 : i32
      %scan3A_54 = arith.constant 0 : i32
      %scan3A_55 = arith.constant 12 : i32
      %scan3A_56 = arith.addi %scan3A_54, %scan3A_55 : i32
      %scan3A_57 = arith.constant 1 : i32
      scf.for %scan3A_59 = %scan3A_54 to %scan3A_56 step %scan3A_57  : i32 {
        %mul3A_60 = arith.constant 16 : i32
        %mul3A_61 = arith.muli %scan3A_59, %mul3A_60 : i32
        %iota3A = tpu.iota {dimensions = array<i32: 0>} : vector<16xi32>
        %add3A_62 = vector.broadcast %mul3A_61 : i32 to vector<16xi32>
        %add3A_63 = arith.addi %add3A_62, %iota3A : vector<16xi32>
        %get3A = arith.index_cast %mul3A_61 : i32 to index
        %get3A_64 = tpu.vector_load %arg8[%get3A] {strides = array<i32>} : memref<192xf32, #tpu.memory_space<vmem>>, vector<16xf32>,
        %broadcast_in_dim3A = arith.constant 0 : i32
        %broadcast_in_dim3A_65 = vector.broadcast %broadcast_in_dim3A : i32 to vector<16xi32>
        tpu.vector_store_idx %arg9[%add3A_63, %broadcast_in_dim3A_65], %get3A_64 : memref<192x128xf32, #tpu.memory_space<vmem>>[vector<16xi32>, vector<16xi32>], vector<16xf32>,
      }
      %scan3A_58 = arith.constant 12 : i32
      "tpu.region"() ({
        %run_scoped3A = tpu.sem_alloc : memref<!tpu.dma_semaphore, #tpu.memory_space<semaphore_mem>>
        %dma_start3A = arith.constant 0 : i32
        %dma_start3A_59 = arith.constant 0 : i32
        %dma_start3A_60 = tpu.memref_slice %arg6[%dma_start3A, %dma_start3A_59] : memref<10240x128xf32, #tpu.memory_space<vmem_shared>> -> memref<10240x128xf32, #tpu.memory_space<vmem_shared>>
        tpu.enqueue_indirect_dma source(%arg9 : memref<192x128xf32, #tpu.memory_space<vmem>>) target(%dma_start3A_60 : memref<10240x128xf32, #tpu.memory_space<vmem_shared>>) offsets(%arg7 : memref<192xi32, #tpu.memory_space<vmem>>) semaphore(%run_scoped3A : memref<!tpu.dma_semaphore, #tpu.memory_space<semaphore_mem>>) {add = true}
        %dma_wait3A = arith.constant 0 : i32
        %dma_wait3A_61 = arith.constant 0 : i32
        %dma_wait3A_62 = tpu.memref_slice %arg6[%dma_wait3A, %dma_wait3A_61] : memref<10240x128xf32, #tpu.memory_space<vmem_shared>> -> memref<10240x128xf32, #tpu.memory_space<vmem_shared>>
        tpu.wait_indirect_dma semaphore(%run_scoped3A : memref<!tpu.dma_semaphore, #tpu.memory_space<semaphore_mem>>) src(%arg9 : memref<192x128xf32, #tpu.memory_space<vmem>>) dst(%dma_wait3A_62 : memref<10240x128xf32, #tpu.memory_space<vmem_shared>>)
        tpu.yield
      }) : () -> ()
    }
    %scan3A_16 = arith.constant 108 : i32
    %barrier3A_17 = arith.constant 0 : index
    tpu.barrier barrier_id(%barrier3A_17)
    %mul3A_18 = arith.constant 640 : i32
    %mul3A_19 = arith.muli %arg1, %mul3A_18 : i32
    %mul3A_20 = arith.constant 640 : i32
    %mul3A_21 = arith.muli %arg1, %mul3A_20 : i32
    "tpu.region"() ({
      %run_scoped3A = tpu.sem_alloc : memref<!tpu.dma_semaphore, #tpu.memory_space<semaphore_mem>>
      %dma_start3A = arith.constant 0 : i32
      %dma_start3A_44 = tpu.memref_slice %arg5[%add3A_6, %mul3A_21, %dma_start3A] : memref<4x10240x128xf32, #tpu.memory_space<hbm>> -> memref<1x640x128xf32, #tpu.memory_space<hbm>>
      %dma_start3A_45 = tpu.memref_squeeze %dma_start3A_44 : memref<1x640x128xf32, #tpu.memory_space<hbm>> -> memref<640x128xf32, #tpu.memory_space<hbm>>
      %dma_start3A_46 = arith.constant 0 : i32
      %dma_start3A_47 = tpu.memref_slice %arg6[%mul3A_19, %dma_start3A_46] : memref<10240x128xf32, #tpu.memory_space<vmem_shared>> -> memref<640x128xf32, #tpu.memory_space<vmem_shared>>
      tpu.enqueue_dma source(%dma_start3A_47 : memref<640x128xf32, #tpu.memory_space<vmem_shared>>) target(%dma_start3A_45 : memref<640x128xf32, #tpu.memory_space<hbm>>) target_semaphore(%run_scoped3A : memref<!tpu.dma_semaphore, #tpu.memory_space<semaphore_mem>>)
      %dma_wait3A = arith.constant 0 : i32
      %dma_wait3A_48 = tpu.memref_slice %arg5[%add3A_6, %mul3A_21, %dma_wait3A] : memref<4x10240x128xf32, #tpu.memory_space<hbm>> -> memref<1x640x128xf32, #tpu.memory_space<hbm>>
      %dma_wait3A_49 = tpu.memref_squeeze %dma_wait3A_48 : memref<1x640x128xf32, #tpu.memory_space<hbm>> -> memref<640x128xf32, #tpu.memory_space<hbm>>
      %dma_wait3A_50 = arith.constant 0 : i32
      %dma_wait3A_51 = tpu.memref_slice %arg6[%mul3A_19, %dma_wait3A_50] : memref<10240x128xf32, #tpu.memory_space<vmem_shared>> -> memref<640x128xf32, #tpu.memory_space<vmem_shared>>
      tpu.wait_dma2 semaphore(%run_scoped3A : memref<!tpu.dma_semaphore, #tpu.memory_space<semaphore_mem>>) src(%dma_wait3A_51 : memref<640x128xf32, #tpu.memory_space<vmem_shared>>) dst(%dma_wait3A_49 : memref<640x128xf32, #tpu.memory_space<hbm>>)
      tpu.yield
    }) : () -> ()
    %barrier3A_22 = arith.constant 0 : index
    tpu.barrier barrier_id(%barrier3A_22)
    %mul3A_23 = arith.constant 2 : i32
    %mul3A_24 = arith.muli %mul3A_23, %arg0 : i32
    %add3A_25 = arith.constant 1 : i32
    %add3A_26 = arith.addi %mul3A_24, %add3A_25 : i32
    %mul3A_27 = arith.constant 640 : i32
    %mul3A_28 = arith.muli %arg1, %mul3A_27 : i32
    %mul3A_29 = arith.constant 640 : i32
    %mul3A_30 = arith.muli %arg1, %mul3A_29 : i32
    "tpu.region"() ({
      %run_scoped3A = tpu.sem_alloc : memref<!tpu.dma_semaphore, #tpu.memory_space<semaphore_mem>>
      %dma_start3A = arith.constant 0 : i32
      %dma_start3A_44 = tpu.memref_slice %arg6[%mul3A_30, %dma_start3A] : memref<10240x128xf32, #tpu.memory_space<vmem_shared>> -> memref<640x128xf32, #tpu.memory_space<vmem_shared>>
      %dma_start3A_45 = arith.constant 0 : i32
      %dma_start3A_46 = tpu.memref_slice %arg4[%mul3A_28, %dma_start3A_45] : memref<10240x128xf32, #tpu.memory_space<hbm>> -> memref<640x128xf32, #tpu.memory_space<hbm>>
      tpu.enqueue_dma source(%dma_start3A_46 : memref<640x128xf32, #tpu.memory_space<hbm>>) target(%dma_start3A_44 : memref<640x128xf32, #tpu.memory_space<vmem_shared>>) target_semaphore(%run_scoped3A : memref<!tpu.dma_semaphore, #tpu.memory_space<semaphore_mem>>)
      %dma_wait3A = arith.constant 0 : i32
      %dma_wait3A_47 = tpu.memref_slice %arg6[%mul3A_30, %dma_wait3A] : memref<10240x128xf32, #tpu.memory_space<vmem_shared>> -> memref<640x128xf32, #tpu.memory_space<vmem_shared>>
      %dma_wait3A_48 = arith.constant 0 : i32
      %dma_wait3A_49 = tpu.memref_slice %arg4[%mul3A_28, %dma_wait3A_48] : memref<10240x128xf32, #tpu.memory_space<hbm>> -> memref<640x128xf32, #tpu.memory_space<hbm>>
      tpu.wait_dma2 semaphore(%run_scoped3A : memref<!tpu.dma_semaphore, #tpu.memory_space<semaphore_mem>>) src(%dma_wait3A_49 : memref<640x128xf32, #tpu.memory_space<hbm>>) dst(%dma_wait3A_47 : memref<640x128xf32, #tpu.memory_space<vmem_shared>>)
      tpu.yield
    }) : () -> ()
    %barrier3A_31 = arith.constant 0 : index
    tpu.barrier barrier_id(%barrier3A_31)
    %scan3A_32 = arith.constant 0 : i32
    %scan3A_33 = arith.constant 0 : i32
    %scan3A_34 = arith.constant 108 : i32
    %scan3A_35 = arith.addi %scan3A_33, %scan3A_34 : i32
    %scan3A_36 = arith.constant 1 : i32
    scf.for %scan3A_44 = %scan3A_33 to %scan3A_35 step %scan3A_36  : i32 {
      %mul3A_45 = arith.constant 20736 : i32
      %mul3A_46 = arith.muli %arg1, %mul3A_45 : i32
      %mul3A_47 = arith.constant 192 : i32
      %mul3A_48 = arith.muli %scan3A_44, %mul3A_47 : i32
      %add3A_49 = arith.addi %mul3A_46, %mul3A_48 : i32
      "tpu.region"() ({
        %run_scoped3A = tpu.sem_alloc : memref<!tpu.dma_semaphore, #tpu.memory_space<semaphore_mem>>
        %dma_start3A = tpu.memref_slice %arg3[%add3A_49] : memref<331776xi32, #tpu.memory_space<hbm>> -> memref<192xi32, #tpu.memory_space<hbm>>
        %dma_start3A_59 = tpu.memref_slice %arg3[%add3A_49] : memref<331776xi32, #tpu.memory_space<hbm>> -> memref<192xi32, #tpu.memory_space<hbm>>
        tpu.enqueue_dma source(%dma_start3A_59 : memref<192xi32, #tpu.memory_space<hbm>>) target(%arg7 : memref<192xi32, #tpu.memory_space<vmem>>) target_semaphore(%run_scoped3A : memref<!tpu.dma_semaphore, #tpu.memory_space<semaphore_mem>>)
        %dma_wait3A = tpu.memref_slice %arg3[%add3A_49] : memref<331776xi32, #tpu.memory_space<hbm>> -> memref<192xi32, #tpu.memory_space<hbm>>
        %dma_wait3A_60 = tpu.memref_slice %arg3[%add3A_49] : memref<331776xi32, #tpu.memory_space<hbm>> -> memref<192xi32, #tpu.memory_space<hbm>>
        tpu.wait_dma2 semaphore(%run_scoped3A : memref<!tpu.dma_semaphore, #tpu.memory_space<semaphore_mem>>) src(%dma_wait3A_60 : memref<192xi32, #tpu.memory_space<hbm>>) dst(%arg7 : memref<192xi32, #tpu.memory_space<vmem>>)
        tpu.yield
      }) : () -> ()
      %mul3A_50 = arith.constant 331776 : i32
      %mul3A_51 = arith.muli %add3A_26, %mul3A_50 : i32
      %add3A_52 = arith.addi %mul3A_51, %add3A_49 : i32
      "tpu.region"() ({
        %run_scoped3A = tpu.sem_alloc : memref<!tpu.dma_semaphore, #tpu.memory_space<semaphore_mem>>
        %dma_start3A = tpu.memref_slice %arg2[%add3A_52] : memref<1327104xf32, #tpu.memory_space<hbm>> -> memref<192xf32, #tpu.memory_space<hbm>>
        %dma_start3A_59 = tpu.memref_slice %arg2[%add3A_52] : memref<1327104xf32, #tpu.memory_space<hbm>> -> memref<192xf32, #tpu.memory_space<hbm>>
        tpu.enqueue_dma source(%dma_start3A_59 : memref<192xf32, #tpu.memory_space<hbm>>) target(%arg8 : memref<192xf32, #tpu.memory_space<vmem>>) target_semaphore(%run_scoped3A : memref<!tpu.dma_semaphore, #tpu.memory_space<semaphore_mem>>)
        %dma_wait3A = tpu.memref_slice %arg2[%add3A_52] : memref<1327104xf32, #tpu.memory_space<hbm>> -> memref<192xf32, #tpu.memory_space<hbm>>
        %dma_wait3A_60 = tpu.memref_slice %arg2[%add3A_52] : memref<1327104xf32, #tpu.memory_space<hbm>> -> memref<192xf32, #tpu.memory_space<hbm>>
        tpu.wait_dma2 semaphore(%run_scoped3A : memref<!tpu.dma_semaphore, #tpu.memory_space<semaphore_mem>>) src(%dma_wait3A_60 : memref<192xf32, #tpu.memory_space<hbm>>) dst(%arg8 : memref<192xf32, #tpu.memory_space<vmem>>)
        tpu.yield
      }) : () -> ()
      %scan3A_53 = arith.constant 0 : i32
      %scan3A_54 = arith.constant 0 : i32
      %scan3A_55 = arith.constant 12 : i32
      %scan3A_56 = arith.addi %scan3A_54, %scan3A_55 : i32
      %scan3A_57 = arith.constant 1 : i32
      scf.for %scan3A_59 = %scan3A_54 to %scan3A_56 step %scan3A_57  : i32 {
        %mul3A_60 = arith.constant 16 : i32
        %mul3A_61 = arith.muli %scan3A_59, %mul3A_60 : i32
        %iota3A = tpu.iota {dimensions = array<i32: 0>} : vector<16xi32>
        %add3A_62 = vector.broadcast %mul3A_61 : i32 to vector<16xi32>
        %add3A_63 = arith.addi %add3A_62, %iota3A : vector<16xi32>
        %get3A = arith.index_cast %mul3A_61 : i32 to index
        %get3A_64 = tpu.vector_load %arg8[%get3A] {strides = array<i32>} : memref<192xf32, #tpu.memory_space<vmem>>, vector<16xf32>,
        %broadcast_in_dim3A = arith.constant 0 : i32
        %broadcast_in_dim3A_65 = vector.broadcast %broadcast_in_dim3A : i32 to vector<16xi32>
        tpu.vector_store_idx %arg9[%add3A_63, %broadcast_in_dim3A_65], %get3A_64 : memref<192x128xf32, #tpu.memory_space<vmem>>[vector<16xi32>, vector<16xi32>], vector<16xf32>,
      }
      %scan3A_58 = arith.constant 12 : i32
      "tpu.region"() ({
        %run_scoped3A = tpu.sem_alloc : memref<!tpu.dma_semaphore, #tpu.memory_space<semaphore_mem>>
        %dma_start3A = arith.constant 0 : i32
        %dma_start3A_59 = arith.constant 0 : i32
        %dma_start3A_60 = tpu.memref_slice %arg6[%dma_start3A, %dma_start3A_59] : memref<10240x128xf32, #tpu.memory_space<vmem_shared>> -> memref<10240x128xf32, #tpu.memory_space<vmem_shared>>
        tpu.enqueue_indirect_dma source(%arg9 : memref<192x128xf32, #tpu.memory_space<vmem>>) target(%dma_start3A_60 : memref<10240x128xf32, #tpu.memory_space<vmem_shared>>) offsets(%arg7 : memref<192xi32, #tpu.memory_space<vmem>>) semaphore(%run_scoped3A : memref<!tpu.dma_semaphore, #tpu.memory_space<semaphore_mem>>) {add = true}
        %dma_wait3A = arith.constant 0 : i32
        %dma_wait3A_61 = arith.constant 0 : i32
        %dma_wait3A_62 = tpu.memref_slice %arg6[%dma_wait3A, %dma_wait3A_61] : memref<10240x128xf32, #tpu.memory_space<vmem_shared>> -> memref<10240x128xf32, #tpu.memory_space<vmem_shared>>
        tpu.wait_indirect_dma semaphore(%run_scoped3A : memref<!tpu.dma_semaphore, #tpu.memory_space<semaphore_mem>>) src(%arg9 : memref<192x128xf32, #tpu.memory_space<vmem>>) dst(%dma_wait3A_62 : memref<10240x128xf32, #tpu.memory_space<vmem_shared>>)
        tpu.yield
      }) : () -> ()
    }
    %scan3A_37 = arith.constant 108 : i32
    %barrier3A_38 = arith.constant 0 : index
    tpu.barrier barrier_id(%barrier3A_38)
    %mul3A_39 = arith.constant 640 : i32
    %mul3A_40 = arith.muli %arg1, %mul3A_39 : i32
    %mul3A_41 = arith.constant 640 : i32
    %mul3A_42 = arith.muli %arg1, %mul3A_41 : i32
    "tpu.region"() ({
      %run_scoped3A = tpu.sem_alloc : memref<!tpu.dma_semaphore, #tpu.memory_space<semaphore_mem>>
      %dma_start3A = arith.constant 0 : i32
      %dma_start3A_44 = tpu.memref_slice %arg5[%add3A_26, %mul3A_42, %dma_start3A] : memref<4x10240x128xf32, #tpu.memory_space<hbm>> -> memref<1x640x128xf32, #tpu.memory_space<hbm>>
      %dma_start3A_45 = tpu.memref_squeeze %dma_start3A_44 : memref<1x640x128xf32, #tpu.memory_space<hbm>> -> memref<640x128xf32, #tpu.memory_space<hbm>>
      %dma_start3A_46 = arith.constant 0 : i32
      %dma_start3A_47 = tpu.memref_slice %arg6[%mul3A_40, %dma_start3A_46] : memref<10240x128xf32, #tpu.memory_space<vmem_shared>> -> memref<640x128xf32, #tpu.memory_space<vmem_shared>>
      tpu.enqueue_dma source(%dma_start3A_47 : memref<640x128xf32, #tpu.memory_space<vmem_shared>>) target(%dma_start3A_45 : memref<640x128xf32, #tpu.memory_space<hbm>>) target_semaphore(%run_scoped3A : memref<!tpu.dma_semaphore, #tpu.memory_space<semaphore_mem>>)
      %dma_wait3A = arith.constant 0 : i32
      %dma_wait3A_48 = tpu.memref_slice %arg5[%add3A_26, %mul3A_42, %dma_wait3A] : memref<4x10240x128xf32, #tpu.memory_space<hbm>> -> memref<1x640x128xf32, #tpu.memory_space<hbm>>
      %dma_wait3A_49 = tpu.memref_squeeze %dma_wait3A_48 : memref<1x640x128xf32, #tpu.memory_space<hbm>> -> memref<640x128xf32, #tpu.memory_space<hbm>>
      %dma_wait3A_50 = arith.constant 0 : i32
      %dma_wait3A_51 = tpu.memref_slice %arg6[%mul3A_40, %dma_wait3A_50] : memref<10240x128xf32, #tpu.memory_space<vmem_shared>> -> memref<640x128xf32, #tpu.memory_space<vmem_shared>>
      tpu.wait_dma2 semaphore(%run_scoped3A : memref<!tpu.dma_semaphore, #tpu.memory_space<semaphore_mem>>) src(%dma_wait3A_51 : memref<640x128xf32, #tpu.memory_space<vmem_shared>>) dst(%dma_wait3A_49 : memref<640x128xf32, #tpu.memory_space<hbm>>)
      tpu.yield
    }) : () -> ()
    %barrier3A_43 = arith.constant 0 : index
    tpu.barrier barrier_id(%barrier3A_43)
    return
  }
}

module attributes {stable_mosaic.version = 14 : i64} {
  func.func @_proj_body(%arg0: i32, %arg1: i32, %arg2: memref<512x128xf32, #tpu.memory_space<vmem>>, %arg3: memref<1x128x128xf32, #tpu.memory_space<vmem>>, %arg4: memref<4x128x128xf32, #tpu.memory_space<vmem>>, %arg5: memref<4x128xf32, #tpu.memory_space<vmem>>, %arg6: memref<4x128xf32, #tpu.memory_space<vmem>>, %arg7: memref<1x512x128xf32, #tpu.memory_space<vmem>>, %arg8: memref<16x512xf32, #tpu.memory_space<vmem>>) attributes {dimension_semantics = [#tpu.dimension_semantics<arbitrary>, #tpu.dimension_semantics<arbitrary>], iteration_bounds = array<i64: 4, 20>, scalar_prefetch = 0 : i64, scratch_operands = 0 : i64, tpu.core_type = #tpu.core_type<tc>, window_params = [{transform_indices = @transform_0, window_bounds = array<i64: 512, 128>}, {transform_indices = @transform_1, window_bounds = array<i64: 1, 128, 128>}, {pipeline_mode = #tpu.pipeline_mode<synchronous>, transform_indices = @transform_2, window_bounds = array<i64: 4, 128, 128>}, {pipeline_mode = #tpu.pipeline_mode<synchronous>, transform_indices = @transform_3, window_bounds = array<i64: 4, 128>}, {pipeline_mode = #tpu.pipeline_mode<synchronous>, transform_indices = @transform_4, window_bounds = array<i64: 4, 128>}, {transform_indices = @transform_5, window_bounds = array<i64: 1, 512, 128>}, {transform_indices = @transform_6, window_bounds = array<i64: 16, 512>}]} {
    %get3A = arith.constant 0 : index
    %get3A_0 = arith.constant 0 : index
    %get3A_1 = vector.load %arg2[%get3A, %get3A_0] : memref<512x128xf32, #tpu.memory_space<vmem>>, vector<512x128xf32>
    %get3A_2 = arith.constant 0 : index
    %get3A_3 = arith.constant 0 : index
    %get3A_4 = arith.constant 0 : index
    %get3A_5 = vector.load %arg3[%get3A_2, %get3A_3, %get3A_4] : memref<1x128x128xf32, #tpu.memory_space<vmem>>, vector<1x128x128xf32>
    %get3A_6 = vector.shape_cast %get3A_5 : vector<1x128x128xf32> to vector<128x128xf32>
    %dot_general3A = arith.constant dense<0.000000e+00> : vector<512x128xf32>
    %dot_general3A_7 = tpu.matmul %get3A_1, %get3A_6, %dot_general3A {dimension_numbers = #tpu.dot_dimension_numbers<[1], [1], [0], [0], [0, 0, 1, 0], [], []>, transpose_lhs_hint = false} : vector<512x128xf32>, vector<128x128xf32>, vector<512x128xf32> -> vector<512x128xf32>
    %broadcast_in_dim3A = vector.shape_cast %dot_general3A_7 : vector<512x128xf32> to vector<1x512x128xf32>
    %swap3A = arith.constant 0 : index
    %swap3A_8 = arith.constant 0 : index
    %swap3A_9 = arith.constant 0 : index
    %swap3A_10 = vector.load %arg7[%swap3A, %swap3A_8, %swap3A_9] : memref<1x512x128xf32, #tpu.memory_space<vmem>>, vector<1x512x128xf32>
    tpu.vector_store %arg7[%swap3A, %swap3A_8, %swap3A_9], %broadcast_in_dim3A {strides = array<i32>} : memref<1x512x128xf32, #tpu.memory_space<vmem>>, vector<1x512x128xf32>,
    %get3A_11 = arith.constant 0 : index
    %get3A_12 = arith.constant 0 : index
    %get3A_13 = arith.constant 0 : index
    %get3A_14 = vector.load %arg4[%get3A_11, %get3A_12, %get3A_13] : memref<4x128x128xf32, #tpu.memory_space<vmem>>, vector<1x128x128xf32>
    %get3A_15 = vector.shape_cast %get3A_14 : vector<1x128x128xf32> to vector<128x128xf32>
    %get3A_16 = arith.constant 0 : index
    %get3A_17 = arith.constant 0 : index
    %get3A_18 = vector.load %arg5[%get3A_16, %get3A_17] : memref<4x128xf32, #tpu.memory_space<vmem>>, vector<1x128xf32>
    %dot_general3A_19 = arith.constant dense<0.000000e+00> : vector<1x128xf32>
    %dot_general3A_20 = tpu.matmul %get3A_18, %get3A_15, %dot_general3A_19 {dimension_numbers = #tpu.dot_dimension_numbers<[1], [0], [0], [1], [0, 0, 1, 1], [], []>, transpose_lhs_hint = false} : vector<1x128xf32>, vector<128x128xf32>, vector<1x128xf32> -> vector<1x128xf32>
    %get3A_21 = arith.constant 0 : index
    %get3A_22 = arith.constant 0 : index
    %get3A_23 = vector.load %arg6[%get3A_21, %get3A_22] : memref<4x128xf32, #tpu.memory_space<vmem>>, vector<1x128xf32>
    %dot_general3A_24 = arith.constant dense<0.000000e+00> : vector<1x128xf32>
    %dot_general3A_25 = tpu.matmul %get3A_23, %get3A_15, %dot_general3A_24 {dimension_numbers = #tpu.dot_dimension_numbers<[1], [0], [0], [1], [0, 0, 1, 1], [], []>, transpose_lhs_hint = false} : vector<1x128xf32>, vector<128x128xf32>, vector<1x128xf32> -> vector<1x128xf32>
    %get3A_26 = arith.constant 1 : index
    %get3A_27 = arith.constant 0 : index
    %get3A_28 = arith.constant 0 : index
    %get3A_29 = vector.load %arg4[%get3A_26, %get3A_27, %get3A_28] : memref<4x128x128xf32, #tpu.memory_space<vmem>>, vector<1x128x128xf32>
    %get3A_30 = vector.shape_cast %get3A_29 : vector<1x128x128xf32> to vector<128x128xf32>
    %get3A_31 = arith.constant 1 : index
    %get3A_32 = arith.constant 0 : index
    %get3A_33 = vector.load %arg5[%get3A_31, %get3A_32] : memref<4x128xf32, #tpu.memory_space<vmem>>, vector<1x128xf32>
    %dot_general3A_34 = arith.constant dense<0.000000e+00> : vector<1x128xf32>
    %dot_general3A_35 = tpu.matmul %get3A_33, %get3A_30, %dot_general3A_34 {dimension_numbers = #tpu.dot_dimension_numbers<[1], [0], [0], [1], [0, 0, 1, 1], [], []>, transpose_lhs_hint = false} : vector<1x128xf32>, vector<128x128xf32>, vector<1x128xf32> -> vector<1x128xf32>
    %get3A_36 = arith.constant 1 : index
    %get3A_37 = arith.constant 0 : index
    %get3A_38 = vector.load %arg6[%get3A_36, %get3A_37] : memref<4x128xf32, #tpu.memory_space<vmem>>, vector<1x128xf32>
    %dot_general3A_39 = arith.constant dense<0.000000e+00> : vector<1x128xf32>
    %dot_general3A_40 = tpu.matmul %get3A_38, %get3A_30, %dot_general3A_39 {dimension_numbers = #tpu.dot_dimension_numbers<[1], [0], [0], [1], [0, 0, 1, 1], [], []>, transpose_lhs_hint = false} : vector<1x128xf32>, vector<128x128xf32>, vector<1x128xf32> -> vector<1x128xf32>
    %get3A_41 = arith.constant 2 : index
    %get3A_42 = arith.constant 0 : index
    %get3A_43 = arith.constant 0 : index
    %get3A_44 = vector.load %arg4[%get3A_41, %get3A_42, %get3A_43] : memref<4x128x128xf32, #tpu.memory_space<vmem>>, vector<1x128x128xf32>
    %get3A_45 = vector.shape_cast %get3A_44 : vector<1x128x128xf32> to vector<128x128xf32>
    %get3A_46 = arith.constant 2 : index
    %get3A_47 = arith.constant 0 : index
    %get3A_48 = vector.load %arg5[%get3A_46, %get3A_47] : memref<4x128xf32, #tpu.memory_space<vmem>>, vector<1x128xf32>
    %dot_general3A_49 = arith.constant dense<0.000000e+00> : vector<1x128xf32>
    %dot_general3A_50 = tpu.matmul %get3A_48, %get3A_45, %dot_general3A_49 {dimension_numbers = #tpu.dot_dimension_numbers<[1], [0], [0], [1], [0, 0, 1, 1], [], []>, transpose_lhs_hint = false} : vector<1x128xf32>, vector<128x128xf32>, vector<1x128xf32> -> vector<1x128xf32>
    %get3A_51 = arith.constant 2 : index
    %get3A_52 = arith.constant 0 : index
    %get3A_53 = vector.load %arg6[%get3A_51, %get3A_52] : memref<4x128xf32, #tpu.memory_space<vmem>>, vector<1x128xf32>
    %dot_general3A_54 = arith.constant dense<0.000000e+00> : vector<1x128xf32>
    %dot_general3A_55 = tpu.matmul %get3A_53, %get3A_45, %dot_general3A_54 {dimension_numbers = #tpu.dot_dimension_numbers<[1], [0], [0], [1], [0, 0, 1, 1], [], []>, transpose_lhs_hint = false} : vector<1x128xf32>, vector<128x128xf32>, vector<1x128xf32> -> vector<1x128xf32>
    %get3A_56 = arith.constant 3 : index
    %get3A_57 = arith.constant 0 : index
    %get3A_58 = arith.constant 0 : index
    %get3A_59 = vector.load %arg4[%get3A_56, %get3A_57, %get3A_58] : memref<4x128x128xf32, #tpu.memory_space<vmem>>, vector<1x128x128xf32>
    %get3A_60 = vector.shape_cast %get3A_59 : vector<1x128x128xf32> to vector<128x128xf32>
    %get3A_61 = arith.constant 3 : index
    %get3A_62 = arith.constant 0 : index
    %get3A_63 = vector.load %arg5[%get3A_61, %get3A_62] : memref<4x128xf32, #tpu.memory_space<vmem>>, vector<1x128xf32>
    %dot_general3A_64 = arith.constant dense<0.000000e+00> : vector<1x128xf32>
    %dot_general3A_65 = tpu.matmul %get3A_63, %get3A_60, %dot_general3A_64 {dimension_numbers = #tpu.dot_dimension_numbers<[1], [0], [0], [1], [0, 0, 1, 1], [], []>, transpose_lhs_hint = false} : vector<1x128xf32>, vector<128x128xf32>, vector<1x128xf32> -> vector<1x128xf32>
    %get3A_66 = arith.constant 3 : index
    %get3A_67 = arith.constant 0 : index
    %get3A_68 = vector.load %arg6[%get3A_66, %get3A_67] : memref<4x128xf32, #tpu.memory_space<vmem>>, vector<1x128xf32>
    %dot_general3A_69 = arith.constant dense<0.000000e+00> : vector<1x128xf32>
    %dot_general3A_70 = tpu.matmul %get3A_68, %get3A_60, %dot_general3A_69 {dimension_numbers = #tpu.dot_dimension_numbers<[1], [0], [0], [1], [0, 0, 1, 1], [], []>, transpose_lhs_hint = false} : vector<1x128xf32>, vector<128x128xf32>, vector<1x128xf32> -> vector<1x128xf32>
    %broadcast_in_dim3A_71 = arith.constant 0.000000e+00 : f32
    %broadcast_in_dim3A_72 = vector.broadcast %broadcast_in_dim3A_71 : f32 to vector<8x128xf32>
    %concatenate3A = tpu.concatenate %dot_general3A_20, %dot_general3A_25, %dot_general3A_35, %dot_general3A_40, %dot_general3A_50, %dot_general3A_55, %dot_general3A_65, %dot_general3A_70, %broadcast_in_dim3A_72 in 0 : vector<1x128xf32>, vector<1x128xf32>, vector<1x128xf32>, vector<1x128xf32>, vector<1x128xf32>, vector<1x128xf32>, vector<1x128xf32>, vector<1x128xf32>, vector<8x128xf32> -> vector<16x128xf32>
    %dot_general3A_73 = arith.constant dense<0.000000e+00> : vector<16x512xf32>
    %dot_general3A_74 = tpu.matmul %concatenate3A, %get3A_1, %dot_general3A_73 {dimension_numbers = #tpu.dot_dimension_numbers<[1], [1], [0], [0], [0, 0, 1, 0], [], []>, transpose_lhs_hint = false} : vector<16x128xf32>, vector<512x128xf32>, vector<16x512xf32> -> vector<16x512xf32>
    %swap3A_75 = arith.constant 0 : index
    %swap3A_76 = arith.constant 0 : index
    %swap3A_77 = vector.load %arg8[%swap3A_75, %swap3A_76] : memref<16x512xf32, #tpu.memory_space<vmem>>, vector<16x512xf32>
    tpu.vector_store %arg8[%swap3A_75, %swap3A_76], %dot_general3A_74 {strides = array<i32>} : memref<16x512xf32, #tpu.memory_space<vmem>>, vector<16x512xf32>,
    return
  }
  func.func @transform_0(%arg0: i32, %arg1: i32) -> (i32, i32) {
    %c0_i32 = arith.constant 0 : i32
    %c0_i32_0 = arith.constant 0 : i32
    return %arg1, %c0_i32 : i32, i32
  }
  func.func @transform_1(%arg0: i32, %arg1: i32) -> (i32, i32, i32) {
    %c0_i32 = arith.constant 0 : i32
    %c0_i32_0 = arith.constant 0 : i32
    %c0_i32_1 = arith.constant 0 : i32
    return %arg0, %c0_i32, %c0_i32_0 : i32, i32, i32
  }
  func.func @transform_2(%arg0: i32, %arg1: i32) -> (i32, i32, i32) {
    %c0_i32 = arith.constant 0 : i32
    %c0_i32_0 = arith.constant 0 : i32
    %c0_i32_1 = arith.constant 0 : i32
    %c0_i32_2 = arith.constant 0 : i32
    return %c0_i32, %c0_i32_0, %c0_i32_1 : i32, i32, i32
  }
  func.func @transform_3(%arg0: i32, %arg1: i32) -> (i32, i32) {
    %c0_i32 = arith.constant 0 : i32
    %c0_i32_0 = arith.constant 0 : i32
    %c0_i32_1 = arith.constant 0 : i32
    return %c0_i32, %c0_i32_0 : i32, i32
  }
  func.func @transform_4(%arg0: i32, %arg1: i32) -> (i32, i32) {
    %c0_i32 = arith.constant 0 : i32
    %c0_i32_0 = arith.constant 0 : i32
    %c0_i32_1 = arith.constant 0 : i32
    return %c0_i32, %c0_i32_0 : i32, i32
  }
  func.func @transform_5(%arg0: i32, %arg1: i32) -> (i32, i32, i32) {
    %c0_i32 = arith.constant 0 : i32
    %c0_i32_0 = arith.constant 0 : i32
    return %arg0, %arg1, %c0_i32 : i32, i32, i32
  }
  func.func @transform_6(%arg0: i32, %arg1: i32) -> (i32, i32) {
    %c0_i32 = arith.constant 0 : i32
    %c0_i32_0 = arith.constant 0 : i32
    return %c0_i32, %arg1 : i32, i32
  }
}

module attributes {stable_mosaic.version = 14 : i64} {
  func.func @_finish_body(%arg0: i32, %arg1: memref<4x512x128xf32, #tpu.memory_space<vmem>>, %arg2: memref<4x512x128xf32, #tpu.memory_space<vmem>>, %arg3: memref<128xf32, #tpu.memory_space<vmem>>, %arg4: memref<512x128xf32, #tpu.memory_space<vmem>>) attributes {dimension_semantics = [#tpu.dimension_semantics<arbitrary>], iteration_bounds = array<i64: 20>, scalar_prefetch = 0 : i64, scratch_operands = 0 : i64, tpu.core_type = #tpu.core_type<tc>, window_params = [{transform_indices = @transform_0, window_bounds = array<i64: 4, 512, 128>}, {transform_indices = @transform_1, window_bounds = array<i64: 4, 512, 128>}, {pipeline_mode = #tpu.pipeline_mode<synchronous>, transform_indices = @transform_2, window_bounds = array<i64: 128>}, {transform_indices = @transform_3, window_bounds = array<i64: 512, 128>}]} {
    %get3A = arith.constant 0 : index
    %get3A_0 = arith.constant 0 : index
    %get3A_1 = arith.constant 0 : index
    %get3A_2 = vector.load %arg1[%get3A, %get3A_0, %get3A_1] : memref<4x512x128xf32, #tpu.memory_space<vmem>>, vector<4x512x128xf32>
    %get3A_3 = arith.constant 0 : index
    %get3A_4 = arith.constant 0 : index
    %get3A_5 = arith.constant 0 : index
    %get3A_6 = vector.load %arg2[%get3A_3, %get3A_4, %get3A_5] : memref<4x512x128xf32, #tpu.memory_space<vmem>>, vector<4x512x1xf32>
    %add3A = arith.constant 1.000000e-16 : f32
    %add3A_7 = vector.broadcast %add3A : f32 to vector<4x512x1xf32>
    %add3A_8 = arith.addf %get3A_6, %add3A_7 : vector<4x512x1xf32>
    %div3A = vector.broadcast %add3A_8 : vector<4x512x1xf32> to vector<4x512x128xf32>
    %div3A_9 = arith.divf %get3A_2, %div3A : vector<4x512x128xf32>
    %reduce_sum3A = arith.constant dense<0.000000e+00> : vector<512x128xf32>
    %reduce_sum3A_10 = vector.multi_reduction <add>, %div3A_9, %reduce_sum3A [0] : vector<4x512x128xf32> to vector<512x128xf32>
    %mul3A = arith.constant 2.500000e-01 : f32
    %mul3A_11 = vector.broadcast %mul3A : f32 to vector<512x128xf32>
    %mul3A_12 = arith.mulf %reduce_sum3A_10, %mul3A_11 : vector<512x128xf32>
    %get3A_13 = arith.constant 0 : index
    %get3A_14 = vector.load %arg3[%get3A_13] : memref<128xf32, #tpu.memory_space<vmem>>, vector<128xf32>
    %broadcast_in_dim3A = vector.shape_cast %get3A_14 : vector<128xf32> to vector<1x128xf32>
    %add3A_15 = vector.broadcast %broadcast_in_dim3A : vector<1x128xf32> to vector<512x128xf32>
    %add3A_16 = arith.addf %mul3A_12, %add3A_15 : vector<512x128xf32>
    %gt3A = arith.constant 0.000000e+00 : f32
    %gt3A_17 = vector.broadcast %gt3A : f32 to vector<512x128xf32>
    %gt3A_18 = arith.cmpf ogt, %add3A_16, %gt3A_17 : vector<512x128xf32>
    %exp3A = math.exp %add3A_16 : vector<512x128xf32>
    %sub3A = arith.constant 1.000000e+00 : f32
    %sub3A_19 = vector.broadcast %sub3A : f32 to vector<512x128xf32>
    %sub3A_20 = arith.subf %exp3A, %sub3A_19 : vector<512x128xf32>
    %select_n3A = arith.select %gt3A_18, %add3A_16, %sub3A_20 : vector<512x128xi1>, vector<512x128xf32>
    %swap3A = arith.constant 0 : index
    %swap3A_21 = arith.constant 0 : index
    %swap3A_22 = vector.load %arg4[%swap3A, %swap3A_21] : memref<512x128xf32, #tpu.memory_space<vmem>>, vector<512x128xf32>
    tpu.vector_store %arg4[%swap3A, %swap3A_21], %select_n3A {strides = array<i32>} : memref<512x128xf32, #tpu.memory_space<vmem>>, vector<512x128xf32>,
    return
  }
  func.func @transform_0(%arg0: i32) -> (i32, i32, i32) {
    %c0_i32 = arith.constant 0 : i32
    %c0_i32_0 = arith.constant 0 : i32
    %c0_i32_1 = arith.constant 0 : i32
    return %c0_i32, %arg0, %c0_i32_0 : i32, i32, i32
  }
  func.func @transform_1(%arg0: i32) -> (i32, i32, i32) {
    %c0_i32 = arith.constant 0 : i32
    %c0_i32_0 = arith.constant 0 : i32
    %c0_i32_1 = arith.constant 0 : i32
    return %c0_i32, %arg0, %c0_i32_0 : i32, i32, i32
  }
  func.func @transform_2(%arg0: i32) -> i32 {
    %c0_i32 = arith.constant 0 : i32
    %c0_i32_0 = arith.constant 0 : i32
    return %c0_i32 : i32
  }
  func.func @transform_3(%arg0: i32) -> (i32, i32) {
    %c0_i32 = arith.constant 0 : i32
    %c0_i32_0 = arith.constant 0 : i32
    return %arg0, %c0_i32 : i32, i32
  }
}

module attributes {stable_mosaic.version = 14 : i64} {
  func.func @_finish_body(%arg0: i32, %arg1: memref<4x512x128xf32, #tpu.memory_space<vmem>>, %arg2: memref<4x512x128xf32, #tpu.memory_space<vmem>>, %arg3: memref<128xf32, #tpu.memory_space<vmem>>, %arg4: memref<512x128xf32, #tpu.memory_space<vmem>>) attributes {dimension_semantics = [#tpu.dimension_semantics<arbitrary>], iteration_bounds = array<i64: 20>, scalar_prefetch = 0 : i64, scratch_operands = 0 : i64, tpu.core_type = #tpu.core_type<tc>, window_params = [{transform_indices = @transform_0, window_bounds = array<i64: 4, 512, 128>}, {transform_indices = @transform_1, window_bounds = array<i64: 4, 512, 128>}, {pipeline_mode = #tpu.pipeline_mode<synchronous>, transform_indices = @transform_2, window_bounds = array<i64: 128>}, {transform_indices = @transform_3, window_bounds = array<i64: 512, 128>}]} {
    %get3A = arith.constant 0 : index
    %get3A_0 = arith.constant 0 : index
    %get3A_1 = arith.constant 0 : index
    %get3A_2 = vector.load %arg1[%get3A, %get3A_0, %get3A_1] : memref<4x512x128xf32, #tpu.memory_space<vmem>>, vector<4x512x128xf32>
    %get3A_3 = arith.constant 0 : index
    %get3A_4 = arith.constant 0 : index
    %get3A_5 = arith.constant 0 : index
    %get3A_6 = vector.load %arg2[%get3A_3, %get3A_4, %get3A_5] : memref<4x512x128xf32, #tpu.memory_space<vmem>>, vector<4x512x1xf32>
    %add3A = arith.constant 1.000000e-16 : f32
    %add3A_7 = vector.broadcast %add3A : f32 to vector<4x512x1xf32>
    %add3A_8 = arith.addf %get3A_6, %add3A_7 : vector<4x512x1xf32>
    %div3A = vector.broadcast %add3A_8 : vector<4x512x1xf32> to vector<4x512x128xf32>
    %div3A_9 = arith.divf %get3A_2, %div3A : vector<4x512x128xf32>
    %reduce_sum3A = arith.constant dense<0.000000e+00> : vector<512x128xf32>
    %reduce_sum3A_10 = vector.multi_reduction <add>, %div3A_9, %reduce_sum3A [0] : vector<4x512x128xf32> to vector<512x128xf32>
    %mul3A = arith.constant 2.500000e-01 : f32
    %mul3A_11 = vector.broadcast %mul3A : f32 to vector<512x128xf32>
    %mul3A_12 = arith.mulf %reduce_sum3A_10, %mul3A_11 : vector<512x128xf32>
    %get3A_13 = arith.constant 0 : index
    %get3A_14 = vector.load %arg3[%get3A_13] : memref<128xf32, #tpu.memory_space<vmem>>, vector<128xf32>
    %broadcast_in_dim3A = vector.shape_cast %get3A_14 : vector<128xf32> to vector<1x128xf32>
    %add3A_15 = vector.broadcast %broadcast_in_dim3A : vector<1x128xf32> to vector<512x128xf32>
    %add3A_16 = arith.addf %mul3A_12, %add3A_15 : vector<512x128xf32>
    %swap3A = arith.constant 0 : index
    %swap3A_17 = arith.constant 0 : index
    %swap3A_18 = vector.load %arg4[%swap3A, %swap3A_17] : memref<512x128xf32, #tpu.memory_space<vmem>>, vector<512x128xf32>
    tpu.vector_store %arg4[%swap3A, %swap3A_17], %add3A_16 {strides = array<i32>} : memref<512x128xf32, #tpu.memory_space<vmem>>, vector<512x128xf32>,
    return
  }
  func.func @transform_0(%arg0: i32) -> (i32, i32, i32) {
    %c0_i32 = arith.constant 0 : i32
    %c0_i32_0 = arith.constant 0 : i32
    %c0_i32_1 = arith.constant 0 : i32
    return %c0_i32, %arg0, %c0_i32_0 : i32, i32, i32
  }
  func.func @transform_1(%arg0: i32) -> (i32, i32, i32) {
    %c0_i32 = arith.constant 0 : i32
    %c0_i32_0 = arith.constant 0 : i32
    %c0_i32_1 = arith.constant 0 : i32
    return %c0_i32, %arg0, %c0_i32_0 : i32, i32, i32
  }
  func.func @transform_2(%arg0: i32) -> i32 {
    %c0_i32 = arith.constant 0 : i32
    %c0_i32_0 = arith.constant 0 : i32
    return %c0_i32 : i32
  }
  func.func @transform_3(%arg0: i32) -> (i32, i32) {
    %c0_i32 = arith.constant 0 : i32
    %c0_i32_0 = arith.constant 0 : i32
    return %arg0, %c0_i32 : i32, i32
  }
}

</mosaic_0001>

<sc_bundles>
// kernel: kernel.10.cloned.1.call-start
scs
__scs_entry_jumppad:
0x0: {  	(pc) =	sbr.rel $0x88, $3  }
0x1: {  	(tag) =	ssettag $0x0;
	lr =	simm.s32 $0x1  }
0x2: {  	[smem:$0x3F97] =	sst lr;
	_ =	strace $0xD0000000  }
0x3: {  	_ = 	snop  }
0x4: {  	_ = 	snop  }
0x5: {  	_ = 	snop  }
0x6: {  	_ = 	snop  }
0x7: {  	_ = 	snop  }
__scs_overlays_trampoline_lowered:
0x8: {  	[smem:$0x3FA6] =	sst s0  }
0x9: {  	[smem:$0x3FA7] =	sst s1  }
0xa: {  	[smem:$0x3FA8] =	sst s2  }
0xb: {  	[smem:$0x3FA9] =	sst s3  }
0xc: {  	[smem:$0x3FAA] =	sst s4  }
0xd: {  	[smem:$0x3FAB] =	sst s5  }
0xe: {  	[smem:$0x3FAC] =	sst s6  }
0xf: {  	[smem:$0x3FAD] =	sst s7  }
0x10: {  	[smem:$0x3FAE] =	sst s8  }
0x11: {  	[smem:$0x3FAF] =	sst s9;
	s0 =	simm.s32 @!p0 $0x0  }
0x12: {  	s1 =	sld [smem:$0x3F95];
	s0 =	simm.s32 @p0 $0x1  }
0x13: {  	[smem:$0x3FB0] =	sst s0;
	s0 =	simm.s32 @!p1 $0x0  }
0x14: {  	s2 =	sld [smem:$0x3F94];
	s0 =	simm.s32 @p1 $0x1  }
0x15: {  	[smem:$0x3FB1] =	sst s0;
	s0 =	simm.s32 @!p2 $0x0  }
0x16: {  	s3 =	sld [smem:$0x3FDB];
	s0 =	simm.s32 @p2 $0x1  }
0x17: {  	s4 =	simm.s32 $0x1BF5;
	[smem:$0x3FB3] =	sst s0  }
0x18: {  	s0 =	sld [smem:$0x3F96];
	_ =	swait.ge [sflag:s4], $0x0  }
0x19: {  	s7 =	sld [smem:$0x3F97]  }
0x1a: {  	s8 =	sadd.s32 $0xFFFFE003, lr  }
0x1b: {  	s9 =	sadd.s32 $0xFFFFFEF7, lr;
	s5 =	simm.s32 $0xFFFFFFFF;
	p2 =	slt.u32 s8, $0xFFFFF086  }
0x1c: {  	p1 =	slt.u32 s9, $0xF7A;
	s5 =	simm.s32 @!p2 $0x0  }
0x1d: {  	s5 =	simm.s32 @p1 $0x1;
	p0 =	seq.s32 s7, s2  }
0x1e: {  	s7 =	smul.u32 @!p0 $0xF7A, s2;
	p2 =	seq.s32 @!p0 s5, $0x0  }
0x1f: {  	s9 =	smul.u32 $0xF7A, s1;
	s8 =	simm.s32 @!p0 $0x1BF5;
	p2 =	por !p2, p0  }
0x20: {  	[sflag:s8] =	ssyncset.s32 @!p0 $0xFFFFF086;
	s6 =	sadd.s32 @!p0 s3, s7;
	s7 =	simm.s32 @!p0 $0x108  }
0x21: {  	s3 =	sadd.s32 s3, s9;
	s6 =	sadd.s32 @!p0 $0x88, s6;
	s7 =	simm.s32 @p2 $0x1082  }
0x22: {  	[simem:s7], [sflag:s8] =	dma.local @!p0 [hbm:s6], $0xF7A  }
0x23: {  	s9 =	sor.u32 $0xD0000000, s2;
	s6 =	simm.s32 $0x108;
	_ =	swait.ge @!p0 [sflag:s8], $0x0  }
0x24: {  	s3 =	sadd.s32 $0x88, s3;
	s6 =	simm.s32 @!p1 $0x1082;
	[sflag:s4] =	ssyncset.s32 $0xFFFFF086  }
0x25: {  	[simem:s6], [sflag:s4] =	dma.local [hbm:s3], $0xF7A  }
0x26: {  	[smem:$0x3F97] =	sst s1;
	(tag) =	ssettag s2;
	_ =	strace s9  }
0x27: {  	s1 =	sld [smem:$0x3FA7]  }
0x28: {  	s2 =	sld [smem:$0x3FA8]  }
0x29: {  	s4 =	sld [smem:$0x3FAA]  }
0x2a: {  	p0 =	seq.s32 s5, $0x0;
	s5 =	sld [smem:$0x3FAB]  }
0x2b: {  	s6 =	sld [smem:$0x3FAC]  }
0x2c: {  	s7 =	sld [smem:$0x3FAD]  }
0x2d: {  	s3 =	simm.s32 $0x108;
	s8 =	sld [smem:$0x3FAE]  }
0x2e: {  	s3 =	simm.s32 @!p0 $0x1082;
	s9 =	sld [smem:$0x3FAF]  }
0x2f: {  	lr =	sadd.s32 s0, s3;
	s0 =	sld [smem:$0x3FA6]  }
0x30: {  	s3 =	sld [smem:$0x3FA9]  }
0x31: {  	[smem:$0x3FB2] =	sst s10  }
0x32: {  	s10 =	sld [smem:$0x3FB0];
	_ =	sdelay $0x3  }
0x33: {  	p0 =	seq.s32 s10, $0x1;
	s10 =	sld [smem:$0x3FB2];
	_ =	sdelay $0x3  }
0x34: {  	[smem:$0x3FB2] =	sst s10  }
0x35: {  	s10 =	sld [smem:$0x3FB1];
	_ =	sdelay $0x3  }
0x36: {  	p1 =	seq.s32 s10, $0x1;
	s10 =	sld [smem:$0x3FB2];
	_ =	sdelay $0x3  }
0x37: {  	[smem:$0x3FB2] =	sst s10  }
0x38: {  	s10 =	sld [smem:$0x3FB3]  }
0x39: {  	_ = 	snop;
	(pc) =	sbr.ind lr, $3  }
0x3a: {  	_ = 	snop  }
0x3b: {  	_ = 	snop  }
0x3c: {  	p2 =	seq.s32 s10, $0x1;
	s10 =	sld [smem:$0x3FB2]  }
0x3d: {  	_ =	shalt  }
0x3e: {  	_ =	shalt  }
0x3f: {  	_ =	shalt  }
0x40: {  	_ =	shalt  }
0x41: {  	_ =	shalt  }
0x42: {  	_ =	shalt  }
0x43: {  	_ =	shalt  }
0x44: {  	_ =	shalt  }
0x45: {  	_ =	shalt  }
0x46: {  	_ =	shalt  }
0x47: {  	_ =	shalt  }
0x48: {  	_ =	shalt  }
0x49: {  	_ =	shalt  }
0x4a: {  	_ =	shalt  }
0x4b: {  	_ =	shalt  }
0x4c: {  	_ =	shalt  }
0x4d: {  	_ =	shalt  }
0x4e: {  	_ =	shalt  }
0x4f: {  	_ =	shalt  }
0x50: {  	_ =	shalt  }
0x51: {  	_ =	shalt  }
0x52: {  	_ =	shalt  }
0x53: {  	_ =	shalt  }
0x54: {  	_ =	shalt  }
0x55: {  	_ =	shalt  }
0x56: {  	_ =	shalt  }
0x57: {  	_ =	shalt  }
0x58: {  	_ =	shalt  }
0x59: {  	_ =	shalt  }
0x5a: {  	_ =	shalt  }
0x5b: {  	_ =	shalt  }
0x5c: {  	_ =	shalt  }
0x5d: {  	_ =	shalt  }
0x5e: {  	_ =	shalt  }
0x5f: {  	_ =	shalt  }
0x60: {  	_ =	shalt  }
0x61: {  	_ =	shalt  }
0x62: {  	_ =	shalt  }
0x63: {  	_ =	shalt  }
0x64: {  	_ =	shalt  }
0x65: {  	_ =	shalt  }
0x66: {  	_ =	shalt  }
0x67: {  	_ =	shalt  }
0x68: {  	_ =	shalt  }
0x69: {  	_ =	shalt  }
0x6a: {  	_ =	shalt  }
0x6b: {  	_ =	shalt  }
0x6c: {  	_ =	shalt  }
0x6d: {  	_ =	shalt  }
0x6e: {  	_ =	shalt  }
0x6f: {  	_ =	shalt  }
0x70: {  	_ =	shalt  }
0x71: {  	_ =	shalt  }
0x72: {  	_ =	shalt  }
0x73: {  	_ =	shalt  }
0x74: {  	_ =	shalt  }
0x75: {  	_ =	shalt  }
0x76: {  	_ =	shalt  }
0x77: {  	_ =	shalt  }
0x78: {  	_ =	shalt  }
0x79: {  	_ =	shalt  }
0x7a: {  	_ =	shalt  }
0x7b: {  	_ =	shalt  }
0x7c: {  	_ =	shalt  }
0x7d: {  	_ =	shalt  }
0x7e: {  	_ =	shalt  }
0x7f: {  	_ =	shalt  }
0x80: {  	_ =	shalt  }
0x81: {  	_ =	shalt  }
0x82: {  	_ =	shalt  }
0x83: {  	_ =	shalt  }
0x84: {  	_ =	shalt  }
0x85: {  	_ =	shalt  }
0x86: {  	_ =	shalt  }
0x87: {  	_ =	shalt  }
.Lfunc_end0:
.L_simem_size_0:
called_computation_lowered:
.L_overlay_start_0:
0x88: {  	s2 =	sld [smem:$0x3FD9]  }
0x89: {  	s3 =	sld [smem:$0x3FFE];
	_ =	sdelay $0x1  }
0x8a: {  	s1 =	srdreg.scid  }
0x8b: {  	s0 =	sand.u32 $0x1, s1  }
0x8c: {  	s17 =	sshll.u32 s0, $0xA;
	s2 =	sadd.s32 s3, s2  }
0x8d: {  	s2 =	sadd.s32 s2, s17  }
0x8e: {  	[smem:$0x3FBE] =	sst s2  }
0x8f: {  	_ = 	snop  }
0x90: {  	s2 =	sld [smem:$0x3FD0];
	(tm) =	ssettm $0x1  }
0x91: {  	s18 =	sld [smem:$0x3FFB];
	_ =	sdelay $0x3  }
0x92: {  	_ =	strace s18  }
0x93: {  	s3 =	sld [smem:$0x3FFC];
	_ =	sdelay $0x3  }
0x94: {  	_ =	strace s3  }
0x95: {  	s3 =	sld [smem:$0x3FFD];
	_ =	sdelay $0x3  }
0x96: {  	_ =	strace s3  }
0x97: {  	_ =	strace $0x8FFFFFFF  }
0x98: {  	s19 =	sld [smem:$0x3FDB];
	_ =	sdelay $0x1  }
0x99: {  	s4 =	simm.s32 $_scs_section_size  }
0x9a: {  	s5 =	simm.s32 $_size__tile_overlayer_lowered;
	s6 =	simm.s32 $_tile_overlayer_lowered  }
0x9b: {  	s22 =	simm.s32 $0x1BFF;
	s21 =	sshll.u32 s6, $0x1;
	s3 =	sadd.s32 s4, s19  }
0x9c: {  	s7 =	simm.s32 $0x0;
	s20 =	sshll.u32 s5, $0x1;
	s5 =	sadd.s32 s21, s3  }
0x9d: {  	[timem:s7], [sflag:s22] =	dma.local [hbm:s5], s20  }
0x9e: {  	_ =	swait.ge [sflag:s22], s20  }
0x9f: {  	s4 =	ssub.s32 $0x0, s20;
	[sflag:s22] =	ssyncset.done $0x0  }
0xa0: {  	[sflag:s22] =	ssyncadd.s32 s4;
	_ =	sdelay $0x1  }
0xa1: {  	s23 =	simm.s32 $0x1B8B  }
0xa2: {  	_ =	swait.ge [sflag:s23], $0x1  }
0xa3: {  	[sflag:s23] =	ssyncset.done $0x0  }
0xa4: {  	s25 =	simm.s32 $0x1B8E;
	s24 =	sld [smem:$0x3FFE];
	[sflag:s23] =	ssyncadd.s32 $0xFFFFFFFF  }
0xa5: {  	s26 =	simm.s32 $execute0_lowered;
	[smem:$0x3FD2] =	sst s25  }
0xa6: {  	s5 =	sshll.u32 s26, $0x1;
	_ =	strace $0x80000046;
	[dreg:$0x1] =	wrdreg $0xFFFFFFFF  }
0xa7: {  	s28 =	simm.s32 $_size_execute0_lowered;
	s3 =	sadd.s32 s3, s5;
	[dreg:$0x0] =	wrdreg $0x0  }
0xa8: {  	s5 =	sshll.u32 s28, $0x1;
	[dreg:$0x2] =	wrdreg s3  }
0xa9: {  	[dreg:$0x3] =	wrdreg s5  }
0xaa: {  	[dreg:$0x4] =	wrdreg $0xC0  }
0xab: {  	_ =	task [dreg:s7], $0x5FFFF  }
0xac: {  	[dreg:$0x1] =	wrdreg $0xFFFFFFFF  }
0xad: {  	[dreg:$0x0] =	wrdreg $0x60  }
0xae: {  	[dreg:$0x2] =	wrdreg s24  }
0xaf: {  	[dreg:$0x3] =	wrdreg s2  }
0xb0: {  	[dreg:$0x4] =	wrdreg $0x0  }
0xb1: {  	[dreg:$0x5] =	wrdreg $0x9  }
0xb2: {  	_ =	task.clear_ibuf [dreg:s7], $0x6FFFF;
	_ =	strace $0x90000046  }
0xb3: {  	s29 =	simm.s32 $0x9;
	_ =	strace $0x80000048  }
0xb4: {  	_ =	swait.ge [sflag:s29], $0x1  }
0xb5: {  	[sflag:s29] =	ssyncadd.s32 $0xFFFFFFFF  }
0xb6: {  	_ =	strace $0x90000048  }
0xb7: {  	_ =	sfence  }
0xb8: {  	s30 =	sld [smem:$0x0];
	_ =	sdelay $0x2  }
0xb9: {  	s31 =	sshll.u32 s1, $0xD;
	s1 =	sshrl.u32 s1, $0x2  }
0xba: {  	s3 =	sand.u32 $0x4000, s31;
	s1 =	sadd.s32 s1, s30  }
0xbb: {  	s0 =	sor.u32 s3, s0;
	s1 =	sshll.u32 s1, $0x11  }
0xbc: {  	s0 =	sor.u32 s1, s0  }
0xbd: {  	s0 =	sadd.s32 $0x8F2B, s0  }
0xbe: {  	[sflag:s0] =	ssyncadd.remote.s32 $0x1  }
0xbf: {  	_ =	sfence.sel $0xFFFF  }
0xc0: {  	[dreg:$0x0] =	wrdreg $0xFFFFFFFF;
	(pc) =	sbr.abs _section_cstart, $3  }
0xc1: {  	[dreg:$0x1] =	wrdreg $0xFFFFFFFF  }
0xc2: {  	_ =	task.clear_ibuf [dreg:s7], $0x2FFFF;
	_ =	strace $0x9FFFFFFF  }
0xc3: {  	(tm) =	ssettm $0x7FFFFFFF  }
tec
execute0_lowered:
.L_overlay_start_1:
0x0: {  	(tag) =	ssettag $0x1  }
0x1: {  	s0 =	rddreg [dreg:$0x0]  }
0x2: {  	s1 =	rddreg [dreg:$0x1]  }
0x3: {  	s3 =	rddreg [dreg:$0x2];
	s2 =	simm.s32 $0x0;
	s19 =	stileid.u32  }
0x4: {  	s4 =	srdreg.scid;
	s28 =	simm.s32 $0x19400;
	s29 =	simm.s32 $0x1  }
0x5: {  	s30 =	simm.s32 $0x19100;
	[smem:$0x7FF] =	sst s2;
	s2 =	smul.u32 $0x14000, s19  }
0x6: {  	s31 =	simm.s32 $0x0;
	s4 =	sand.u32 $0x1, s4;
	s15 =	smul.u32 $0x50000, s19  }
0x7: {  	s5 =	sadd.s32 $0xC800, s0;
	s9 =	sadd.s32 $0xAC800, s0;
	s10 =	smul.u32 $0x1400, s4  }
0x8: {  	s6 =	sadd.s32 $0x2600, s0;
	s14 =	sadd.s32 $0x102000, s0;
	s12 =	smul.u32 $0xA000, s4  }
0x9: {  	_ =	strace $0x80000047;
	s8 =	ssub.s32 $0x2, s4;
	s16 =	smul.u32 $0x5000, s4  }
0xa: {  	s20 =	smul.u32 $0x280000, s4;
	s17 =	sshllo.u32 s4, $0x1;
	s7 =	sshrl.u32 s2, $0x3  }
0xb: {  	s13 =	sshrl.u32 s8, $0x1;
	s21 =	sshrl.u32 s15, $0x2;
	s22 =	smul.u32 $0xA00, s17  }
0xc: {  	s24 =	smul.u32 $0x140000, s17;
	s11 =	sadd.s32 s7, s0;
	s7 =	sadd.s32 $0xD9800, s0  }
0xd: {  	s0 =	ssub.s32 s8, s13;
	s8 =	smul.u32 $0x5100, s19;
	s10 =	sadd.s32 s9, s10  }
0xe: {  	s18 =	sshrl.u32 s12, $0x3;
	s23 =	sadd.s32 s2, s20;
	s13 =	smul.u32 $0xA2000, s4  }
0xf: {  	s20 =	simm.s32 $0x14000;
	[dreg:$0x4] =	wrdreg s10;
	s10 =	sadd.s32 s9, s18  }
0x10: {  	s18 =	smul.u32 $0x5000, s17;
	s12 =	sadd.s32 $0xB1800, s11;
	s15 =	sadd.s32 s9, s22  }
0x11: {  	s2 =	sadd.s32 s2, s24;
	s0 =	smax.u32 s0, $0x1;
	[dreg:$0x8] =	wrdreg s15  }
0x12: {  	s22 =	simm.s32 $0x16800;
	s10 =	sadd.s32 $0x500, s10;
	[dreg:$0xb] =	wrdreg s0  }
0x13: {  	s24 =	simm.s32 $0x19300;
	s2 =	sshrl.u32 s2, $0x3;
	[dreg:$0x5] =	wrdreg s10  }
0x14: {  	s10 =	sadd.s32 s21, s3;
	s26 =	sshrl.u32 s18, $0x3;
	s18 =	smul.u32 $0x2800, s17  }
0x15: {  	s17 =	smul.u32 $0x51000, s17;
	s2 =	sadd.s32 s14, s2;
	s21 =	simm.s32 $0x2  }
0x16: {  	[dreg:$0x6] =	wrdreg s10;
	s10 =	sshrl.u32 s23, $0x3;
	s4 =	sadd.s32 s9, s26  }
0x17: {  	[dreg:$0xa] =	wrdreg s2;
	s26 =	sshll.u32 s19, $0x6;
	s25 =	sadd.s32 s14, s10  }
0x18: {  	s4 =	sadd.s32 $0x500, s4;
	s23 =	sor.u32 $0x1C02, s26;
	[dreg:$0x7] =	wrdreg s25  }
0x19: {  	v0 =	vmov s16;
	s26 =	simm.s32 $0x19200;
	v1 =	vmov s18;
	[dreg:$0x9] =	wrdreg s4;
	s25 =	simm.s32 $0xC0  }
.LBB2_1:
0x1a: {  	s0 =	simm.s32 $0x0;
	s2 =	rddreg [dreg:$0x4]  }
0x1b: {  	[tilespmem:s20], [sflag:$0x2] =	stream.linear.gather [hbm4b:s2+s0], $0x2800, $0x38;
	[tilespmem:$0x1F400] =	vst v63  }
0x1c: {  	_ =	swait.ge [sflag:s21], $0x2800  }
0x1d: {  	[sflag:s21] =	ssyncset.done $0x0  }
0x1e: {  	s18 =	rddreg [dreg:$0x5];
	[sflag:s21] =	ssyncadd.s32 $0xFFFFD800  }
0x1f: {  	[tilespmem:s22], [sflag:$0x2] =	stream.linear.gather [hbm4b:s18+s0], $0x2800, $0x38;
	[tilespmem:$0x1F400] =	vst v63  }
0x20: {  	_ =	swait.ge [sflag:s21], $0x2800  }
0x21: {  	[sflag:s21] =	ssyncset.done $0x0;
	s19 =	rddreg [dreg:$0x6]  }
0x22: {  	[sflag:s21] =	ssyncadd.s32 $0xFFFFD800;
	s0 =	sshrl.u32 s19, $0x3  }
0x23: {  	[spmem:s0], [sflag:s23] =	dma.local [hbm:s12], $0x2800  }
0x24: {  	_ =	swait.ge [sflag:s21], $0x2800  }
0x25: {  	[sflag:s21] =	ssyncset.done $0x0  }
0x26: {  	[sflag:s21] =	ssyncadd.s32 $0xFFFFD800  }
0x27: {  	s2 =	simm.s32 $0x0;
	[bflag:$0x0] =	sbarrier.arrive $0xFFFF  }
.LBB2_2:
0x28: {  	s4 =	smul.u32 $0xC0, s2;
	_ =	sdelay $0x1  }
0x29: {  	s4 =	sadd.s32 s8, s4  }
0x2a: {  	s9 =	sshrl.u32 s4, $0x3  }
0x2b: {  	s11 =	simm.s32 $0x0;
	s14 =	simm.s32 $0x19000;
	s10 =	sadd.s32 s1, s9  }
0x2c: {  	[tilespmem:s14], [sflag:$0x2] =	stream.linear.gather [hbm4b:s10+s11], $0xC0, $0x38;
	[tilespmem:$0x1F400] =	vst v63  }
0x2d: {  	_ =	swait.ge [sflag:s21], $0xC0  }
0x2e: {  	[sflag:s21] =	ssyncset.done $0x0  }
0x2f: {  	s18 =	simm.s32 $0x19100;
	s9 =	sadd.s32 s6, s9;
	[sflag:s21] =	ssyncadd.s32 $0xFFFFFF40  }
0x30: {  	[tilespmem:s18], [sflag:$0x2] =	stream.linear.gather [hbm4b:s9+s11], $0xC0, $0x38;
	[tilespmem:$0x1F400] =	vst v63  }
0x31: {  	_ =	swait.ge [sflag:s21], $0xC0  }
0x32: {  	[sflag:s21] =	ssyncset.done $0x0  }
0x33: {  	[sflag:s21] =	ssyncadd.s32 $0xFFFFFF40  }
0x34: {  	v2 =	vld [tilespmem:s18+$0x0]  }
0x35: {  	v3 =	vld [tilespmem:s14+$0x0];
	_ =	sdelay $0x6  }
0x36: {  	v2 =	vld.idx.msk [tilespmem:v2+s22+$0x0], $0xffff  }
0x37: {  	v4 =	vld.idx.msk [tilespmem:v3+s20+$0x0], $0xffff;
	_ =	sdelay $0x4  }
0x38: {  	v2 =	vadd.f32 v2, v4;
	_ =	sdelay $0x1  }
0x39: {  	v4 =	vmul.f32 $2.000000030e-01, v2  }
0x3a: {  	vm0 =	vge.f32 v2, $0.0e+00  }
0x3b: {  	v2 =	vsel vm0, v2, v4  }
0x3c: {  	v2 =	vmul.f32 $1.442695020e+00, v2;
	_ =	sdelay $0x1  }
0x3d: {  	(erf) = vpow2.f32 v2;
	_ =	sdelay $0x7  }
0x3e: {  	s19 =	sadd.s32 $0x0, s4  }
0x3f: {  	p0 =	slt.u32 s19, $0x50910;
	v2 =	vpop (erf)  }
0x40: {  	s10 =	simm.s32 $0x19300;
	v2 =	vpsel !p0, $0x0, v2  }
0x41: {  	s9 =	simm.s32 $0x19200;
	[tilespmem:s10+$0x0] =	vst v2;
	v2 =	vadd.s32 v0, v3  }
0x42: {  	s14 =	simm.s32 $0x19110;
	[tilespmem:s9+$0x0] =	vst v2  }
0x43: {  	s15 =	simm.s32 $0x19010;
	v3 =	vld [tilespmem:s14+$0x0]  }
0x44: {  	v2 =	vld [tilespmem:s15+$0x0]  }
0x45: {  	s16 =	simm.s32 $0x20;
	s11 =	simm.s32 $0x10  }
.LBB2_3:
0x46: {  	p0 =	sne.s32 s16, $0xB0;
	_ =	sdelay $0x4  }
0x47: {  	v3 =	vld.idx.msk [tilespmem:v3+s22+$0x0], $0xffff  }
0x48: {  	v4 =	vld.idx.msk [tilespmem:v2+s20+$0x0], $0xffff;
	_ =	sdelay $0x5  }
0x49: {  	v3 =	vadd.f32 v3, v4;
	_ =	sdelay $0x1  }
0x4a: {  	v4 =	vmul.f32 $2.000000030e-01, v3  }
0x4b: {  	vm0 =	vge.f32 v3, $0.0e+00  }
0x4c: {  	v3 =	vsel vm0, v3, v4  }
0x4d: {  	v3 =	vmul.f32 $1.442695020e+00, v3;
	_ =	sdelay $0x1  }
0x4e: {  	(erf) = vpow2.f32 v3;
	_ =	sdelay $0x7  }
0x4f: {  	s18 =	sadd.s32 s11, s4;
	s11 =	smov.u32 s16  }
0x50: {  	p1 =	slt.u32 s18, $0x50910;
	v3 =	vpop (erf)  }
0x51: {  	s10 =	sadd.s32 $0x10, s10;
	v3 =	vpsel !p1, $0x0, v3  }
.Ltmp0:
0x52: {  	s9 =	sadd.s32 $0x10, s9;
	v2 =	vadd.s32 v0, v2;
	[tilespmem:s10+$0x0] =	vst v3;
	(pc) =	sbr.rel @p0 .LBB2_3-.Ltmp0, $4  }
0x53: {  	s14 =	sadd.s32 $0x10, s14;
	[tilespmem:s9+$0x0] =	vst v2  }
0x54: {  	s15 =	sadd.s32 $0x10, s15;
	v3 =	vld [tilespmem:s14+$0x0]  }
0x55: {  	v2 =	vld [tilespmem:s15+$0x0]  }
0x56: {  	s16 =	sadd.s32 $0x10, s16  }
0x57: {  	_ =	sdelay $0x5  }
0x58: {  	v3 =	vld.idx.msk [tilespmem:v3+s22+$0x0], $0xffff  }
0x59: {  	v4 =	vld.idx.msk [tilespmem:v2+s20+$0x0], $0xffff;
	_ =	sdelay $0x4  }
0x5a: {  	v3 =	vadd.f32 v3, v4;
	_ =	sdelay $0x1  }
0x5b: {  	v4 =	vmul.f32 $2.000000030e-01, v3  }
0x5c: {  	vm0 =	vge.f32 v3, $0.0e+00  }
0x5d: {  	v3 =	vsel vm0, v3, v4  }
0x5e: {  	v3 =	vmul.f32 $1.442695020e+00, v3;
	_ =	sdelay $0x1  }
0x5f: {  	(erf) = vpow2.f32 v3;
	_ =	sdelay $0x7  }
0x60: {  	s11 =	sadd.s32 s11, s4  }
0x61: {  	p0 =	slt.u32 s11, $0x50910;
	v3 =	vpop (erf)  }
0x62: {  	s10 =	sadd.s32 $0x10, s10;
	s18 =	sadd.s32 s13, s4;
	v3 =	vpsel !p0, $0x0, v3  }
0x63: {  	s9 =	sadd.s32 $0x10, s9;
	s4 =	sshrl.u32 s18, $0x3;
	v2 =	vadd.s32 v0, v2;
	[tilespmem:s10+$0x0] =	vst v3  }
0x64: {  	s19 =	simm.s32 $0x0;
	s4 =	sadd.s32 s7, s4;
	[tilespmem:s9+$0x0] =	vst v2  }
0x65: {  	[hbm4b:s4+s19] =	stream.linear.scatter [tilespmem:s24], [sflag:$0x2], $0xC0, $0x38;
	[tilespmem:$0x1F400] =	vst v63  }
0x66: {  	_ =	swait.ge [sflag:s21], $0xC0  }
0x67: {  	[sflag:s21] =	ssyncset.done $0x0  }
0x68: {  	[sflag:s21] =	ssyncadd.s32 $0xFFFFFF40  }
0x69: {  	[tilespmem:s28], [sflag:$0x1] =	stream.indirect.gather [hbm4b:s5+s25], $0x80, s26, s25, $0xb8;
	[tilespmem:$0x1F400] =	vst v63  }
0x6a: {  	_ =	swait.ge [sflag:s29], $0x6000  }
0x6b: {  	v2 =	vmov s19;
	[sflag:s29] =	ssyncset.done $0x0  }
0x6c: {  	s4 =	simm.s32 $0x19440;
	[sflag:s29] =	ssyncadd.s32 $0xFFFFA000  }
0x6d: {  	v6 =	vld [tilespmem:s4+$0x30]  }
0x6e: {  	v9 =	vld [tilespmem:s4+$0x10]  }
0x6f: {  	v7 =	vld [tilespmem:s4+$0xFFFFFFC0]  }
0x70: {  	v3 =	vld.idx.msk [tilespmem:v2+s24+$0x0], $0xffff  }
0x71: {  	v11 =	vld [tilespmem:s4+$0xFFFFFFE0]  }
0x72: {  	v2 =	vld [tilespmem:s4+$0xFFFFFFF0]  }
0x73: {  	v4 =	vld [tilespmem:s4+$0x20]  }
0x74: {  	v5 =	vld [tilespmem:s4+$0xFFFFFFD0]  }
0x75: {  	v10 =	vmul.f32 v6, v3;
	v6 =	vld [tilespmem:s4+$0x0]  }
0x76: {  	v8 =	vmul.f32 v7, v3  }
0x77: {  	s10 =	simm.s32 $0x19440;
	s9 =	simm.s32 $0x1;
	v7 =	vmul.f32 v11, v3;
	v9 =	vmul.f32 v9, v3  }
.LBB2_5:
0x78: {  	p0 =	sne.s32 s9, $0xBF  }
0x79: {  	v5 =	vmul.f32 v5, v3;
	v4 =	vmul.f32 v4, v3;
	[tilespmem:s4+$0x30] =	vst v10;
	s10 =	sadd.s32 $0x80, s10;
	s11 =	smov.u32 s9;
	s9 =	sadd.s32 $0x1, s9  }
0x7a: {  	[tilespmem:s4+$0xFFFFFFC0] =	vst v8;
	v8 =	vmul.f32 v2, v3;
	v3 =	vmul.f32 v6, v3  }
0x7b: {  	[tilespmem:s4+$0x10] =	vst v9  }
0x7c: {  	v6 =	vmov s11;
	[tilespmem:s4+$0xFFFFFFE0] =	vst v7  }
0x7d: {  	v2 =	vld [tilespmem:s10+$0xFFFFFFF0];
	[tilespmem:s4+$0xFFFFFFF0] =	vst v8  }
0x7e: {  	v7 =	vld [tilespmem:s10+$0x30];
	[tilespmem:s4+$0x0] =	vst v3  }
0x7f: {  	v9 =	vld [tilespmem:s10+$0x10];
	[tilespmem:s4+$0x20] =	vst v4  }
0x80: {  	v8 =	vld [tilespmem:s10+$0xFFFFFFC0];
	[tilespmem:s4+$0xFFFFFFD0] =	vst v5;
	s4 =	smov.u32 s10  }
0x81: {  	v3 =	vld.idx.msk [tilespmem:v6+s24+$0x0], $0xffff  }
0x82: {  	v11 =	vld [tilespmem:s10+$0xFFFFFFE0]  }
0x83: {  	v4 =	vld [tilespmem:s10+$0x20]  }
.Ltmp1:
0x84: {  	v5 =	vld [tilespmem:s10+$0xFFFFFFD0];
	(pc) =	sbr.rel @p0 .LBB2_5-.Ltmp1, $3  }
0x85: {  	v6 =	vld [tilespmem:s10+$0x0];
	_ =	sdelay $0x1  }
0x86: {  	v8 =	vmul.f32 v8, v3;
	v10 =	vmul.f32 v7, v3  }
0x87: {  	v9 =	vmul.f32 v9, v3;
	v7 =	vmul.f32 v11, v3  }
0x88: {  	[tilespmem:s4+$0x30] =	vst v10  }
0x89: {  	[tilespmem:s4+$0xFFFFFFC0] =	vst v8  }
0x8a: {  	v2 =	vmul.f32 v2, v3;
	[tilespmem:s4+$0x10] =	vst v9  }
0x8b: {  	v4 =	vmul.f32 v4, v3;
	[tilespmem:s4+$0xFFFFFFE0] =	vst v7  }
0x8c: {  	v6 =	vmul.f32 v6, v3;
	[tilespmem:s4+$0xFFFFFFF0] =	vst v2  }
0x8d: {  	s2 =	sadd.s32 $0x1, s2;
	v2 =	vmul.f32 v5, v3;
	[tilespmem:s4+$0x20] =	vst v4  }
0x8e: {  	p0 =	sne.s32 s2, $0x6C;
	[tilespmem:s4+$0x0] =	vst v6  }
.Ltmp2:
0x8f: {  	[tilespmem:s4+$0xFFFFFFD0] =	vst v2;
	(pc) =	sbr.rel @p0 .LBB2_2-.Ltmp2, $4  }
0x90: {  	[spmem:s3] =	stream.indirect.scatter.add.f32 [tilespmem:s28], [sflag:$0x2], $0x80, s30, s25, $0xb8;
	[tilespmem:$0x1F400] =	vst v63  }
0x91: {  	_ =	swait.ge [sflag:s21], $0x6000  }
0x92: {  	[sflag:s21] =	ssyncset.done $0x0  }
0x93: {  	[sflag:s21] =	ssyncadd.s32 $0xFFFFA000  }
0x94: {  	[bflag:$0x0] =	sbarrier.arrive $0xFFFF  }
0x95: {  	s2 =	rddreg [dreg:$0x7]  }
0x96: {  	[hbm:s2], [sflag:s23] =	dma.local [spmem:s0], $0x2800  }
0x97: {  	_ =	swait.ge [sflag:s21], $0x2800  }
0x98: {  	[sflag:s21] =	ssyncset.done $0x0  }
0x99: {  	[sflag:s21] =	ssyncadd.s32 $0xFFFFD800  }
0x9a: {  	[bflag:$0x0] =	sbarrier.arrive $0xFFFF  }
0x9b: {  	s2 =	simm.s32 $0x0;
	s4 =	rddreg [dreg:$0x8]  }
0x9c: {  	[tilespmem:s20], [sflag:$0x2] =	stream.linear.gather [hbm4b:s4+s2], $0x2800, $0x38;
	[tilespmem:$0x1F400] =	vst v63  }
0x9d: {  	_ =	swait.ge [sflag:s21], $0x2800  }
0x9e: {  	[sflag:s21] =	ssyncset.done $0x0  }
0x9f: {  	s19 =	rddreg [dreg:$0x9];
	[sflag:s21] =	ssyncadd.s32 $0xFFFFD800  }
0xa0: {  	[tilespmem:s22], [sflag:$0x2] =	stream.linear.gather [hbm4b:s19+s2], $0x2800, $0x38;
	[tilespmem:$0x1F400] =	vst v63  }
0xa1: {  	_ =	swait.ge [sflag:s21], $0x2800  }
0xa2: {  	[sflag:s21] =	ssyncset.done $0x0  }
0xa3: {  	[sflag:s21] =	ssyncadd.s32 $0xFFFFD800  }
0xa4: {  	[spmem:s0], [sflag:s23] =	dma.local [hbm:s12], $0x2800  }
0xa5: {  	_ =	swait.ge [sflag:s21], $0x2800  }
0xa6: {  	[sflag:s21] =	ssyncset.done $0x0  }
0xa7: {  	[sflag:s21] =	ssyncadd.s32 $0xFFFFD800  }
0xa8: {  	s4 =	simm.s32 $0x0;
	[bflag:$0x0] =	sbarrier.arrive $0xFFFF  }
.LBB2_8:
0xa9: {  	s9 =	smul.u32 $0xC0, s4;
	_ =	sdelay $0x1  }
0xaa: {  	s9 =	sadd.s32 s8, s9  }
0xab: {  	s10 =	sshrl.u32 s9, $0x3  }
0xac: {  	s14 =	simm.s32 $0x19000;
	s11 =	sadd.s32 s1, s10  }
0xad: {  	[tilespmem:s14], [sflag:$0x2] =	stream.linear.gather [hbm4b:s11+s2], $0xC0, $0x38;
	[tilespmem:$0x1F400] =	vst v63  }
0xae: {  	_ =	swait.ge [sflag:s21], $0xC0  }
0xaf: {  	[sflag:s21] =	ssyncset.done $0x0  }
0xb0: {  	s18 =	simm.s32 $0x19100;
	s10 =	sadd.s32 s6, s10;
	[sflag:s21] =	ssyncadd.s32 $0xFFFFFF40  }
0xb1: {  	[tilespmem:s18], [sflag:$0x2] =	stream.linear.gather [hbm4b:s10+s2], $0xC0, $0x38;
	[tilespmem:$0x1F400] =	vst v63  }
0xb2: {  	_ =	swait.ge [sflag:s21], $0xC0  }
0xb3: {  	[sflag:s21] =	ssyncset.done $0x0  }
0xb4: {  	[sflag:s21] =	ssyncadd.s32 $0xFFFFFF40  }
0xb5: {  	v2 =	vld [tilespmem:s18+$0x0]  }
0xb6: {  	v3 =	vld [tilespmem:s14+$0x0];
	_ =	sdelay $0x6  }
0xb7: {  	v2 =	vld.idx.msk [tilespmem:v2+s22+$0x0], $0xffff  }
0xb8: {  	v4 =	vld.idx.msk [tilespmem:v3+s20+$0x0], $0xffff;
	_ =	sdelay $0x4  }
0xb9: {  	v2 =	vadd.f32 v2, v4;
	_ =	sdelay $0x1  }
0xba: {  	v4 =	vmul.f32 $2.000000030e-01, v2  }
0xbb: {  	vm0 =	vge.f32 v2, $0.0e+00  }
0xbc: {  	v2 =	vsel vm0, v2, v4  }
0xbd: {  	v2 =	vmul.f32 $1.442695020e+00, v2;
	_ =	sdelay $0x1  }
0xbe: {  	(erf) = vpow2.f32 v2;
	_ =	sdelay $0x7  }
0xbf: {  	s19 =	sadd.s32 $0x0, s9  }
0xc0: {  	p0 =	slt.u32 s19, $0x50910;
	v2 =	vpop (erf)  }
0xc1: {  	s11 =	simm.s32 $0x19300;
	v2 =	vpsel !p0, $0x0, v2  }
0xc2: {  	s10 =	simm.s32 $0x19200;
	[tilespmem:s11+$0x0] =	vst v2;
	v2 =	vadd.s32 v1, v3  }
0xc3: {  	s15 =	simm.s32 $0x19110;
	[tilespmem:s10+$0x0] =	vst v2  }
0xc4: {  	s16 =	simm.s32 $0x19010;
	v3 =	vld [tilespmem:s15+$0x0]  }
0xc5: {  	v2 =	vld [tilespmem:s16+$0x0]  }
0xc6: {  	s14 =	simm.s32 $0x10;
	s18 =	simm.s32 $0x20  }
.LBB2_9:
0xc7: {  	p0 =	sne.s32 s18, $0xB0;
	_ =	sdelay $0x4  }
0xc8: {  	v3 =	vld.idx.msk [tilespmem:v3+s22+$0x0], $0xffff  }
0xc9: {  	v4 =	vld.idx.msk [tilespmem:v2+s20+$0x0], $0xffff;
	_ =	sdelay $0x5  }
0xca: {  	v3 =	vadd.f32 v3, v4;
	_ =	sdelay $0x1  }
0xcb: {  	v4 =	vmul.f32 $2.000000030e-01, v3  }
0xcc: {  	vm0 =	vge.f32 v3, $0.0e+00  }
0xcd: {  	v3 =	vsel vm0, v3, v4  }
0xce: {  	v3 =	vmul.f32 $1.442695020e+00, v3;
	_ =	sdelay $0x1  }
0xcf: {  	(erf) = vpow2.f32 v3;
	_ =	sdelay $0x7  }
0xd0: {  	s19 =	sadd.s32 s14, s9;
	s14 =	smov.u32 s18  }
0xd1: {  	p1 =	slt.u32 s19, $0x50910;
	v3 =	vpop (erf)  }
0xd2: {  	s11 =	sadd.s32 $0x10, s11;
	v3 =	vpsel !p1, $0x0, v3  }
.Ltmp3:
0xd3: {  	s10 =	sadd.s32 $0x10, s10;
	v2 =	vadd.s32 v1, v2;
	[tilespmem:s11+$0x0] =	vst v3;
	(pc) =	sbr.rel @p0 .LBB2_9-.Ltmp3, $4  }
0xd4: {  	s15 =	sadd.s32 $0x10, s15;
	[tilespmem:s10+$0x0] =	vst v2  }
0xd5: {  	s16 =	sadd.s32 $0x10, s16;
	v3 =	vld [tilespmem:s15+$0x0]  }
0xd6: {  	v2 =	vld [tilespmem:s16+$0x0]  }
0xd7: {  	s18 =	sadd.s32 $0x10, s18  }
0xd8: {  	_ =	sdelay $0x5  }
0xd9: {  	v3 =	vld.idx.msk [tilespmem:v3+s22+$0x0], $0xffff  }
0xda: {  	v4 =	vld.idx.msk [tilespmem:v2+s20+$0x0], $0xffff;
	_ =	sdelay $0x4  }
0xdb: {  	v3 =	vadd.f32 v3, v4;
	_ =	sdelay $0x1  }
0xdc: {  	v4 =	vmul.f32 $2.000000030e-01, v3  }
0xdd: {  	vm0 =	vge.f32 v3, $0.0e+00  }
0xde: {  	v3 =	vsel vm0, v3, v4  }
0xdf: {  	v3 =	vmul.f32 $1.442695020e+00, v3;
	_ =	sdelay $0x1  }
0xe0: {  	(erf) = vpow2.f32 v3;
	_ =	sdelay $0x7  }
0xe1: {  	s14 =	sadd.s32 s14, s9  }
0xe2: {  	p0 =	slt.u32 s14, $0x50910;
	v3 =	vpop (erf)  }
0xe3: {  	s11 =	sadd.s32 $0x10, s11;
	s18 =	sadd.s32 s17, s9;
	v3 =	vpsel !p0, $0x0, v3  }
0xe4: {  	s10 =	sadd.s32 $0x10, s10;
	s9 =	sshrl.u32 s18, $0x3;
	v2 =	vadd.s32 v1, v2;
	[tilespmem:s11+$0x0] =	vst v3  }
0xe5: {  	s19 =	simm.s32 $0x0;
	s9 =	sadd.s32 s7, s9;
	[tilespmem:s10+$0x0] =	vst v2  }
0xe6: {  	[hbm4b:s9+s19] =	stream.linear.scatter [tilespmem:s24], [sflag:$0x2], $0xC0, $0x38;
	[tilespmem:$0x1F400] =	vst v63  }
0xe7: {  	_ =	swait.ge [sflag:s21], $0xC0  }
0xe8: {  	[sflag:s21] =	ssyncset.done $0x0  }
0xe9: {  	[sflag:s21] =	ssyncadd.s32 $0xFFFFFF40  }
0xea: {  	[tilespmem:s28], [sflag:$0x1] =	stream.indirect.gather [hbm4b:s5+s25], $0x80, s26, s25, $0xb8;
	[tilespmem:$0x1F400] =	vst v63  }
0xeb: {  	_ =	swait.ge [sflag:s29], $0x6000  }
0xec: {  	v2 =	vmov s19;
	[sflag:s29] =	ssyncset.done $0x0  }
0xed: {  	s9 =	simm.s32 $0x19440;
	[sflag:s29] =	ssyncadd.s32 $0xFFFFA000  }
0xee: {  	v6 =	vld [tilespmem:s9+$0x30]  }
0xef: {  	v9 =	vld [tilespmem:s9+$0x10]  }
0xf0: {  	v7 =	vld [tilespmem:s9+$0xFFFFFFC0]  }
0xf1: {  	v3 =	vld.idx.msk [tilespmem:v2+s24+$0x0], $0xffff  }
0xf2: {  	v11 =	vld [tilespmem:s9+$0xFFFFFFE0]  }
0xf3: {  	v2 =	vld [tilespmem:s9+$0xFFFFFFF0]  }
0xf4: {  	v4 =	vld [tilespmem:s9+$0x20]  }
0xf5: {  	v5 =	vld [tilespmem:s9+$0xFFFFFFD0]  }
0xf6: {  	v10 =	vmul.f32 v6, v3;
	v6 =	vld [tilespmem:s9+$0x0]  }
0xf7: {  	v8 =	vmul.f32 v7, v3  }
0xf8: {  	s11 =	simm.s32 $0x19440;
	s10 =	simm.s32 $0x1;
	v7 =	vmul.f32 v11, v3;
	v9 =	vmul.f32 v9, v3  }
.LBB2_11:
0xf9: {  	p0 =	sne.s32 s10, $0xBF  }
0xfa: {  	v5 =	vmul.f32 v5, v3;
	v4 =	vmul.f32 v4, v3;
	[tilespmem:s9+$0x30] =	vst v10;
	s11 =	sadd.s32 $0x80, s11;
	s14 =	smov.u32 s10;
	s10 =	sadd.s32 $0x1, s10  }
0xfb: {  	[tilespmem:s9+$0xFFFFFFC0] =	vst v8;
	v8 =	vmul.f32 v2, v3;
	v3 =	vmul.f32 v6, v3  }
0xfc: {  	[tilespmem:s9+$0x10] =	vst v9  }
0xfd: {  	v6 =	vmov s14;
	[tilespmem:s9+$0xFFFFFFE0] =	vst v7  }
0xfe: {  	v2 =	vld [tilespmem:s11+$0xFFFFFFF0];
	[tilespmem:s9+$0xFFFFFFF0] =	vst v8  }
0xff: {  	v7 =	vld [tilespmem:s11+$0x30];
	[tilespmem:s9+$0x0] =	vst v3  }
0x100: {  	v9 =	vld [tilespmem:s11+$0x10];
	[tilespmem:s9+$0x20] =	vst v4  }
0x101: {  	v8 =	vld [tilespmem:s11+$0xFFFFFFC0];
	[tilespmem:s9+$0xFFFFFFD0] =	vst v5;
	s9 =	smov.u32 s11  }
0x102: {  	v3 =	vld.idx.msk [tilespmem:v6+s24+$0x0], $0xffff  }
0x103: {  	v11 =	vld [tilespmem:s11+$0xFFFFFFE0]  }
0x104: {  	v4 =	vld [tilespmem:s11+$0x20]  }
.Ltmp4:
0x105: {  	v5 =	vld [tilespmem:s11+$0xFFFFFFD0];
	(pc) =	sbr.rel @p0 .LBB2_11-.Ltmp4, $3  }
0x106: {  	v6 =	vld [tilespmem:s11+$0x0];
	_ =	sdelay $0x1  }
0x107: {  	v8 =	vmul.f32 v8, v3;
	v10 =	vmul.f32 v7, v3  }
0x108: {  	v9 =	vmul.f32 v9, v3;
	v7 =	vmul.f32 v11, v3  }
0x109: {  	[tilespmem:s9+$0x30] =	vst v10  }
0x10a: {  	[tilespmem:s9+$0xFFFFFFC0] =	vst v8  }
0x10b: {  	v2 =	vmul.f32 v2, v3;
	[tilespmem:s9+$0x10] =	vst v9  }
0x10c: {  	v4 =	vmul.f32 v4, v3;
	[tilespmem:s9+$0xFFFFFFE0] =	vst v7  }
0x10d: {  	v6 =	vmul.f32 v6, v3;
	[tilespmem:s9+$0xFFFFFFF0] =	vst v2  }
0x10e: {  	s4 =	sadd.s32 $0x1, s4;
	v2 =	vmul.f32 v5, v3;
	[tilespmem:s9+$0x20] =	vst v4  }
0x10f: {  	p0 =	sne.s32 s4, $0x6C;
	[tilespmem:s9+$0x0] =	vst v6  }
.Ltmp5:
0x110: {  	[tilespmem:s9+$0xFFFFFFD0] =	vst v2;
	(pc) =	sbr.rel @p0 .LBB2_8-.Ltmp5, $4  }
0x111: {  	[spmem:s3] =	stream.indirect.scatter.add.f32 [tilespmem:s28], [sflag:$0x2], $0x80, s30, s25, $0xb8;
	[tilespmem:$0x1F400] =	vst v63  }
0x112: {  	_ =	swait.ge [sflag:s21], $0x6000  }
0x113: {  	[sflag:s21] =	ssyncset.done $0x0  }
0x114: {  	[sflag:s21] =	ssyncadd.s32 $0xFFFFA000  }
0x115: {  	[bflag:$0x0] =	sbarrier.arrive $0xFFFF  }
0x116: {  	s2 =	rddreg [dreg:$0xa]  }
0x117: {  	[hbm:s2], [sflag:s23] =	dma.local [spmem:s0], $0x2800  }
0x118: {  	_ =	swait.ge [sflag:s21], $0x2800  }
0x119: {  	s31 =	sadd.s32 $0x1, s31;
	s19 =	rddreg [dreg:$0xb]  }
0x11a: {  	p0 =	sne.s32 s31, s19  }
.Ltmp6:
0x11b: {  	_ = 	snop;
	(pc) =	sbr.rel @p0 .LBB2_1-.Ltmp6, $3  }
0x11c: {  	[sflag:s21] =	ssyncset.done $0x0  }
0x11d: {  	[sflag:s21] =	ssyncadd.s32 $0xFFFFD800  }
0x11e: {  	[bflag:$0x0] =	sbarrier.arrive $0xFFFF;
	_ =	sdelay $0x1  }
0x11f: {  	_ =	sfence.sel $0x180000  }
0x120: {  	[bflag:$0x0] =	sbarrier.arrive $0xFFFF  }
0x121: {  	_ =	strace $0x90000047  }
0x122: {  	s0 =	stileid.u32;
	[bflag:$0x2] =	sbarrier.arrive $0xFFFF  }
0x123: {  	p0 =	sne.s32 s0, $0x0;
	s0 =	rddreg [dreg:$0x3]  }
0x124: {  	s0 =	sadd.s32 @!p0 $0x100000, s0  }
0x125: {  	[sflag:s0] =	ssyncadd.tile.s32 @!p0 $0x1;
	_ =	shalt  }
.Lfunc_end2:
_tile_overlayer_lowered:
.L_overlay_start_2:
0x126: {  	(tag) =	ssettag $0x2  }
0x127: {  	s0 =	rddreg [dreg:$0x0];
	s2 =	stileid.u32  }
0x128: {  	s1 =	rddreg [dreg:$0x1];
	p0 =	sne.s32 s2, $0x0  }
0x129: {  	s3 =	rddreg [dreg:$0x2];
	[bflag:$0x3] =	sbarrier.arrive $0xFFFF;
	s2 =	simm.s32 @!p0 $0x1C02  }
0x12a: {  	[timem:s3], [sflag:s2] =	dma.local @!p0 [hbm:s0], s1  }
0x12b: {  	s0 =	simm.s32 @!p0 $0x2  }
0x12c: {  	_ =	swait.ge @!p0 [sflag:s0], s1  }
0x12d: {  	s1 =	ssub.s32 @!p0 $0x0, s1;
	[sflag:s0] =	ssyncset.done @!p0 $0x0  }
0x12e: {  	[sflag:s0] =	ssyncadd.s32 @!p0 s1  }
0x12f: {  	[bflag:$0x3] =	sbarrier.arrive $0xFFFF  }
0x130: {  	_ =	shalt  }

// kernel: kernel.13.cloned.1.call-start
scs
__scs_entry_jumppad:
0x0: {  	(pc) =	sbr.rel $0x88, $3  }
0x1: {  	(tag) =	ssettag $0x0;
	lr =	simm.s32 $0x1  }
0x2: {  	[smem:$0x3F97] =	sst lr;
	_ =	strace $0xD0000000  }
0x3: {  	_ = 	snop  }
0x4: {  	_ = 	snop  }
0x5: {  	_ = 	snop  }
0x6: {  	_ = 	snop  }
0x7: {  	_ = 	snop  }
__scs_overlays_trampoline_lowered:
0x8: {  	[smem:$0x3FA6] =	sst s0  }
0x9: {  	[smem:$0x3FA7] =	sst s1  }
0xa: {  	[smem:$0x3FA8] =	sst s2  }
0xb: {  	[smem:$0x3FA9] =	sst s3  }
0xc: {  	[smem:$0x3FAA] =	sst s4  }
0xd: {  	[smem:$0x3FAB] =	sst s5  }
0xe: {  	[smem:$0x3FAC] =	sst s6  }
0xf: {  	[smem:$0x3FAD] =	sst s7  }
0x10: {  	[smem:$0x3FAE] =	sst s8  }
0x11: {  	[smem:$0x3FAF] =	sst s9;
	s0 =	simm.s32 @!p0 $0x0  }
0x12: {  	s1 =	sld [smem:$0x3F95];
	s0 =	simm.s32 @p0 $0x1  }
0x13: {  	[smem:$0x3FB0] =	sst s0;
	s0 =	simm.s32 @!p1 $0x0  }
0x14: {  	s2 =	sld [smem:$0x3F94];
	s0 =	simm.s32 @p1 $0x1  }
0x15: {  	[smem:$0x3FB1] =	sst s0;
	s0 =	simm.s32 @!p2 $0x0  }
0x16: {  	s3 =	sld [smem:$0x3FDB];
	s0 =	simm.s32 @p2 $0x1  }
0x17: {  	s4 =	simm.s32 $0x1BF5;
	[smem:$0x3FB3] =	sst s0  }
0x18: {  	s0 =	sld [smem:$0x3F96];
	_ =	swait.ge [sflag:s4], $0x0  }
0x19: {  	s7 =	sld [smem:$0x3F97]  }
0x1a: {  	s8 =	sadd.s32 $0xFFFFE003, lr  }
0x1b: {  	s9 =	sadd.s32 $0xFFFFFEF7, lr;
	s5 =	simm.s32 $0xFFFFFFFF;
	p2 =	slt.u32 s8, $0xFFFFF086  }
0x1c: {  	p1 =	slt.u32 s9, $0xF7A;
	s5 =	simm.s32 @!p2 $0x0  }
0x1d: {  	s5 =	simm.s32 @p1 $0x1;
	p0 =	seq.s32 s7, s2  }
0x1e: {  	s7 =	smul.u32 @!p0 $0xF7A, s2;
	p2 =	seq.s32 @!p0 s5, $0x0  }
0x1f: {  	s9 =	smul.u32 $0xF7A, s1;
	s8 =	simm.s32 @!p0 $0x1BF5;
	p2 =	por !p2, p0  }
0x20: {  	[sflag:s8] =	ssyncset.s32 @!p0 $0xFFFFF086;
	s6 =	sadd.s32 @!p0 s3, s7;
	s7 =	simm.s32 @!p0 $0x108  }
0x21: {  	s3 =	sadd.s32 s3, s9;
	s6 =	sadd.s32 @!p0 $0x88, s6;
	s7 =	simm.s32 @p2 $0x1082  }
0x22: {  	[simem:s7], [sflag:s8] =	dma.local @!p0 [hbm:s6], $0xF7A  }
0x23: {  	s9 =	sor.u32 $0xD0000000, s2;
	s6 =	simm.s32 $0x108;
	_ =	swait.ge @!p0 [sflag:s8], $0x0  }
0x24: {  	s3 =	sadd.s32 $0x88, s3;
	s6 =	simm.s32 @!p1 $0x1082;
	[sflag:s4] =	ssyncset.s32 $0xFFFFF086  }
0x25: {  	[simem:s6], [sflag:s4] =	dma.local [hbm:s3], $0xF7A  }
0x26: {  	[smem:$0x3F97] =	sst s1;
	(tag) =	ssettag s2;
	_ =	strace s9  }
0x27: {  	s1 =	sld [smem:$0x3FA7]  }
0x28: {  	s2 =	sld [smem:$0x3FA8]  }
0x29: {  	s4 =	sld [smem:$0x3FAA]  }
0x2a: {  	p0 =	seq.s32 s5, $0x0;
	s5 =	sld [smem:$0x3FAB]  }
0x2b: {  	s6 =	sld [smem:$0x3FAC]  }
0x2c: {  	s7 =	sld [smem:$0x3FAD]  }
0x2d: {  	s3 =	simm.s32 $0x108;
	s8 =	sld [smem:$0x3FAE]  }
0x2e: {  	s3 =	simm.s32 @!p0 $0x1082;
	s9 =	sld [smem:$0x3FAF]  }
0x2f: {  	lr =	sadd.s32 s0, s3;
	s0 =	sld [smem:$0x3FA6]  }
0x30: {  	s3 =	sld [smem:$0x3FA9]  }
0x31: {  	[smem:$0x3FB2] =	sst s10  }
0x32: {  	s10 =	sld [smem:$0x3FB0];
	_ =	sdelay $0x3  }
0x33: {  	p0 =	seq.s32 s10, $0x1;
	s10 =	sld [smem:$0x3FB2];
	_ =	sdelay $0x3  }
0x34: {  	[smem:$0x3FB2] =	sst s10  }
0x35: {  	s10 =	sld [smem:$0x3FB1];
	_ =	sdelay $0x3  }
0x36: {  	p1 =	seq.s32 s10, $0x1;
	s10 =	sld [smem:$0x3FB2];
	_ =	sdelay $0x3  }
0x37: {  	[smem:$0x3FB2] =	sst s10  }
0x38: {  	s10 =	sld [smem:$0x3FB3]  }
0x39: {  	_ = 	snop;
	(pc) =	sbr.ind lr, $3  }
0x3a: {  	_ = 	snop  }
0x3b: {  	_ = 	snop  }
0x3c: {  	p2 =	seq.s32 s10, $0x1;
	s10 =	sld [smem:$0x3FB2]  }
0x3d: {  	_ =	shalt  }
0x3e: {  	_ =	shalt  }
0x3f: {  	_ =	shalt  }
0x40: {  	_ =	shalt  }
0x41: {  	_ =	shalt  }
0x42: {  	_ =	shalt  }
0x43: {  	_ =	shalt  }
0x44: {  	_ =	shalt  }
0x45: {  	_ =	shalt  }
0x46: {  	_ =	shalt  }
0x47: {  	_ =	shalt  }
0x48: {  	_ =	shalt  }
0x49: {  	_ =	shalt  }
0x4a: {  	_ =	shalt  }
0x4b: {  	_ =	shalt  }
0x4c: {  	_ =	shalt  }
0x4d: {  	_ =	shalt  }
0x4e: {  	_ =	shalt  }
0x4f: {  	_ =	shalt  }
0x50: {  	_ =	shalt  }
0x51: {  	_ =	shalt  }
0x52: {  	_ =	shalt  }
0x53: {  	_ =	shalt  }
0x54: {  	_ =	shalt  }
0x55: {  	_ =	shalt  }
0x56: {  	_ =	shalt  }
0x57: {  	_ =	shalt  }
0x58: {  	_ =	shalt  }
0x59: {  	_ =	shalt  }
0x5a: {  	_ =	shalt  }
0x5b: {  	_ =	shalt  }
0x5c: {  	_ =	shalt  }
0x5d: {  	_ =	shalt  }
0x5e: {  	_ =	shalt  }
0x5f: {  	_ =	shalt  }
0x60: {  	_ =	shalt  }
0x61: {  	_ =	shalt  }
0x62: {  	_ =	shalt  }
0x63: {  	_ =	shalt  }
0x64: {  	_ =	shalt  }
0x65: {  	_ =	shalt  }
0x66: {  	_ =	shalt  }
0x67: {  	_ =	shalt  }
0x68: {  	_ =	shalt  }
0x69: {  	_ =	shalt  }
0x6a: {  	_ =	shalt  }
0x6b: {  	_ =	shalt  }
0x6c: {  	_ =	shalt  }
0x6d: {  	_ =	shalt  }
0x6e: {  	_ =	shalt  }
0x6f: {  	_ =	shalt  }
0x70: {  	_ =	shalt  }
0x71: {  	_ =	shalt  }
0x72: {  	_ =	shalt  }
0x73: {  	_ =	shalt  }
0x74: {  	_ =	shalt  }
0x75: {  	_ =	shalt  }
0x76: {  	_ =	shalt  }
0x77: {  	_ =	shalt  }
0x78: {  	_ =	shalt  }
0x79: {  	_ =	shalt  }
0x7a: {  	_ =	shalt  }
0x7b: {  	_ =	shalt  }
0x7c: {  	_ =	shalt  }
0x7d: {  	_ =	shalt  }
0x7e: {  	_ =	shalt  }
0x7f: {  	_ =	shalt  }
0x80: {  	_ =	shalt  }
0x81: {  	_ =	shalt  }
0x82: {  	_ =	shalt  }
0x83: {  	_ =	shalt  }
0x84: {  	_ =	shalt  }
0x85: {  	_ =	shalt  }
0x86: {  	_ =	shalt  }
0x87: {  	_ =	shalt  }
.Lfunc_end0:
.L_simem_size_0:
called_computation.1_lowered:
.L_overlay_start_0:
0x88: {  	s2 =	sld [smem:$0x3FD9]  }
0x89: {  	s3 =	sld [smem:$0x3FFE];
	_ =	sdelay $0x1  }
0x8a: {  	s1 =	srdreg.scid  }
0x8b: {  	s0 =	sand.u32 $0x1, s1  }
0x8c: {  	s16 =	sshll.u32 s0, $0xA;
	s2 =	sadd.s32 s3, s2  }
0x8d: {  	s2 =	sadd.s32 s2, s16  }
0x8e: {  	[smem:$0x3FBE] =	sst s2  }
0x8f: {  	_ = 	snop  }
0x90: {  	(tm) =	ssettm $0x1  }
0x91: {  	s17 =	sld [smem:$0x3FFB];
	_ =	sdelay $0x3  }
0x92: {  	_ =	strace s17  }
0x93: {  	s2 =	sld [smem:$0x3FFC];
	_ =	sdelay $0x3  }
0x94: {  	_ =	strace s2  }
0x95: {  	s2 =	sld [smem:$0x3FFD];
	_ =	sdelay $0x3  }
0x96: {  	_ =	strace s2  }
0x97: {  	_ =	strace $0x8FFFFFFF  }
0x98: {  	s18 =	sld [smem:$0x3FDB];
	_ =	sdelay $0x1  }
0x99: {  	s19 =	simm.s32 $_scs_section_size  }
0x9a: {  	s4 =	simm.s32 $_size__tile_overlayer_lowered;
	s5 =	simm.s32 $_tile_overlayer_lowered  }
0x9b: {  	s22 =	simm.s32 $0x1BFF;
	s21 =	sshll.u32 s5, $0x1;
	s2 =	sadd.s32 s19, s18  }
0x9c: {  	s6 =	simm.s32 $0x0;
	s20 =	sshll.u32 s4, $0x1;
	s4 =	sadd.s32 s21, s2  }
0x9d: {  	[timem:s6], [sflag:s22] =	dma.local [hbm:s4], s20  }
0x9e: {  	_ =	swait.ge [sflag:s22], s20  }
0x9f: {  	s3 =	ssub.s32 $0x0, s20;
	[sflag:s22] =	ssyncset.done $0x0  }
0xa0: {  	[sflag:s22] =	ssyncadd.s32 s3;
	_ =	sdelay $0x1  }
0xa1: {  	s23 =	simm.s32 $0x1B8B  }
0xa2: {  	_ =	swait.ge [sflag:s23], $0x1  }
0xa3: {  	[sflag:s23] =	ssyncset.done $0x0  }
0xa4: {  	s25 =	simm.s32 $0x1B8E;
	s24 =	sld [smem:$0x3FFE];
	[sflag:s23] =	ssyncadd.s32 $0xFFFFFFFF  }
0xa5: {  	s26 =	simm.s32 $execute0_lowered;
	[smem:$0x3FD2] =	sst s25  }
0xa6: {  	s4 =	sshll.u32 s26, $0x1;
	_ =	strace $0x80000049;
	[dreg:$0x1] =	wrdreg $0xFFFFFFFF  }
0xa7: {  	s28 =	simm.s32 $_size_execute0_lowered;
	s2 =	sadd.s32 s2, s4;
	[dreg:$0x0] =	wrdreg $0x0  }
0xa8: {  	s4 =	sshll.u32 s28, $0x1;
	[dreg:$0x2] =	wrdreg s2  }
0xa9: {  	[dreg:$0x3] =	wrdreg s4  }
0xaa: {  	[dreg:$0x4] =	wrdreg $0xC0  }
0xab: {  	_ =	task [dreg:s6], $0x5FFFF  }
0xac: {  	[dreg:$0x1] =	wrdreg $0xFFFFFFFF  }
0xad: {  	[dreg:$0x0] =	wrdreg $0x60  }
0xae: {  	[dreg:$0x2] =	wrdreg s24  }
0xaf: {  	[dreg:$0x3] =	wrdreg $0x0  }
0xb0: {  	[dreg:$0x4] =	wrdreg $0x9  }
0xb1: {  	_ =	task.clear_ibuf [dreg:s6], $0x5FFFF;
	_ =	strace $0x90000049  }
0xb2: {  	s29 =	simm.s32 $0x9;
	_ =	strace $0x8000004B  }
0xb3: {  	_ =	swait.ge [sflag:s29], $0x1  }
0xb4: {  	[sflag:s29] =	ssyncadd.s32 $0xFFFFFFFF  }
0xb5: {  	_ =	strace $0x9000004B  }
0xb6: {  	_ =	sfence  }
0xb7: {  	s30 =	sld [smem:$0x0];
	_ =	sdelay $0x2  }
0xb8: {  	s31 =	sshll.u32 s1, $0xD;
	s1 =	sshrl.u32 s1, $0x2  }
0xb9: {  	s3 =	sand.u32 $0x4000, s31;
	s1 =	sadd.s32 s1, s30  }
0xba: {  	s0 =	sor.u32 s3, s0;
	s1 =	sshll.u32 s1, $0x11  }
0xbb: {  	s0 =	sor.u32 s1, s0  }
0xbc: {  	s0 =	sadd.s32 $0x8F2B, s0  }
0xbd: {  	[sflag:s0] =	ssyncadd.remote.s32 $0x1  }
0xbe: {  	_ =	sfence.sel $0xFFFF  }
0xbf: {  	[dreg:$0x0] =	wrdreg $0xFFFFFFFF;
	(pc) =	sbr.abs _section_cstart, $3  }
0xc0: {  	[dreg:$0x1] =	wrdreg $0xFFFFFFFF  }
0xc1: {  	_ =	task.clear_ibuf [dreg:s6], $0x2FFFF;
	_ =	strace $0x9FFFFFFF  }
0xc2: {  	(tm) =	ssettm $0x7FFFFFFF  }
0xc3: {  	_ =	shalt  }
tec
execute0_lowered:
.L_overlay_start_1:
0x0: {  	(tag) =	ssettag $0x1  }
0x1: {  	s6 =	rddreg [dreg:$0x0]  }
0x2: {  	s2 =	rddreg [dreg:$0x1]  }
0x3: {  	s0 =	rddreg [dreg:$0x2]  }
0x4: {  	s3 =	simm.s32 $0x0;
	s1 =	stileid.u32;
	s5 =	srdreg.scid  }
0x5: {  	s17 =	simm.s32 $0x14200;
	s18 =	simm.s32 $0xC0;
	[smem:$0x7FF] =	sst s3  }
0x6: {  	s9 =	smul.u32 $0x14000, s1;
	s4 =	sadd.s32 $0xD9800, s6;
	s10 =	sand.u32 $0x1, s5  }
0x7: {  	s5 =	sadd.s32 $0x2600, s6;
	s12 =	sadd.s32 $0xC800, s6;
	s11 =	smul.u32 $0x50000, s1  }
0x8: {  	s28 =	sshll.u32 s1, $0x6;
	_ =	strace $0x8000004A;
	s8 =	ssub.s32 $0x2, s10  }
0x9: {  	s14 =	smul.u32 $0x280000, s10;
	s15 =	sshllo.u32 s10, $0x1;
	s7 =	sshrl.u32 s9, $0x3  }
0xa: {  	s25 =	sshrl.u32 s8, $0x1;
	s26 =	sshrl.u32 s11, $0x2;
	s29 =	smul.u32 $0x140000, s15  }
0xb: {  	s7 =	sadd.s32 s7, s6;
	s13 =	ssub.s32 s8, s25;
	s16 =	sadd.s32 s26, s2  }
0xc: {  	s8 =	smul.u32 $0x5100, s1;
	s14 =	sadd.s32 s9, s14;
	s6 =	sadd.s32 $0xB1800, s7  }
0xd: {  	s7 =	sor.u32 $0x1C01, s28;
	s11 =	sadd.s32 s9, s29;
	s9 =	smul.u32 $0xA2000, s10  }
0xe: {  	s30 =	sshrl.u32 s14, $0x3;
	s13 =	smax.u32 s13, $0x1;
	s14 =	sshrl.u32 s16, $0x3  }
0xf: {  	v1 =	vlaneseq.u32;
	s16 =	simm.s32 $0x14000;
	s31 =	sshrl.u32 s11, $0x3;
	s10 =	sadd.s32 s12, s30  }
0x10: {  	v0 =	vimm.f32 $0.0e+00;
	v1 =	vmul.u32 $0x80, v1;
	s11 =	smul.u32 $0x51000, s15;
	s15 =	simm.s32 $0x1;
	s12 =	sadd.s32 s12, s31  }
.LBB2_1:
0x11: {  	s19 =	simm.s32 $0x0;
	s20 =	simm.s32 $0x200  }
.LBB2_2:
0x12: {  	p0 =	sne.s32 s20, $0x17E00;
	[tilespmem:s19+$0x14270] =	vst v0  }
0x13: {  	[tilespmem:s19+$0x14200] =	vst v0  }
0x14: {  	[tilespmem:s19+$0x14210] =	vst v0  }
.Ltmp0:
0x15: {  	[tilespmem:s19+$0x14220] =	vst v0;
	(pc) =	sbr.rel @p0 .LBB2_2-.Ltmp0, $4  }
0x16: {  	[tilespmem:s19+$0x14230] =	vst v0  }
0x17: {  	[tilespmem:s19+$0x14240] =	vst v0  }
0x18: {  	[tilespmem:s19+$0x14250] =	vst v0  }
0x19: {  	[tilespmem:s19+$0x14260] =	vst v0;
	s19 =	sshra.s32 s20, $0x2;
	s20 =	sadd.s32 $0x200, s20  }
0x1a: {  	[tilespmem:s19+$0x14270] =	vst v0  }
0x1b: {  	[tilespmem:s19+$0x14200] =	vst v0  }
0x1c: {  	[tilespmem:s19+$0x14210] =	vst v0  }
0x1d: {  	[tilespmem:s19+$0x14220] =	vst v0  }
0x1e: {  	[tilespmem:s19+$0x14230] =	vst v0  }
0x1f: {  	[tilespmem:s19+$0x14240] =	vst v0  }
0x20: {  	[tilespmem:s19+$0x14250] =	vst v0  }
0x21: {  	[tilespmem:s19+$0x14260] =	vst v0  }
0x22: {  	[spmem:s14], [sflag:s7] =	dma.local [hbm:s6], $0x2800  }
0x23: {  	_ =	swait.ge [sflag:s15], $0x2800  }
0x24: {  	[sflag:s15] =	ssyncset.done $0x0  }
0x25: {  	[sflag:s15] =	ssyncadd.s32 $0xFFFFD800  }
0x26: {  	s19 =	simm.s32 $0x0;
	s20 =	simm.s32 $0x0;
	[bflag:$0x0] =	sbarrier.arrive $0xFFFF  }
.LBB2_4:
0x27: {  	s21 =	smul.u32 $0xC0, s20;
	_ =	sdelay $0x1  }
0x28: {  	s21 =	sadd.s32 s8, s21  }
0x29: {  	s22 =	sshrl.u32 s21, $0x3  }
0x2a: {  	s22 =	sadd.s32 s5, s22  }
0x2b: {  	[tilespmem:s16], [sflag:$0x1] =	stream.linear.gather [hbm4b:s22+s19], $0xC0, $0x38;
	[tilespmem:$0x1A200] =	vst v63  }
0x2c: {  	s21 =	sadd.s32 s9, s21;
	_ =	swait.ge [sflag:s15], $0xC0  }
0x2d: {  	s21 =	sshrl.u32 s21, $0x3;
	[sflag:s15] =	ssyncset.done $0x0  }
0x2e: {  	s31 =	sadd.s32 s4, s21;
	s21 =	simm.s32 $0x14100;
	[sflag:s15] =	ssyncadd.s32 $0xFFFFFF40  }
0x2f: {  	[tilespmem:s21], [sflag:$0x1] =	stream.linear.gather [hbm4b:s31+s19], $0xC0, $0x38;
	[tilespmem:$0x1A200] =	vst v63  }
0x30: {  	_ =	swait.ge [sflag:s15], $0xC0  }
0x31: {  	v2 =	vmov s19;
	[sflag:s15] =	ssyncset.done $0x0  }
0x32: {  	v3 =	vshll.u32 v2, $0x7;
	[sflag:s15] =	ssyncadd.s32 $0xFFFFFF40  }
0x33: {  	v3 =	vor.u32 v1, v3;
	s22 =	simm.s32 $0x10;
	v2 =	vld [tilespmem:s21+$0x0]  }
.LBB2_5:
0x34: {  	p0 =	sne.s32 s22, $0xB0  }
.Ltmp1:
0x35: {  	_ = 	snop;
	(pc) =	sbr.rel @p0 .LBB2_5-.Ltmp1, $4  }
0x36: {  	_ = 	snop  }
0x37: {  	v4 =	vmov s22;
	s22 =	sadd.s32 $0x10, s22  }
0x38: {  	s21 =	sadd.s32 $0x10, s21;
	v4 =	vshll.u32 v4, $0x7;
	[tilespmem:v3+s17+$0x0] =	vst.idx.msk $0xffff, v2  }
0x39: {  	v3 =	vor.u32 v1, v4;
	v2 =	vld [tilespmem:s21+$0x0]  }
0x3a: {  	_ =	sdelay $0x1  }
0x3b: {  	s20 =	sadd.s32 $0x1, s20  }
0x3c: {  	p0 =	sne.s32 s20, $0x6C  }
.Ltmp2:
0x3d: {  	[tilespmem:v3+s17+$0x0] =	vst.idx.msk $0xffff, v2;
	(pc) =	sbr.rel @p0 .LBB2_4-.Ltmp2, $4  }
0x3e: {  	[spmem:s2] =	stream.indirect.scatter.add.f32 [tilespmem:s17], [sflag:$0x1], $0x80, s16, s18, $0xb8;
	[tilespmem:$0x1A200] =	vst v63  }
0x3f: {  	_ =	swait.ge [sflag:s15], $0x6000  }
0x40: {  	[sflag:s15] =	ssyncset.done $0x0  }
0x41: {  	[sflag:s15] =	ssyncadd.s32 $0xFFFFA000  }
0x42: {  	[bflag:$0x0] =	sbarrier.arrive $0xFFFF  }
0x43: {  	[hbm:s10], [sflag:s7] =	dma.local [spmem:s14], $0x2800  }
0x44: {  	_ =	swait.ge [sflag:s15], $0x2800  }
0x45: {  	[sflag:s15] =	ssyncset.done $0x0  }
0x46: {  	[sflag:s15] =	ssyncadd.s32 $0xFFFFD800  }
0x47: {  	[bflag:$0x0] =	sbarrier.arrive $0xFFFF  }
0x48: {  	[spmem:s14], [sflag:s7] =	dma.local [hbm:s6], $0x2800  }
0x49: {  	_ =	swait.ge [sflag:s15], $0x2800  }
0x4a: {  	[sflag:s15] =	ssyncset.done $0x0  }
0x4b: {  	[sflag:s15] =	ssyncadd.s32 $0xFFFFD800  }
0x4c: {  	s19 =	simm.s32 $0x0;
	s20 =	simm.s32 $0x0;
	[bflag:$0x0] =	sbarrier.arrive $0xFFFF  }
.LBB2_8:
0x4d: {  	s21 =	smul.u32 $0xC0, s20;
	_ =	sdelay $0x1  }
0x4e: {  	s21 =	sadd.s32 s8, s21  }
0x4f: {  	s22 =	sshrl.u32 s21, $0x3  }
0x50: {  	s22 =	sadd.s32 s5, s22  }
0x51: {  	[tilespmem:s16], [sflag:$0x1] =	stream.linear.gather [hbm4b:s22+s19], $0xC0, $0x38;
	[tilespmem:$0x1A200] =	vst v63  }
0x52: {  	s21 =	sadd.s32 s11, s21;
	_ =	swait.ge [sflag:s15], $0xC0  }
0x53: {  	s21 =	sshrl.u32 s21, $0x3;
	[sflag:s15] =	ssyncset.done $0x0  }
0x54: {  	s31 =	sadd.s32 s4, s21;
	s21 =	simm.s32 $0x14100;
	[sflag:s15] =	ssyncadd.s32 $0xFFFFFF40  }
0x55: {  	[tilespmem:s21], [sflag:$0x1] =	stream.linear.gather [hbm4b:s31+s19], $0xC0, $0x38;
	[tilespmem:$0x1A200] =	vst v63  }
0x56: {  	_ =	swait.ge [sflag:s15], $0xC0  }
0x57: {  	v2 =	vmov s19;
	[sflag:s15] =	ssyncset.done $0x0  }
0x58: {  	v3 =	vshll.u32 v2, $0x7;
	[sflag:s15] =	ssyncadd.s32 $0xFFFFFF40  }
0x59: {  	v3 =	vor.u32 v1, v3;
	s22 =	simm.s32 $0x10;
	v2 =	vld [tilespmem:s21+$0x0]  }
.LBB2_9:
0x5a: {  	p0 =	sne.s32 s22, $0xB0  }
.Ltmp3:
0x5b: {  	_ = 	snop;
	(pc) =	sbr.rel @p0 .LBB2_9-.Ltmp3, $4  }
0x5c: {  	_ = 	snop  }
0x5d: {  	v4 =	vmov s22;
	s22 =	sadd.s32 $0x10, s22  }
0x5e: {  	s21 =	sadd.s32 $0x10, s21;
	v4 =	vshll.u32 v4, $0x7;
	[tilespmem:v3+s17+$0x0] =	vst.idx.msk $0xffff, v2  }
0x5f: {  	v3 =	vor.u32 v1, v4;
	v2 =	vld [tilespmem:s21+$0x0]  }
0x60: {  	_ =	sdelay $0x1  }
0x61: {  	s20 =	sadd.s32 $0x1, s20  }
0x62: {  	p0 =	sne.s32 s20, $0x6C  }
.Ltmp4:
0x63: {  	[tilespmem:v3+s17+$0x0] =	vst.idx.msk $0xffff, v2;
	(pc) =	sbr.rel @p0 .LBB2_8-.Ltmp4, $4  }
0x64: {  	[spmem:s2] =	stream.indirect.scatter.add.f32 [tilespmem:s17], [sflag:$0x1], $0x80, s16, s18, $0xb8;
	[tilespmem:$0x1A200] =	vst v63  }
0x65: {  	_ =	swait.ge [sflag:s15], $0x6000  }
0x66: {  	[sflag:s15] =	ssyncset.done $0x0  }
0x67: {  	[sflag:s15] =	ssyncadd.s32 $0xFFFFA000  }
0x68: {  	[bflag:$0x0] =	sbarrier.arrive $0xFFFF;
	s3 =	sadd.s32 $0x1, s3  }
0x69: {  	[hbm:s12], [sflag:s7] =	dma.local [spmem:s14], $0x2800  }
0x6a: {  	p0 =	sne.s32 s3, s13  }
.Ltmp5:
0x6b: {  	_ =	swait.ge [sflag:s15], $0x2800;
	(pc) =	sbr.rel @p0 .LBB2_1-.Ltmp5, $3  }
0x6c: {  	[sflag:s15] =	ssyncset.done $0x0  }
0x6d: {  	[sflag:s15] =	ssyncadd.s32 $0xFFFFD800  }
0x6e: {  	[bflag:$0x0] =	sbarrier.arrive $0xFFFF;
	_ =	sdelay $0x1  }
0x6f: {  	_ =	sfence.sel $0x180000  }
0x70: {  	[bflag:$0x0] =	sbarrier.arrive $0xFFFF  }
0x71: {  	p0 =	sne.s32 s1, $0x0;
	_ =	strace $0x9000004A  }
0x72: {  	s0 =	sadd.s32 @!p0 $0x100000, s0;
	[bflag:$0x2] =	sbarrier.arrive $0xFFFF  }
0x73: {  	[sflag:s0] =	ssyncadd.tile.s32 @!p0 $0x1;
	_ =	shalt  }
.Lfunc_end2:
_tile_overlayer_lowered:
.L_overlay_start_2:
0x74: {  	(tag) =	ssettag $0x2  }
0x75: {  	s0 =	rddreg [dreg:$0x0];
	s2 =	stileid.u32  }
0x76: {  	s1 =	rddreg [dreg:$0x1];
	p0 =	sne.s32 s2, $0x0  }
0x77: {  	s3 =	rddreg [dreg:$0x2];
	[bflag:$0x3] =	sbarrier.arrive $0xFFFF;
	s2 =	simm.s32 @!p0 $0x1C01  }
0x78: {  	[timem:s3], [sflag:s2] =	dma.local @!p0 [hbm:s0], s1  }
0x79: {  	s0 =	simm.s32 @!p0 $0x1  }
0x7a: {  	_ =	swait.ge @!p0 [sflag:s0], s1  }
0x7b: {  	s1 =	ssub.s32 @!p0 $0x0, s1;
	[sflag:s0] =	ssyncset.done @!p0 $0x0  }
0x7c: {  	[sflag:s0] =	ssyncadd.s32 @!p0 s1  }
0x7d: {  	[bflag:$0x3] =	sbarrier.arrive $0xFFFF  }
0x7e: {  	_ =	shalt  }

// kernel: kernel.16.cloned.1.call-start
scs
__scs_entry_jumppad:
0x0: {  	(pc) =	sbr.rel $0x88, $3  }
0x1: {  	(tag) =	ssettag $0x0;
	lr =	simm.s32 $0x1  }
0x2: {  	[smem:$0x3F97] =	sst lr;
	_ =	strace $0xD0000000  }
0x3: {  	_ = 	snop  }
0x4: {  	_ = 	snop  }
0x5: {  	_ = 	snop  }
0x6: {  	_ = 	snop  }
0x7: {  	_ = 	snop  }
__scs_overlays_trampoline_lowered:
0x8: {  	[smem:$0x3FA6] =	sst s0  }
0x9: {  	[smem:$0x3FA7] =	sst s1  }
0xa: {  	[smem:$0x3FA8] =	sst s2  }
0xb: {  	[smem:$0x3FA9] =	sst s3  }
0xc: {  	[smem:$0x3FAA] =	sst s4  }
0xd: {  	[smem:$0x3FAB] =	sst s5  }
0xe: {  	[smem:$0x3FAC] =	sst s6  }
0xf: {  	[smem:$0x3FAD] =	sst s7  }
0x10: {  	[smem:$0x3FAE] =	sst s8  }
0x11: {  	[smem:$0x3FAF] =	sst s9;
	s0 =	simm.s32 @!p0 $0x0  }
0x12: {  	s1 =	sld [smem:$0x3F95];
	s0 =	simm.s32 @p0 $0x1  }
0x13: {  	[smem:$0x3FB0] =	sst s0;
	s0 =	simm.s32 @!p1 $0x0  }
0x14: {  	s2 =	sld [smem:$0x3F94];
	s0 =	simm.s32 @p1 $0x1  }
0x15: {  	[smem:$0x3FB1] =	sst s0;
	s0 =	simm.s32 @!p2 $0x0  }
0x16: {  	s3 =	sld [smem:$0x3FDB];
	s0 =	simm.s32 @p2 $0x1  }
0x17: {  	s4 =	simm.s32 $0x1BF5;
	[smem:$0x3FB3] =	sst s0  }
0x18: {  	s0 =	sld [smem:$0x3F96];
	_ =	swait.ge [sflag:s4], $0x0  }
0x19: {  	s7 =	sld [smem:$0x3F97]  }
0x1a: {  	s8 =	sadd.s32 $0xFFFFE003, lr  }
0x1b: {  	s9 =	sadd.s32 $0xFFFFFEF7, lr;
	s5 =	simm.s32 $0xFFFFFFFF;
	p2 =	slt.u32 s8, $0xFFFFF086  }
0x1c: {  	p1 =	slt.u32 s9, $0xF7A;
	s5 =	simm.s32 @!p2 $0x0  }
0x1d: {  	s5 =	simm.s32 @p1 $0x1;
	p0 =	seq.s32 s7, s2  }
0x1e: {  	s7 =	smul.u32 @!p0 $0xF7A, s2;
	p2 =	seq.s32 @!p0 s5, $0x0  }
0x1f: {  	s9 =	smul.u32 $0xF7A, s1;
	s8 =	simm.s32 @!p0 $0x1BF5;
	p2 =	por !p2, p0  }
0x20: {  	[sflag:s8] =	ssyncset.s32 @!p0 $0xFFFFF086;
	s6 =	sadd.s32 @!p0 s3, s7;
	s7 =	simm.s32 @!p0 $0x108  }
0x21: {  	s3 =	sadd.s32 s3, s9;
	s6 =	sadd.s32 @!p0 $0x88, s6;
	s7 =	simm.s32 @p2 $0x1082  }
0x22: {  	[simem:s7], [sflag:s8] =	dma.local @!p0 [hbm:s6], $0xF7A  }
0x23: {  	s9 =	sor.u32 $0xD0000000, s2;
	s6 =	simm.s32 $0x108;
	_ =	swait.ge @!p0 [sflag:s8], $0x0  }
0x24: {  	s3 =	sadd.s32 $0x88, s3;
	s6 =	simm.s32 @!p1 $0x1082;
	[sflag:s4] =	ssyncset.s32 $0xFFFFF086  }
0x25: {  	[simem:s6], [sflag:s4] =	dma.local [hbm:s3], $0xF7A  }
0x26: {  	[smem:$0x3F97] =	sst s1;
	(tag) =	ssettag s2;
	_ =	strace s9  }
0x27: {  	s1 =	sld [smem:$0x3FA7]  }
0x28: {  	s2 =	sld [smem:$0x3FA8]  }
0x29: {  	s4 =	sld [smem:$0x3FAA]  }
0x2a: {  	p0 =	seq.s32 s5, $0x0;
	s5 =	sld [smem:$0x3FAB]  }
0x2b: {  	s6 =	sld [smem:$0x3FAC]  }
0x2c: {  	s7 =	sld [smem:$0x3FAD]  }
0x2d: {  	s3 =	simm.s32 $0x108;
	s8 =	sld [smem:$0x3FAE]  }
0x2e: {  	s3 =	simm.s32 @!p0 $0x1082;
	s9 =	sld [smem:$0x3FAF]  }
0x2f: {  	lr =	sadd.s32 s0, s3;
	s0 =	sld [smem:$0x3FA6]  }
0x30: {  	s3 =	sld [smem:$0x3FA9]  }
0x31: {  	[smem:$0x3FB2] =	sst s10  }
0x32: {  	s10 =	sld [smem:$0x3FB0];
	_ =	sdelay $0x3  }
0x33: {  	p0 =	seq.s32 s10, $0x1;
	s10 =	sld [smem:$0x3FB2];
	_ =	sdelay $0x3  }
0x34: {  	[smem:$0x3FB2] =	sst s10  }
0x35: {  	s10 =	sld [smem:$0x3FB1];
	_ =	sdelay $0x3  }
0x36: {  	p1 =	seq.s32 s10, $0x1;
	s10 =	sld [smem:$0x3FB2];
	_ =	sdelay $0x3  }
0x37: {  	[smem:$0x3FB2] =	sst s10  }
0x38: {  	s10 =	sld [smem:$0x3FB3]  }
0x39: {  	_ = 	snop;
	(pc) =	sbr.ind lr, $3  }
0x3a: {  	_ = 	snop  }
0x3b: {  	_ = 	snop  }
0x3c: {  	p2 =	seq.s32 s10, $0x1;
	s10 =	sld [smem:$0x3FB2]  }
0x3d: {  	_ =	shalt  }
0x3e: {  	_ =	shalt  }
0x3f: {  	_ =	shalt  }
0x40: {  	_ =	shalt  }
0x41: {  	_ =	shalt  }
0x42: {  	_ =	shalt  }
0x43: {  	_ =	shalt  }
0x44: {  	_ =	shalt  }
0x45: {  	_ =	shalt  }
0x46: {  	_ =	shalt  }
0x47: {  	_ =	shalt  }
0x48: {  	_ =	shalt  }
0x49: {  	_ =	shalt  }
0x4a: {  	_ =	shalt  }
0x4b: {  	_ =	shalt  }
0x4c: {  	_ =	shalt  }
0x4d: {  	_ =	shalt  }
0x4e: {  	_ =	shalt  }
0x4f: {  	_ =	shalt  }
0x50: {  	_ =	shalt  }
0x51: {  	_ =	shalt  }
0x52: {  	_ =	shalt  }
0x53: {  	_ =	shalt  }
0x54: {  	_ =	shalt  }
0x55: {  	_ =	shalt  }
0x56: {  	_ =	shalt  }
0x57: {  	_ =	shalt  }
0x58: {  	_ =	shalt  }
0x59: {  	_ =	shalt  }
0x5a: {  	_ =	shalt  }
0x5b: {  	_ =	shalt  }
0x5c: {  	_ =	shalt  }
0x5d: {  	_ =	shalt  }
0x5e: {  	_ =	shalt  }
0x5f: {  	_ =	shalt  }
0x60: {  	_ =	shalt  }
0x61: {  	_ =	shalt  }
0x62: {  	_ =	shalt  }
0x63: {  	_ =	shalt  }
0x64: {  	_ =	shalt  }
0x65: {  	_ =	shalt  }
0x66: {  	_ =	shalt  }
0x67: {  	_ =	shalt  }
0x68: {  	_ =	shalt  }
0x69: {  	_ =	shalt  }
0x6a: {  	_ =	shalt  }
0x6b: {  	_ =	shalt  }
0x6c: {  	_ =	shalt  }
0x6d: {  	_ =	shalt  }
0x6e: {  	_ =	shalt  }
0x6f: {  	_ =	shalt  }
0x70: {  	_ =	shalt  }
0x71: {  	_ =	shalt  }
0x72: {  	_ =	shalt  }
0x73: {  	_ =	shalt  }
0x74: {  	_ =	shalt  }
0x75: {  	_ =	shalt  }
0x76: {  	_ =	shalt  }
0x77: {  	_ =	shalt  }
0x78: {  	_ =	shalt  }
0x79: {  	_ =	shalt  }
0x7a: {  	_ =	shalt  }
0x7b: {  	_ =	shalt  }
0x7c: {  	_ =	shalt  }
0x7d: {  	_ =	shalt  }
0x7e: {  	_ =	shalt  }
0x7f: {  	_ =	shalt  }
0x80: {  	_ =	shalt  }
0x81: {  	_ =	shalt  }
0x82: {  	_ =	shalt  }
0x83: {  	_ =	shalt  }
0x84: {  	_ =	shalt  }
0x85: {  	_ =	shalt  }
0x86: {  	_ =	shalt  }
0x87: {  	_ =	shalt  }
.Lfunc_end0:
.L_simem_size_0:
called_computation.2_lowered:
.L_overlay_start_0:
0x88: {  	s2 =	sld [smem:$0x3FD9]  }
0x89: {  	s3 =	sld [smem:$0x3FFE];
	_ =	sdelay $0x1  }
0x8a: {  	s1 =	srdreg.scid  }
0x8b: {  	s0 =	sand.u32 $0x1, s1  }
0x8c: {  	s17 =	sshll.u32 s0, $0xA;
	s2 =	sadd.s32 s3, s2  }
0x8d: {  	s2 =	sadd.s32 s2, s17  }
0x8e: {  	[smem:$0x3FBE] =	sst s2  }
0x8f: {  	_ = 	snop  }
0x90: {  	s2 =	sld [smem:$0x3FD0];
	(tm) =	ssettm $0x1  }
0x91: {  	s18 =	sld [smem:$0x3FFB];
	_ =	sdelay $0x3  }
0x92: {  	_ =	strace s18  }
0x93: {  	s3 =	sld [smem:$0x3FFC];
	_ =	sdelay $0x3  }
0x94: {  	_ =	strace s3  }
0x95: {  	s3 =	sld [smem:$0x3FFD];
	_ =	sdelay $0x3  }
0x96: {  	_ =	strace s3  }
0x97: {  	_ =	strace $0x8FFFFFFF  }
0x98: {  	s19 =	sld [smem:$0x3FDB];
	_ =	sdelay $0x1  }
0x99: {  	s4 =	simm.s32 $_scs_section_size  }
0x9a: {  	s5 =	simm.s32 $_size__tile_overlayer_lowered;
	s6 =	simm.s32 $_tile_overlayer_lowered  }
0x9b: {  	s22 =	simm.s32 $0x1BFF;
	s21 =	sshll.u32 s6, $0x1;
	s3 =	sadd.s32 s4, s19  }
0x9c: {  	s7 =	simm.s32 $0x0;
	s20 =	sshll.u32 s5, $0x1;
	s5 =	sadd.s32 s21, s3  }
0x9d: {  	[timem:s7], [sflag:s22] =	dma.local [hbm:s5], s20  }
0x9e: {  	_ =	swait.ge [sflag:s22], s20  }
0x9f: {  	s4 =	ssub.s32 $0x0, s20;
	[sflag:s22] =	ssyncset.done $0x0  }
0xa0: {  	[sflag:s22] =	ssyncadd.s32 s4;
	_ =	sdelay $0x1  }
0xa1: {  	s23 =	simm.s32 $0x1B8B  }
0xa2: {  	_ =	swait.ge [sflag:s23], $0x1  }
0xa3: {  	[sflag:s23] =	ssyncset.done $0x0  }
0xa4: {  	s25 =	simm.s32 $0x1B8E;
	s24 =	sld [smem:$0x3FFE];
	[sflag:s23] =	ssyncadd.s32 $0xFFFFFFFF  }
0xa5: {  	s26 =	simm.s32 $execute0_lowered;
	[smem:$0x3FD2] =	sst s25  }
0xa6: {  	s5 =	sshll.u32 s26, $0x1;
	_ =	strace $0x8000004C;
	[dreg:$0x1] =	wrdreg $0xFFFFFFFF  }
0xa7: {  	s28 =	simm.s32 $_size_execute0_lowered;
	s3 =	sadd.s32 s3, s5;
	[dreg:$0x0] =	wrdreg $0x0  }
0xa8: {  	s5 =	sshll.u32 s28, $0x1;
	[dreg:$0x2] =	wrdreg s3  }
0xa9: {  	[dreg:$0x3] =	wrdreg s5  }
0xaa: {  	[dreg:$0x4] =	wrdreg $0xC0  }
0xab: {  	_ =	task [dreg:s7], $0x5FFFF  }
0xac: {  	[dreg:$0x1] =	wrdreg $0xFFFFFFFF  }
0xad: {  	[dreg:$0x0] =	wrdreg $0x60  }
0xae: {  	[dreg:$0x2] =	wrdreg s24  }
0xaf: {  	[dreg:$0x3] =	wrdreg s2  }
0xb0: {  	[dreg:$0x4] =	wrdreg $0x0  }
0xb1: {  	[dreg:$0x5] =	wrdreg $0x9  }
0xb2: {  	_ =	task.clear_ibuf [dreg:s7], $0x6FFFF;
	_ =	strace $0x9000004C  }
0xb3: {  	s29 =	simm.s32 $0x9;
	_ =	strace $0x8000004E  }
0xb4: {  	_ =	swait.ge [sflag:s29], $0x1  }
0xb5: {  	[sflag:s29] =	ssyncadd.s32 $0xFFFFFFFF  }
0xb6: {  	_ =	strace $0x9000004E  }
0xb7: {  	_ =	sfence  }
0xb8: {  	s30 =	sld [smem:$0x0];
	_ =	sdelay $0x2  }
0xb9: {  	s31 =	sshll.u32 s1, $0xD;
	s1 =	sshrl.u32 s1, $0x2  }
0xba: {  	s3 =	sand.u32 $0x4000, s31;
	s1 =	sadd.s32 s1, s30  }
0xbb: {  	s0 =	sor.u32 s3, s0;
	s1 =	sshll.u32 s1, $0x11  }
0xbc: {  	s0 =	sor.u32 s1, s0  }
0xbd: {  	s0 =	sadd.s32 $0x8F2B, s0  }
0xbe: {  	[sflag:s0] =	ssyncadd.remote.s32 $0x1  }
0xbf: {  	_ =	sfence.sel $0xFFFF  }
0xc0: {  	[dreg:$0x0] =	wrdreg $0xFFFFFFFF;
	(pc) =	sbr.abs _section_cstart, $3  }
0xc1: {  	[dreg:$0x1] =	wrdreg $0xFFFFFFFF  }
0xc2: {  	_ =	task.clear_ibuf [dreg:s7], $0x2FFFF;
	_ =	strace $0x9FFFFFFF  }
0xc3: {  	(tm) =	ssettm $0x7FFFFFFF  }
tec
execute0_lowered:
.L_overlay_start_1:
0x0: {  	(tag) =	ssettag $0x1  }
0x1: {  	s0 =	rddreg [dreg:$0x0]  }
0x2: {  	s1 =	rddreg [dreg:$0x1]  }
0x3: {  	s3 =	rddreg [dreg:$0x2];
	s2 =	simm.s32 $0x0;
	s19 =	stileid.u32  }
0x4: {  	s4 =	srdreg.scid;
	s28 =	simm.s32 $0x19400;
	s29 =	simm.s32 $0x1  }
0x5: {  	s30 =	simm.s32 $0x19100;
	[smem:$0x7FF] =	sst s2;
	s2 =	smul.u32 $0x14000, s19  }
0x6: {  	s31 =	simm.s32 $0x0;
	s4 =	sand.u32 $0x1, s4;
	s15 =	smul.u32 $0x50000, s19  }
0x7: {  	s5 =	sadd.s32 $0xC800, s0;
	s9 =	sadd.s32 $0xAC800, s0;
	s10 =	smul.u32 $0x1400, s4  }
0x8: {  	s6 =	sadd.s32 $0x2600, s0;
	s14 =	sadd.s32 $0x102000, s0;
	s12 =	smul.u32 $0xA000, s4  }
0x9: {  	_ =	strace $0x8000004D;
	s8 =	ssub.s32 $0x2, s4;
	s16 =	smul.u32 $0x5000, s4  }
0xa: {  	s20 =	smul.u32 $0x280000, s4;
	s17 =	sshllo.u32 s4, $0x1;
	s7 =	sshrl.u32 s2, $0x3  }
0xb: {  	s13 =	sshrl.u32 s8, $0x1;
	s21 =	sshrl.u32 s15, $0x2;
	s22 =	smul.u32 $0xA00, s17  }
0xc: {  	s24 =	smul.u32 $0x140000, s17;
	s11 =	sadd.s32 s7, s0;
	s7 =	sadd.s32 $0xD9800, s0  }
0xd: {  	s0 =	ssub.s32 s8, s13;
	s8 =	smul.u32 $0x5100, s19;
	s10 =	sadd.s32 s9, s10  }
0xe: {  	s18 =	sshrl.u32 s12, $0x3;
	s23 =	sadd.s32 s2, s20;
	s13 =	smul.u32 $0xA2000, s4  }
0xf: {  	s20 =	simm.s32 $0x14000;
	[dreg:$0x4] =	wrdreg s10;
	s10 =	sadd.s32 s9, s18  }
0x10: {  	s18 =	smul.u32 $0x5000, s17;
	s12 =	sadd.s32 $0xB1800, s11;
	s15 =	sadd.s32 s9, s22  }
0x11: {  	s2 =	sadd.s32 s2, s24;
	s0 =	smax.u32 s0, $0x1;
	[dreg:$0x8] =	wrdreg s15  }
0x12: {  	s22 =	simm.s32 $0x16800;
	s10 =	sadd.s32 $0x500, s10;
	[dreg:$0xb] =	wrdreg s0  }
0x13: {  	s24 =	simm.s32 $0x19300;
	s2 =	sshrl.u32 s2, $0x3;
	[dreg:$0x5] =	wrdreg s10  }
0x14: {  	s10 =	sadd.s32 s21, s3;
	s26 =	sshrl.u32 s18, $0x3;
	s18 =	smul.u32 $0x2800, s17  }
0x15: {  	s17 =	smul.u32 $0x51000, s17;
	s2 =	sadd.s32 s14, s2;
	s21 =	simm.s32 $0x2  }
0x16: {  	[dreg:$0x6] =	wrdreg s10;
	s10 =	sshrl.u32 s23, $0x3;
	s4 =	sadd.s32 s9, s26  }
0x17: {  	[dreg:$0xa] =	wrdreg s2;
	s26 =	sshll.u32 s19, $0x6;
	s25 =	sadd.s32 s14, s10  }
0x18: {  	s4 =	sadd.s32 $0x500, s4;
	s23 =	sor.u32 $0x1C02, s26;
	[dreg:$0x7] =	wrdreg s25  }
0x19: {  	v0 =	vmov s16;
	s26 =	simm.s32 $0x19200;
	v1 =	vmov s18;
	[dreg:$0x9] =	wrdreg s4;
	s25 =	simm.s32 $0xC0  }
.LBB2_1:
0x1a: {  	s0 =	simm.s32 $0x0;
	s2 =	rddreg [dreg:$0x4]  }
0x1b: {  	[tilespmem:s20], [sflag:$0x2] =	stream.linear.gather [hbm4b:s2+s0], $0x2800, $0x38;
	[tilespmem:$0x1F400] =	vst v63  }
0x1c: {  	_ =	swait.ge [sflag:s21], $0x2800  }
0x1d: {  	[sflag:s21] =	ssyncset.done $0x0  }
0x1e: {  	s18 =	rddreg [dreg:$0x5];
	[sflag:s21] =	ssyncadd.s32 $0xFFFFD800  }
0x1f: {  	[tilespmem:s22], [sflag:$0x2] =	stream.linear.gather [hbm4b:s18+s0], $0x2800, $0x38;
	[tilespmem:$0x1F400] =	vst v63  }
0x20: {  	_ =	swait.ge [sflag:s21], $0x2800  }
0x21: {  	[sflag:s21] =	ssyncset.done $0x0;
	s19 =	rddreg [dreg:$0x6]  }
0x22: {  	[sflag:s21] =	ssyncadd.s32 $0xFFFFD800;
	s0 =	sshrl.u32 s19, $0x3  }
0x23: {  	[spmem:s0], [sflag:s23] =	dma.local [hbm:s12], $0x2800  }
0x24: {  	_ =	swait.ge [sflag:s21], $0x2800  }
0x25: {  	[sflag:s21] =	ssyncset.done $0x0  }
0x26: {  	[sflag:s21] =	ssyncadd.s32 $0xFFFFD800  }
0x27: {  	s2 =	simm.s32 $0x0;
	[bflag:$0x0] =	sbarrier.arrive $0xFFFF  }
.LBB2_2:
0x28: {  	s4 =	smul.u32 $0xC0, s2;
	_ =	sdelay $0x1  }
0x29: {  	s4 =	sadd.s32 s8, s4  }
0x2a: {  	s9 =	sshrl.u32 s4, $0x3  }
0x2b: {  	s11 =	simm.s32 $0x0;
	s14 =	simm.s32 $0x19000;
	s10 =	sadd.s32 s1, s9  }
0x2c: {  	[tilespmem:s14], [sflag:$0x2] =	stream.linear.gather [hbm4b:s10+s11], $0xC0, $0x38;
	[tilespmem:$0x1F400] =	vst v63  }
0x2d: {  	_ =	swait.ge [sflag:s21], $0xC0  }
0x2e: {  	[sflag:s21] =	ssyncset.done $0x0  }
0x2f: {  	s18 =	simm.s32 $0x19100;
	s9 =	sadd.s32 s6, s9;
	[sflag:s21] =	ssyncadd.s32 $0xFFFFFF40  }
0x30: {  	[tilespmem:s18], [sflag:$0x2] =	stream.linear.gather [hbm4b:s9+s11], $0xC0, $0x38;
	[tilespmem:$0x1F400] =	vst v63  }
0x31: {  	_ =	swait.ge [sflag:s21], $0xC0  }
0x32: {  	[sflag:s21] =	ssyncset.done $0x0  }
0x33: {  	[sflag:s21] =	ssyncadd.s32 $0xFFFFFF40  }
0x34: {  	v2 =	vld [tilespmem:s18+$0x0]  }
0x35: {  	v3 =	vld [tilespmem:s14+$0x0];
	_ =	sdelay $0x6  }
0x36: {  	v2 =	vld.idx.msk [tilespmem:v2+s22+$0x0], $0xffff  }
0x37: {  	v4 =	vld.idx.msk [tilespmem:v3+s20+$0x0], $0xffff;
	_ =	sdelay $0x4  }
0x38: {  	v2 =	vadd.f32 v2, v4;
	_ =	sdelay $0x1  }
0x39: {  	v4 =	vmul.f32 $2.000000030e-01, v2  }
0x3a: {  	vm0 =	vge.f32 v2, $0.0e+00  }
0x3b: {  	v2 =	vsel vm0, v2, v4  }
0x3c: {  	v2 =	vmul.f32 $1.442695020e+00, v2;
	_ =	sdelay $0x1  }
0x3d: {  	(erf) = vpow2.f32 v2;
	_ =	sdelay $0x7  }
0x3e: {  	s19 =	sadd.s32 $0x0, s4  }
0x3f: {  	p0 =	slt.u32 s19, $0x50910;
	v2 =	vpop (erf)  }
0x40: {  	s10 =	simm.s32 $0x19300;
	v2 =	vpsel !p0, $0x0, v2  }
0x41: {  	s9 =	simm.s32 $0x19200;
	[tilespmem:s10+$0x0] =	vst v2;
	v2 =	vadd.s32 v0, v3  }
0x42: {  	s14 =	simm.s32 $0x19110;
	[tilespmem:s9+$0x0] =	vst v2  }
0x43: {  	s15 =	simm.s32 $0x19010;
	v3 =	vld [tilespmem:s14+$0x0]  }
0x44: {  	v2 =	vld [tilespmem:s15+$0x0]  }
0x45: {  	s16 =	simm.s32 $0x20;
	s11 =	simm.s32 $0x10  }
.LBB2_3:
0x46: {  	p0 =	sne.s32 s16, $0xB0;
	_ =	sdelay $0x4  }
0x47: {  	v3 =	vld.idx.msk [tilespmem:v3+s22+$0x0], $0xffff  }
0x48: {  	v4 =	vld.idx.msk [tilespmem:v2+s20+$0x0], $0xffff;
	_ =	sdelay $0x5  }
0x49: {  	v3 =	vadd.f32 v3, v4;
	_ =	sdelay $0x1  }
0x4a: {  	v4 =	vmul.f32 $2.000000030e-01, v3  }
0x4b: {  	vm0 =	vge.f32 v3, $0.0e+00  }
0x4c: {  	v3 =	vsel vm0, v3, v4  }
0x4d: {  	v3 =	vmul.f32 $1.442695020e+00, v3;
	_ =	sdelay $0x1  }
0x4e: {  	(erf) = vpow2.f32 v3;
	_ =	sdelay $0x7  }
0x4f: {  	s18 =	sadd.s32 s11, s4;
	s11 =	smov.u32 s16  }
0x50: {  	p1 =	slt.u32 s18, $0x50910;
	v3 =	vpop (erf)  }
0x51: {  	s10 =	sadd.s32 $0x10, s10;
	v3 =	vpsel !p1, $0x0, v3  }
.Ltmp0:
0x52: {  	s9 =	sadd.s32 $0x10, s9;
	v2 =	vadd.s32 v0, v2;
	[tilespmem:s10+$0x0] =	vst v3;
	(pc) =	sbr.rel @p0 .LBB2_3-.Ltmp0, $4  }
0x53: {  	s14 =	sadd.s32 $0x10, s14;
	[tilespmem:s9+$0x0] =	vst v2  }
0x54: {  	s15 =	sadd.s32 $0x10, s15;
	v3 =	vld [tilespmem:s14+$0x0]  }
0x55: {  	v2 =	vld [tilespmem:s15+$0x0]  }
0x56: {  	s16 =	sadd.s32 $0x10, s16  }
0x57: {  	_ =	sdelay $0x5  }
0x58: {  	v3 =	vld.idx.msk [tilespmem:v3+s22+$0x0], $0xffff  }
0x59: {  	v4 =	vld.idx.msk [tilespmem:v2+s20+$0x0], $0xffff;
	_ =	sdelay $0x4  }
0x5a: {  	v3 =	vadd.f32 v3, v4;
	_ =	sdelay $0x1  }
0x5b: {  	v4 =	vmul.f32 $2.000000030e-01, v3  }
0x5c: {  	vm0 =	vge.f32 v3, $0.0e+00  }
0x5d: {  	v3 =	vsel vm0, v3, v4  }
0x5e: {  	v3 =	vmul.f32 $1.442695020e+00, v3;
	_ =	sdelay $0x1  }
0x5f: {  	(erf) = vpow2.f32 v3;
	_ =	sdelay $0x7  }
0x60: {  	s11 =	sadd.s32 s11, s4  }
0x61: {  	p0 =	slt.u32 s11, $0x50910;
	v3 =	vpop (erf)  }
0x62: {  	s10 =	sadd.s32 $0x10, s10;
	s18 =	sadd.s32 s13, s4;
	v3 =	vpsel !p0, $0x0, v3  }
0x63: {  	s9 =	sadd.s32 $0x10, s9;
	s4 =	sshrl.u32 s18, $0x3;
	v2 =	vadd.s32 v0, v2;
	[tilespmem:s10+$0x0] =	vst v3  }
0x64: {  	s19 =	simm.s32 $0x0;
	s4 =	sadd.s32 s7, s4;
	[tilespmem:s9+$0x0] =	vst v2  }
0x65: {  	[hbm4b:s4+s19] =	stream.linear.scatter [tilespmem:s24], [sflag:$0x2], $0xC0, $0x38;
	[tilespmem:$0x1F400] =	vst v63  }
0x66: {  	_ =	swait.ge [sflag:s21], $0xC0  }
0x67: {  	[sflag:s21] =	ssyncset.done $0x0  }
0x68: {  	[sflag:s21] =	ssyncadd.s32 $0xFFFFFF40  }
0x69: {  	[tilespmem:s28], [sflag:$0x1] =	stream.indirect.gather [hbm4b:s5+s25], $0x80, s26, s25, $0xb8;
	[tilespmem:$0x1F400] =	vst v63  }
0x6a: {  	_ =	swait.ge [sflag:s29], $0x6000  }
0x6b: {  	v2 =	vmov s19;
	[sflag:s29] =	ssyncset.done $0x0  }
0x6c: {  	s4 =	simm.s32 $0x19440;
	[sflag:s29] =	ssyncadd.s32 $0xFFFFA000  }
0x6d: {  	v6 =	vld [tilespmem:s4+$0x30]  }
0x6e: {  	v9 =	vld [tilespmem:s4+$0x10]  }
0x6f: {  	v7 =	vld [tilespmem:s4+$0xFFFFFFC0]  }
0x70: {  	v3 =	vld.idx.msk [tilespmem:v2+s24+$0x0], $0xffff  }
0x71: {  	v11 =	vld [tilespmem:s4+$0xFFFFFFE0]  }
0x72: {  	v2 =	vld [tilespmem:s4+$0xFFFFFFF0]  }
0x73: {  	v4 =	vld [tilespmem:s4+$0x20]  }
0x74: {  	v5 =	vld [tilespmem:s4+$0xFFFFFFD0]  }
0x75: {  	v10 =	vmul.f32 v6, v3;
	v6 =	vld [tilespmem:s4+$0x0]  }
0x76: {  	v8 =	vmul.f32 v7, v3  }
0x77: {  	s10 =	simm.s32 $0x19440;
	s9 =	simm.s32 $0x1;
	v7 =	vmul.f32 v11, v3;
	v9 =	vmul.f32 v9, v3  }
.LBB2_5:
0x78: {  	p0 =	sne.s32 s9, $0xBF  }
0x79: {  	v5 =	vmul.f32 v5, v3;
	v4 =	vmul.f32 v4, v3;
	[tilespmem:s4+$0x30] =	vst v10;
	s10 =	sadd.s32 $0x80, s10;
	s11 =	smov.u32 s9;
	s9 =	sadd.s32 $0x1, s9  }
0x7a: {  	[tilespmem:s4+$0xFFFFFFC0] =	vst v8;
	v8 =	vmul.f32 v2, v3;
	v3 =	vmul.f32 v6, v3  }
0x7b: {  	[tilespmem:s4+$0x10] =	vst v9  }
0x7c: {  	v6 =	vmov s11;
	[tilespmem:s4+$0xFFFFFFE0] =	vst v7  }
0x7d: {  	v2 =	vld [tilespmem:s10+$0xFFFFFFF0];
	[tilespmem:s4+$0xFFFFFFF0] =	vst v8  }
0x7e: {  	v7 =	vld [tilespmem:s10+$0x30];
	[tilespmem:s4+$0x0] =	vst v3  }
0x7f: {  	v9 =	vld [tilespmem:s10+$0x10];
	[tilespmem:s4+$0x20] =	vst v4  }
0x80: {  	v8 =	vld [tilespmem:s10+$0xFFFFFFC0];
	[tilespmem:s4+$0xFFFFFFD0] =	vst v5;
	s4 =	smov.u32 s10  }
0x81: {  	v3 =	vld.idx.msk [tilespmem:v6+s24+$0x0], $0xffff  }
0x82: {  	v11 =	vld [tilespmem:s10+$0xFFFFFFE0]  }
0x83: {  	v4 =	vld [tilespmem:s10+$0x20]  }
.Ltmp1:
0x84: {  	v5 =	vld [tilespmem:s10+$0xFFFFFFD0];
	(pc) =	sbr.rel @p0 .LBB2_5-.Ltmp1, $3  }
0x85: {  	v6 =	vld [tilespmem:s10+$0x0];
	_ =	sdelay $0x1  }
0x86: {  	v8 =	vmul.f32 v8, v3;
	v10 =	vmul.f32 v7, v3  }
0x87: {  	v9 =	vmul.f32 v9, v3;
	v7 =	vmul.f32 v11, v3  }
0x88: {  	[tilespmem:s4+$0x30] =	vst v10  }
0x89: {  	[tilespmem:s4+$0xFFFFFFC0] =	vst v8  }
0x8a: {  	v2 =	vmul.f32 v2, v3;
	[tilespmem:s4+$0x10] =	vst v9  }
0x8b: {  	v4 =	vmul.f32 v4, v3;
	[tilespmem:s4+$0xFFFFFFE0] =	vst v7  }
0x8c: {  	v6 =	vmul.f32 v6, v3;
	[tilespmem:s4+$0xFFFFFFF0] =	vst v2  }
0x8d: {  	s2 =	sadd.s32 $0x1, s2;
	v2 =	vmul.f32 v5, v3;
	[tilespmem:s4+$0x20] =	vst v4  }
0x8e: {  	p0 =	sne.s32 s2, $0x6C;
	[tilespmem:s4+$0x0] =	vst v6  }
.Ltmp2:
0x8f: {  	[tilespmem:s4+$0xFFFFFFD0] =	vst v2;
	(pc) =	sbr.rel @p0 .LBB2_2-.Ltmp2, $4  }
0x90: {  	[spmem:s3] =	stream.indirect.scatter.add.f32 [tilespmem:s28], [sflag:$0x2], $0x80, s30, s25, $0xb8;
	[tilespmem:$0x1F400] =	vst v63  }
0x91: {  	_ =	swait.ge [sflag:s21], $0x6000  }
0x92: {  	[sflag:s21] =	ssyncset.done $0x0  }
0x93: {  	[sflag:s21] =	ssyncadd.s32 $0xFFFFA000  }
0x94: {  	[bflag:$0x0] =	sbarrier.arrive $0xFFFF  }
0x95: {  	s2 =	rddreg [dreg:$0x7]  }
0x96: {  	[hbm:s2], [sflag:s23] =	dma.local [spmem:s0], $0x2800  }
0x97: {  	_ =	swait.ge [sflag:s21], $0x2800  }
0x98: {  	[sflag:s21] =	ssyncset.done $0x0  }
0x99: {  	[sflag:s21] =	ssyncadd.s32 $0xFFFFD800  }
0x9a: {  	[bflag:$0x0] =	sbarrier.arrive $0xFFFF  }
0x9b: {  	s2 =	simm.s32 $0x0;
	s4 =	rddreg [dreg:$0x8]  }
0x9c: {  	[tilespmem:s20], [sflag:$0x2] =	stream.linear.gather [hbm4b:s4+s2], $0x2800, $0x38;
	[tilespmem:$0x1F400] =	vst v63  }
0x9d: {  	_ =	swait.ge [sflag:s21], $0x2800  }
0x9e: {  	[sflag:s21] =	ssyncset.done $0x0  }
0x9f: {  	s19 =	rddreg [dreg:$0x9];
	[sflag:s21] =	ssyncadd.s32 $0xFFFFD800  }
0xa0: {  	[tilespmem:s22], [sflag:$0x2] =	stream.linear.gather [hbm4b:s19+s2], $0x2800, $0x38;
	[tilespmem:$0x1F400] =	vst v63  }
0xa1: {  	_ =	swait.ge [sflag:s21], $0x2800  }
0xa2: {  	[sflag:s21] =	ssyncset.done $0x0  }
0xa3: {  	[sflag:s21] =	ssyncadd.s32 $0xFFFFD800  }
0xa4: {  	[spmem:s0], [sflag:s23] =	dma.local [hbm:s12], $0x2800  }
0xa5: {  	_ =	swait.ge [sflag:s21], $0x2800  }
0xa6: {  	[sflag:s21] =	ssyncset.done $0x0  }
0xa7: {  	[sflag:s21] =	ssyncadd.s32 $0xFFFFD800  }
0xa8: {  	s4 =	simm.s32 $0x0;
	[bflag:$0x0] =	sbarrier.arrive $0xFFFF  }
.LBB2_8:
0xa9: {  	s9 =	smul.u32 $0xC0, s4;
	_ =	sdelay $0x1  }
0xaa: {  	s9 =	sadd.s32 s8, s9  }
0xab: {  	s10 =	sshrl.u32 s9, $0x3  }
0xac: {  	s14 =	simm.s32 $0x19000;
	s11 =	sadd.s32 s1, s10  }
0xad: {  	[tilespmem:s14], [sflag:$0x2] =	stream.linear.gather [hbm4b:s11+s2], $0xC0, $0x38;
	[tilespmem:$0x1F400] =	vst v63  }
0xae: {  	_ =	swait.ge [sflag:s21], $0xC0  }
0xaf: {  	[sflag:s21] =	ssyncset.done $0x0  }
0xb0: {  	s18 =	simm.s32 $0x19100;
	s10 =	sadd.s32 s6, s10;
	[sflag:s21] =	ssyncadd.s32 $0xFFFFFF40  }
0xb1: {  	[tilespmem:s18], [sflag:$0x2] =	stream.linear.gather [hbm4b:s10+s2], $0xC0, $0x38;
	[tilespmem:$0x1F400] =	vst v63  }
0xb2: {  	_ =	swait.ge [sflag:s21], $0xC0  }
0xb3: {  	[sflag:s21] =	ssyncset.done $0x0  }
0xb4: {  	[sflag:s21] =	ssyncadd.s32 $0xFFFFFF40  }
0xb5: {  	v2 =	vld [tilespmem:s18+$0x0]  }
0xb6: {  	v3 =	vld [tilespmem:s14+$0x0];
	_ =	sdelay $0x6  }
0xb7: {  	v2 =	vld.idx.msk [tilespmem:v2+s22+$0x0], $0xffff  }
0xb8: {  	v4 =	vld.idx.msk [tilespmem:v3+s20+$0x0], $0xffff;
	_ =	sdelay $0x4  }
0xb9: {  	v2 =	vadd.f32 v2, v4;
	_ =	sdelay $0x1  }
0xba: {  	v4 =	vmul.f32 $2.000000030e-01, v2  }
0xbb: {  	vm0 =	vge.f32 v2, $0.0e+00  }
0xbc: {  	v2 =	vsel vm0, v2, v4  }
0xbd: {  	v2 =	vmul.f32 $1.442695020e+00, v2;
	_ =	sdelay $0x1  }
0xbe: {  	(erf) = vpow2.f32 v2;
	_ =	sdelay $0x7  }
0xbf: {  	s19 =	sadd.s32 $0x0, s9  }
0xc0: {  	p0 =	slt.u32 s19, $0x50910;
	v2 =	vpop (erf)  }
0xc1: {  	s11 =	simm.s32 $0x19300;
	v2 =	vpsel !p0, $0x0, v2  }
0xc2: {  	s10 =	simm.s32 $0x19200;
	[tilespmem:s11+$0x0] =	vst v2;
	v2 =	vadd.s32 v1, v3  }
0xc3: {  	s15 =	simm.s32 $0x19110;
	[tilespmem:s10+$0x0] =	vst v2  }
0xc4: {  	s16 =	simm.s32 $0x19010;
	v3 =	vld [tilespmem:s15+$0x0]  }
0xc5: {  	v2 =	vld [tilespmem:s16+$0x0]  }
0xc6: {  	s14 =	simm.s32 $0x10;
	s18 =	simm.s32 $0x20  }
.LBB2_9:
0xc7: {  	p0 =	sne.s32 s18, $0xB0;
	_ =	sdelay $0x4  }
0xc8: {  	v3 =	vld.idx.msk [tilespmem:v3+s22+$0x0], $0xffff  }
0xc9: {  	v4 =	vld.idx.msk [tilespmem:v2+s20+$0x0], $0xffff;
	_ =	sdelay $0x5  }
0xca: {  	v3 =	vadd.f32 v3, v4;
	_ =	sdelay $0x1  }
0xcb: {  	v4 =	vmul.f32 $2.000000030e-01, v3  }
0xcc: {  	vm0 =	vge.f32 v3, $0.0e+00  }
0xcd: {  	v3 =	vsel vm0, v3, v4  }
0xce: {  	v3 =	vmul.f32 $1.442695020e+00, v3;
	_ =	sdelay $0x1  }
0xcf: {  	(erf) = vpow2.f32 v3;
	_ =	sdelay $0x7  }
0xd0: {  	s19 =	sadd.s32 s14, s9;
	s14 =	smov.u32 s18  }
0xd1: {  	p1 =	slt.u32 s19, $0x50910;
	v3 =	vpop (erf)  }
0xd2: {  	s11 =	sadd.s32 $0x10, s11;
	v3 =	vpsel !p1, $0x0, v3  }
.Ltmp3:
0xd3: {  	s10 =	sadd.s32 $0x10, s10;
	v2 =	vadd.s32 v1, v2;
	[tilespmem:s11+$0x0] =	vst v3;
	(pc) =	sbr.rel @p0 .LBB2_9-.Ltmp3, $4  }
0xd4: {  	s15 =	sadd.s32 $0x10, s15;
	[tilespmem:s10+$0x0] =	vst v2  }
0xd5: {  	s16 =	sadd.s32 $0x10, s16;
	v3 =	vld [tilespmem:s15+$0x0]  }
0xd6: {  	v2 =	vld [tilespmem:s16+$0x0]  }
0xd7: {  	s18 =	sadd.s32 $0x10, s18  }
0xd8: {  	_ =	sdelay $0x5  }
0xd9: {  	v3 =	vld.idx.msk [tilespmem:v3+s22+$0x0], $0xffff  }
0xda: {  	v4 =	vld.idx.msk [tilespmem:v2+s20+$0x0], $0xffff;
	_ =	sdelay $0x4  }
0xdb: {  	v3 =	vadd.f32 v3, v4;
	_ =	sdelay $0x1  }
0xdc: {  	v4 =	vmul.f32 $2.000000030e-01, v3  }
0xdd: {  	vm0 =	vge.f32 v3, $0.0e+00  }
0xde: {  	v3 =	vsel vm0, v3, v4  }
0xdf: {  	v3 =	vmul.f32 $1.442695020e+00, v3;
	_ =	sdelay $0x1  }
0xe0: {  	(erf) = vpow2.f32 v3;
	_ =	sdelay $0x7  }
0xe1: {  	s14 =	sadd.s32 s14, s9  }
0xe2: {  	p0 =	slt.u32 s14, $0x50910;
	v3 =	vpop (erf)  }
0xe3: {  	s11 =	sadd.s32 $0x10, s11;
	s18 =	sadd.s32 s17, s9;
	v3 =	vpsel !p0, $0x0, v3  }
0xe4: {  	s10 =	sadd.s32 $0x10, s10;
	s9 =	sshrl.u32 s18, $0x3;
	v2 =	vadd.s32 v1, v2;
	[tilespmem:s11+$0x0] =	vst v3  }
0xe5: {  	s19 =	simm.s32 $0x0;
	s9 =	sadd.s32 s7, s9;
	[tilespmem:s10+$0x0] =	vst v2  }
0xe6: {  	[hbm4b:s9+s19] =	stream.linear.scatter [tilespmem:s24], [sflag:$0x2], $0xC0, $0x38;
	[tilespmem:$0x1F400] =	vst v63  }
0xe7: {  	_ =	swait.ge [sflag:s21], $0xC0  }
0xe8: {  	[sflag:s21] =	ssyncset.done $0x0  }
0xe9: {  	[sflag:s21] =	ssyncadd.s32 $0xFFFFFF40  }
0xea: {  	[tilespmem:s28], [sflag:$0x1] =	stream.indirect.gather [hbm4b:s5+s25], $0x80, s26, s25, $0xb8;
	[tilespmem:$0x1F400] =	vst v63  }
0xeb: {  	_ =	swait.ge [sflag:s29], $0x6000  }
0xec: {  	v2 =	vmov s19;
	[sflag:s29] =	ssyncset.done $0x0  }
0xed: {  	s9 =	simm.s32 $0x19440;
	[sflag:s29] =	ssyncadd.s32 $0xFFFFA000  }
0xee: {  	v6 =	vld [tilespmem:s9+$0x30]  }
0xef: {  	v9 =	vld [tilespmem:s9+$0x10]  }
0xf0: {  	v7 =	vld [tilespmem:s9+$0xFFFFFFC0]  }
0xf1: {  	v3 =	vld.idx.msk [tilespmem:v2+s24+$0x0], $0xffff  }
0xf2: {  	v11 =	vld [tilespmem:s9+$0xFFFFFFE0]  }
0xf3: {  	v2 =	vld [tilespmem:s9+$0xFFFFFFF0]  }
0xf4: {  	v4 =	vld [tilespmem:s9+$0x20]  }
0xf5: {  	v5 =	vld [tilespmem:s9+$0xFFFFFFD0]  }
0xf6: {  	v10 =	vmul.f32 v6, v3;
	v6 =	vld [tilespmem:s9+$0x0]  }
0xf7: {  	v8 =	vmul.f32 v7, v3  }
0xf8: {  	s11 =	simm.s32 $0x19440;
	s10 =	simm.s32 $0x1;
	v7 =	vmul.f32 v11, v3;
	v9 =	vmul.f32 v9, v3  }
.LBB2_11:
0xf9: {  	p0 =	sne.s32 s10, $0xBF  }
0xfa: {  	v5 =	vmul.f32 v5, v3;
	v4 =	vmul.f32 v4, v3;
	[tilespmem:s9+$0x30] =	vst v10;
	s11 =	sadd.s32 $0x80, s11;
	s14 =	smov.u32 s10;
	s10 =	sadd.s32 $0x1, s10  }
0xfb: {  	[tilespmem:s9+$0xFFFFFFC0] =	vst v8;
	v8 =	vmul.f32 v2, v3;
	v3 =	vmul.f32 v6, v3  }
0xfc: {  	[tilespmem:s9+$0x10] =	vst v9  }
0xfd: {  	v6 =	vmov s14;
	[tilespmem:s9+$0xFFFFFFE0] =	vst v7  }
0xfe: {  	v2 =	vld [tilespmem:s11+$0xFFFFFFF0];
	[tilespmem:s9+$0xFFFFFFF0] =	vst v8  }
0xff: {  	v7 =	vld [tilespmem:s11+$0x30];
	[tilespmem:s9+$0x0] =	vst v3  }
0x100: {  	v9 =	vld [tilespmem:s11+$0x10];
	[tilespmem:s9+$0x20] =	vst v4  }
0x101: {  	v8 =	vld [tilespmem:s11+$0xFFFFFFC0];
	[tilespmem:s9+$0xFFFFFFD0] =	vst v5;
	s9 =	smov.u32 s11  }
0x102: {  	v3 =	vld.idx.msk [tilespmem:v6+s24+$0x0], $0xffff  }
0x103: {  	v11 =	vld [tilespmem:s11+$0xFFFFFFE0]  }
0x104: {  	v4 =	vld [tilespmem:s11+$0x20]  }
.Ltmp4:
0x105: {  	v5 =	vld [tilespmem:s11+$0xFFFFFFD0];
	(pc) =	sbr.rel @p0 .LBB2_11-.Ltmp4, $3  }
0x106: {  	v6 =	vld [tilespmem:s11+$0x0];
	_ =	sdelay $0x1  }
0x107: {  	v8 =	vmul.f32 v8, v3;
	v10 =	vmul.f32 v7, v3  }
0x108: {  	v9 =	vmul.f32 v9, v3;
	v7 =	vmul.f32 v11, v3  }
0x109: {  	[tilespmem:s9+$0x30] =	vst v10  }
0x10a: {  	[tilespmem:s9+$0xFFFFFFC0] =	vst v8  }
0x10b: {  	v2 =	vmul.f32 v2, v3;
	[tilespmem:s9+$0x10] =	vst v9  }
0x10c: {  	v4 =	vmul.f32 v4, v3;
	[tilespmem:s9+$0xFFFFFFE0] =	vst v7  }
0x10d: {  	v6 =	vmul.f32 v6, v3;
	[tilespmem:s9+$0xFFFFFFF0] =	vst v2  }
0x10e: {  	s4 =	sadd.s32 $0x1, s4;
	v2 =	vmul.f32 v5, v3;
	[tilespmem:s9+$0x20] =	vst v4  }
0x10f: {  	p0 =	sne.s32 s4, $0x6C;
	[tilespmem:s9+$0x0] =	vst v6  }
.Ltmp5:
0x110: {  	[tilespmem:s9+$0xFFFFFFD0] =	vst v2;
	(pc) =	sbr.rel @p0 .LBB2_8-.Ltmp5, $4  }
0x111: {  	[spmem:s3] =	stream.indirect.scatter.add.f32 [tilespmem:s28], [sflag:$0x2], $0x80, s30, s25, $0xb8;
	[tilespmem:$0x1F400] =	vst v63  }
0x112: {  	_ =	swait.ge [sflag:s21], $0x6000  }
0x113: {  	[sflag:s21] =	ssyncset.done $0x0  }
0x114: {  	[sflag:s21] =	ssyncadd.s32 $0xFFFFA000  }
0x115: {  	[bflag:$0x0] =	sbarrier.arrive $0xFFFF  }
0x116: {  	s2 =	rddreg [dreg:$0xa]  }
0x117: {  	[hbm:s2], [sflag:s23] =	dma.local [spmem:s0], $0x2800  }
0x118: {  	_ =	swait.ge [sflag:s21], $0x2800  }
0x119: {  	s31 =	sadd.s32 $0x1, s31;
	s19 =	rddreg [dreg:$0xb]  }
0x11a: {  	p0 =	sne.s32 s31, s19  }
.Ltmp6:
0x11b: {  	_ = 	snop;
	(pc) =	sbr.rel @p0 .LBB2_1-.Ltmp6, $3  }
0x11c: {  	[sflag:s21] =	ssyncset.done $0x0  }
0x11d: {  	[sflag:s21] =	ssyncadd.s32 $0xFFFFD800  }
0x11e: {  	[bflag:$0x0] =	sbarrier.arrive $0xFFFF;
	_ =	sdelay $0x1  }
0x11f: {  	_ =	sfence.sel $0x180000  }
0x120: {  	[bflag:$0x0] =	sbarrier.arrive $0xFFFF  }
0x121: {  	_ =	strace $0x9000004D  }
0x122: {  	s0 =	stileid.u32;
	[bflag:$0x2] =	sbarrier.arrive $0xFFFF  }
0x123: {  	p0 =	sne.s32 s0, $0x0;
	s0 =	rddreg [dreg:$0x3]  }
0x124: {  	s0 =	sadd.s32 @!p0 $0x100000, s0  }
0x125: {  	[sflag:s0] =	ssyncadd.tile.s32 @!p0 $0x1;
	_ =	shalt  }
.Lfunc_end2:
_tile_overlayer_lowered:
.L_overlay_start_2:
0x126: {  	(tag) =	ssettag $0x2  }
0x127: {  	s0 =	rddreg [dreg:$0x0];
	s2 =	stileid.u32  }
0x128: {  	s1 =	rddreg [dreg:$0x1];
	p0 =	sne.s32 s2, $0x0  }
0x129: {  	s3 =	rddreg [dreg:$0x2];
	[bflag:$0x3] =	sbarrier.arrive $0xFFFF;
	s2 =	simm.s32 @!p0 $0x1C02  }
0x12a: {  	[timem:s3], [sflag:s2] =	dma.local @!p0 [hbm:s0], s1  }
0x12b: {  	s0 =	simm.s32 @!p0 $0x2  }
0x12c: {  	_ =	swait.ge @!p0 [sflag:s0], s1  }
0x12d: {  	s1 =	ssub.s32 @!p0 $0x0, s1;
	[sflag:s0] =	ssyncset.done @!p0 $0x0  }
0x12e: {  	[sflag:s0] =	ssyncadd.s32 @!p0 s1  }
0x12f: {  	[bflag:$0x3] =	sbarrier.arrive $0xFFFF  }
0x130: {  	_ =	shalt  }

// kernel: kernel.19.cloned.1.call-start
scs
__scs_entry_jumppad:
0x0: {  	(pc) =	sbr.rel $0x88, $3  }
0x1: {  	(tag) =	ssettag $0x0;
	lr =	simm.s32 $0x1  }
0x2: {  	[smem:$0x3F97] =	sst lr;
	_ =	strace $0xD0000000  }
0x3: {  	_ = 	snop  }
0x4: {  	_ = 	snop  }
0x5: {  	_ = 	snop  }
0x6: {  	_ = 	snop  }
0x7: {  	_ = 	snop  }
__scs_overlays_trampoline_lowered:
0x8: {  	[smem:$0x3FA6] =	sst s0  }
0x9: {  	[smem:$0x3FA7] =	sst s1  }
0xa: {  	[smem:$0x3FA8] =	sst s2  }
0xb: {  	[smem:$0x3FA9] =	sst s3  }
0xc: {  	[smem:$0x3FAA] =	sst s4  }
0xd: {  	[smem:$0x3FAB] =	sst s5  }
0xe: {  	[smem:$0x3FAC] =	sst s6  }
0xf: {  	[smem:$0x3FAD] =	sst s7  }
0x10: {  	[smem:$0x3FAE] =	sst s8  }
0x11: {  	[smem:$0x3FAF] =	sst s9;
	s0 =	simm.s32 @!p0 $0x0  }
0x12: {  	s1 =	sld [smem:$0x3F95];
	s0 =	simm.s32 @p0 $0x1  }
0x13: {  	[smem:$0x3FB0] =	sst s0;
	s0 =	simm.s32 @!p1 $0x0  }
0x14: {  	s2 =	sld [smem:$0x3F94];
	s0 =	simm.s32 @p1 $0x1  }
0x15: {  	[smem:$0x3FB1] =	sst s0;
	s0 =	simm.s32 @!p2 $0x0  }
0x16: {  	s3 =	sld [smem:$0x3FDB];
	s0 =	simm.s32 @p2 $0x1  }
0x17: {  	s4 =	simm.s32 $0x1BF5;
	[smem:$0x3FB3] =	sst s0  }
0x18: {  	s0 =	sld [smem:$0x3F96];
	_ =	swait.ge [sflag:s4], $0x0  }
0x19: {  	s7 =	sld [smem:$0x3F97]  }
0x1a: {  	s8 =	sadd.s32 $0xFFFFE003, lr  }
0x1b: {  	s9 =	sadd.s32 $0xFFFFFEF7, lr;
	s5 =	simm.s32 $0xFFFFFFFF;
	p2 =	slt.u32 s8, $0xFFFFF086  }
0x1c: {  	p1 =	slt.u32 s9, $0xF7A;
	s5 =	simm.s32 @!p2 $0x0  }
0x1d: {  	s5 =	simm.s32 @p1 $0x1;
	p0 =	seq.s32 s7, s2  }
0x1e: {  	s7 =	smul.u32 @!p0 $0xF7A, s2;
	p2 =	seq.s32 @!p0 s5, $0x0  }
0x1f: {  	s9 =	smul.u32 $0xF7A, s1;
	s8 =	simm.s32 @!p0 $0x1BF5;
	p2 =	por !p2, p0  }
0x20: {  	[sflag:s8] =	ssyncset.s32 @!p0 $0xFFFFF086;
	s6 =	sadd.s32 @!p0 s3, s7;
	s7 =	simm.s32 @!p0 $0x108  }
0x21: {  	s3 =	sadd.s32 s3, s9;
	s6 =	sadd.s32 @!p0 $0x88, s6;
	s7 =	simm.s32 @p2 $0x1082  }
0x22: {  	[simem:s7], [sflag:s8] =	dma.local @!p0 [hbm:s6], $0xF7A  }
0x23: {  	s9 =	sor.u32 $0xD0000000, s2;
	s6 =	simm.s32 $0x108;
	_ =	swait.ge @!p0 [sflag:s8], $0x0  }
0x24: {  	s3 =	sadd.s32 $0x88, s3;
	s6 =	simm.s32 @!p1 $0x1082;
	[sflag:s4] =	ssyncset.s32 $0xFFFFF086  }
0x25: {  	[simem:s6], [sflag:s4] =	dma.local [hbm:s3], $0xF7A  }
0x26: {  	[smem:$0x3F97] =	sst s1;
	(tag) =	ssettag s2;
	_ =	strace s9  }
0x27: {  	s1 =	sld [smem:$0x3FA7]  }
0x28: {  	s2 =	sld [smem:$0x3FA8]  }
0x29: {  	s4 =	sld [smem:$0x3FAA]  }
0x2a: {  	p0 =	seq.s32 s5, $0x0;
	s5 =	sld [smem:$0x3FAB]  }
0x2b: {  	s6 =	sld [smem:$0x3FAC]  }
0x2c: {  	s7 =	sld [smem:$0x3FAD]  }
0x2d: {  	s3 =	simm.s32 $0x108;
	s8 =	sld [smem:$0x3FAE]  }
0x2e: {  	s3 =	simm.s32 @!p0 $0x1082;
	s9 =	sld [smem:$0x3FAF]  }
0x2f: {  	lr =	sadd.s32 s0, s3;
	s0 =	sld [smem:$0x3FA6]  }
0x30: {  	s3 =	sld [smem:$0x3FA9]  }
0x31: {  	[smem:$0x3FB2] =	sst s10  }
0x32: {  	s10 =	sld [smem:$0x3FB0];
	_ =	sdelay $0x3  }
0x33: {  	p0 =	seq.s32 s10, $0x1;
	s10 =	sld [smem:$0x3FB2];
	_ =	sdelay $0x3  }
0x34: {  	[smem:$0x3FB2] =	sst s10  }
0x35: {  	s10 =	sld [smem:$0x3FB1];
	_ =	sdelay $0x3  }
0x36: {  	p1 =	seq.s32 s10, $0x1;
	s10 =	sld [smem:$0x3FB2];
	_ =	sdelay $0x3  }
0x37: {  	[smem:$0x3FB2] =	sst s10  }
0x38: {  	s10 =	sld [smem:$0x3FB3]  }
0x39: {  	_ = 	snop;
	(pc) =	sbr.ind lr, $3  }
0x3a: {  	_ = 	snop  }
0x3b: {  	_ = 	snop  }
0x3c: {  	p2 =	seq.s32 s10, $0x1;
	s10 =	sld [smem:$0x3FB2]  }
0x3d: {  	_ =	shalt  }
0x3e: {  	_ =	shalt  }
0x3f: {  	_ =	shalt  }
0x40: {  	_ =	shalt  }
0x41: {  	_ =	shalt  }
0x42: {  	_ =	shalt  }
0x43: {  	_ =	shalt  }
0x44: {  	_ =	shalt  }
0x45: {  	_ =	shalt  }
0x46: {  	_ =	shalt  }
0x47: {  	_ =	shalt  }
0x48: {  	_ =	shalt  }
0x49: {  	_ =	shalt  }
0x4a: {  	_ =	shalt  }
0x4b: {  	_ =	shalt  }
0x4c: {  	_ =	shalt  }
0x4d: {  	_ =	shalt  }
0x4e: {  	_ =	shalt  }
0x4f: {  	_ =	shalt  }
0x50: {  	_ =	shalt  }
0x51: {  	_ =	shalt  }
0x52: {  	_ =	shalt  }
0x53: {  	_ =	shalt  }
0x54: {  	_ =	shalt  }
0x55: {  	_ =	shalt  }
0x56: {  	_ =	shalt  }
0x57: {  	_ =	shalt  }
0x58: {  	_ =	shalt  }
0x59: {  	_ =	shalt  }
0x5a: {  	_ =	shalt  }
0x5b: {  	_ =	shalt  }
0x5c: {  	_ =	shalt  }
0x5d: {  	_ =	shalt  }
0x5e: {  	_ =	shalt  }
0x5f: {  	_ =	shalt  }
0x60: {  	_ =	shalt  }
0x61: {  	_ =	shalt  }
0x62: {  	_ =	shalt  }
0x63: {  	_ =	shalt  }
0x64: {  	_ =	shalt  }
0x65: {  	_ =	shalt  }
0x66: {  	_ =	shalt  }
0x67: {  	_ =	shalt  }
0x68: {  	_ =	shalt  }
0x69: {  	_ =	shalt  }
0x6a: {  	_ =	shalt  }
0x6b: {  	_ =	shalt  }
0x6c: {  	_ =	shalt  }
0x6d: {  	_ =	shalt  }
0x6e: {  	_ =	shalt  }
0x6f: {  	_ =	shalt  }
0x70: {  	_ =	shalt  }
0x71: {  	_ =	shalt  }
0x72: {  	_ =	shalt  }
0x73: {  	_ =	shalt  }
0x74: {  	_ =	shalt  }
0x75: {  	_ =	shalt  }
0x76: {  	_ =	shalt  }
0x77: {  	_ =	shalt  }
0x78: {  	_ =	shalt  }
0x79: {  	_ =	shalt  }
0x7a: {  	_ =	shalt  }
0x7b: {  	_ =	shalt  }
0x7c: {  	_ =	shalt  }
0x7d: {  	_ =	shalt  }
0x7e: {  	_ =	shalt  }
0x7f: {  	_ =	shalt  }
0x80: {  	_ =	shalt  }
0x81: {  	_ =	shalt  }
0x82: {  	_ =	shalt  }
0x83: {  	_ =	shalt  }
0x84: {  	_ =	shalt  }
0x85: {  	_ =	shalt  }
0x86: {  	_ =	shalt  }
0x87: {  	_ =	shalt  }
.Lfunc_end0:
.L_simem_size_0:
called_computation.3_lowered:
.L_overlay_start_0:
0x88: {  	s2 =	sld [smem:$0x3FD9]  }
0x89: {  	s3 =	sld [smem:$0x3FFE];
	_ =	sdelay $0x1  }
0x8a: {  	s1 =	srdreg.scid  }
0x8b: {  	s0 =	sand.u32 $0x1, s1  }
0x8c: {  	s16 =	sshll.u32 s0, $0xA;
	s2 =	sadd.s32 s3, s2  }
0x8d: {  	s2 =	sadd.s32 s2, s16  }
0x8e: {  	[smem:$0x3FBE] =	sst s2  }
0x8f: {  	_ = 	snop  }
0x90: {  	(tm) =	ssettm $0x1  }
0x91: {  	s17 =	sld [smem:$0x3FFB];
	_ =	sdelay $0x3  }
0x92: {  	_ =	strace s17  }
0x93: {  	s2 =	sld [smem:$0x3FFC];
	_ =	sdelay $0x3  }
0x94: {  	_ =	strace s2  }
0x95: {  	s2 =	sld [smem:$0x3FFD];
	_ =	sdelay $0x3  }
0x96: {  	_ =	strace s2  }
0x97: {  	_ =	strace $0x8FFFFFFF  }
0x98: {  	s18 =	sld [smem:$0x3FDB];
	_ =	sdelay $0x1  }
0x99: {  	s19 =	simm.s32 $_scs_section_size  }
0x9a: {  	s4 =	simm.s32 $_size__tile_overlayer_lowered;
	s5 =	simm.s32 $_tile_overlayer_lowered  }
0x9b: {  	s22 =	simm.s32 $0x1BFF;
	s21 =	sshll.u32 s5, $0x1;
	s2 =	sadd.s32 s19, s18  }
0x9c: {  	s6 =	simm.s32 $0x0;
	s20 =	sshll.u32 s4, $0x1;
	s4 =	sadd.s32 s21, s2  }
0x9d: {  	[timem:s6], [sflag:s22] =	dma.local [hbm:s4], s20  }
0x9e: {  	_ =	swait.ge [sflag:s22], s20  }
0x9f: {  	s3 =	ssub.s32 $0x0, s20;
	[sflag:s22] =	ssyncset.done $0x0  }
0xa0: {  	[sflag:s22] =	ssyncadd.s32 s3;
	_ =	sdelay $0x1  }
0xa1: {  	s23 =	simm.s32 $0x1B8B  }
0xa2: {  	_ =	swait.ge [sflag:s23], $0x1  }
0xa3: {  	[sflag:s23] =	ssyncset.done $0x0  }
0xa4: {  	s25 =	simm.s32 $0x1B8E;
	s24 =	sld [smem:$0x3FFE];
	[sflag:s23] =	ssyncadd.s32 $0xFFFFFFFF  }
0xa5: {  	s26 =	simm.s32 $execute0_lowered;
	[smem:$0x3FD2] =	sst s25  }
0xa6: {  	s4 =	sshll.u32 s26, $0x1;
	_ =	strace $0x8000004F;
	[dreg:$0x1] =	wrdreg $0xFFFFFFFF  }
0xa7: {  	s28 =	simm.s32 $_size_execute0_lowered;
	s2 =	sadd.s32 s2, s4;
	[dreg:$0x0] =	wrdreg $0x0  }
0xa8: {  	s4 =	sshll.u32 s28, $0x1;
	[dreg:$0x2] =	wrdreg s2  }
0xa9: {  	[dreg:$0x3] =	wrdreg s4  }
0xaa: {  	[dreg:$0x4] =	wrdreg $0xC0  }
0xab: {  	_ =	task [dreg:s6], $0x5FFFF  }
0xac: {  	[dreg:$0x1] =	wrdreg $0xFFFFFFFF  }
0xad: {  	[dreg:$0x0] =	wrdreg $0x60  }
0xae: {  	[dreg:$0x2] =	wrdreg s24  }
0xaf: {  	[dreg:$0x3] =	wrdreg $0x0  }
0xb0: {  	[dreg:$0x4] =	wrdreg $0x9  }
0xb1: {  	_ =	task.clear_ibuf [dreg:s6], $0x5FFFF;
	_ =	strace $0x9000004F  }
0xb2: {  	s29 =	simm.s32 $0x9;
	_ =	strace $0x80000051  }
0xb3: {  	_ =	swait.ge [sflag:s29], $0x1  }
0xb4: {  	[sflag:s29] =	ssyncadd.s32 $0xFFFFFFFF  }
0xb5: {  	_ =	strace $0x90000051  }
0xb6: {  	_ =	sfence  }
0xb7: {  	s30 =	sld [smem:$0x0];
	_ =	sdelay $0x2  }
0xb8: {  	s31 =	sshll.u32 s1, $0xD;
	s1 =	sshrl.u32 s1, $0x2  }
0xb9: {  	s3 =	sand.u32 $0x4000, s31;
	s1 =	sadd.s32 s1, s30  }
0xba: {  	s0 =	sor.u32 s3, s0;
	s1 =	sshll.u32 s1, $0x11  }
0xbb: {  	s0 =	sor.u32 s1, s0  }
0xbc: {  	s0 =	sadd.s32 $0x8F2B, s0  }
0xbd: {  	[sflag:s0] =	ssyncadd.remote.s32 $0x1  }
0xbe: {  	_ =	sfence.sel $0xFFFF  }
0xbf: {  	[dreg:$0x0] =	wrdreg $0xFFFFFFFF;
	(pc) =	sbr.abs _section_cstart, $3  }
0xc0: {  	[dreg:$0x1] =	wrdreg $0xFFFFFFFF  }
0xc1: {  	_ =	task.clear_ibuf [dreg:s6], $0x2FFFF;
	_ =	strace $0x9FFFFFFF  }
0xc2: {  	(tm) =	ssettm $0x7FFFFFFF  }
0xc3: {  	_ =	shalt  }
tec
execute0_lowered:
.L_overlay_start_1:
0x0: {  	(tag) =	ssettag $0x1  }
0x1: {  	s6 =	rddreg [dreg:$0x0]  }
0x2: {  	s2 =	rddreg [dreg:$0x1]  }
0x3: {  	s0 =	rddreg [dreg:$0x2]  }
0x4: {  	s3 =	simm.s32 $0x0;
	s1 =	stileid.u32;
	s5 =	srdreg.scid  }
0x5: {  	s17 =	simm.s32 $0x14200;
	s18 =	simm.s32 $0xC0;
	[smem:$0x7FF] =	sst s3  }
0x6: {  	s9 =	smul.u32 $0x14000, s1;
	s4 =	sadd.s32 $0xD9800, s6;
	s10 =	sand.u32 $0x1, s5  }
0x7: {  	s5 =	sadd.s32 $0x2600, s6;
	s12 =	sadd.s32 $0xC800, s6;
	s11 =	smul.u32 $0x50000, s1  }
0x8: {  	s28 =	sshll.u32 s1, $0x6;
	_ =	strace $0x80000050;
	s8 =	ssub.s32 $0x2, s10  }
0x9: {  	s14 =	smul.u32 $0x280000, s10;
	s15 =	sshllo.u32 s10, $0x1;
	s7 =	sshrl.u32 s9, $0x3  }
0xa: {  	s25 =	sshrl.u32 s8, $0x1;
	s26 =	sshrl.u32 s11, $0x2;
	s29 =	smul.u32 $0x140000, s15  }
0xb: {  	s7 =	sadd.s32 s7, s6;
	s13 =	ssub.s32 s8, s25;
	s16 =	sadd.s32 s26, s2  }
0xc: {  	s8 =	smul.u32 $0x5100, s1;
	s14 =	sadd.s32 s9, s14;
	s6 =	sadd.s32 $0xB1800, s7  }
0xd: {  	s7 =	sor.u32 $0x1C01, s28;
	s11 =	sadd.s32 s9, s29;
	s9 =	smul.u32 $0xA2000, s10  }
0xe: {  	s30 =	sshrl.u32 s14, $0x3;
	s13 =	smax.u32 s13, $0x1;
	s14 =	sshrl.u32 s16, $0x3  }
0xf: {  	v1 =	vlaneseq.u32;
	s16 =	simm.s32 $0x14000;
	s31 =	sshrl.u32 s11, $0x3;
	s10 =	sadd.s32 s12, s30  }
0x10: {  	v0 =	vimm.f32 $0.0e+00;
	v1 =	vmul.u32 $0x80, v1;
	s11 =	smul.u32 $0x51000, s15;
	s15 =	simm.s32 $0x1;
	s12 =	sadd.s32 s12, s31  }
.LBB2_1:
0x11: {  	s19 =	simm.s32 $0x0;
	s20 =	simm.s32 $0x200  }
.LBB2_2:
0x12: {  	p0 =	sne.s32 s20, $0x17E00;
	[tilespmem:s19+$0x14270] =	vst v0  }
0x13: {  	[tilespmem:s19+$0x14200] =	vst v0  }
0x14: {  	[tilespmem:s19+$0x14210] =	vst v0  }
.Ltmp0:
0x15: {  	[tilespmem:s19+$0x14220] =	vst v0;
	(pc) =	sbr.rel @p0 .LBB2_2-.Ltmp0, $4  }
0x16: {  	[tilespmem:s19+$0x14230] =	vst v0  }
0x17: {  	[tilespmem:s19+$0x14240] =	vst v0  }
0x18: {  	[tilespmem:s19+$0x14250] =	vst v0  }
0x19: {  	[tilespmem:s19+$0x14260] =	vst v0;
	s19 =	sshra.s32 s20, $0x2;
	s20 =	sadd.s32 $0x200, s20  }
0x1a: {  	[tilespmem:s19+$0x14270] =	vst v0  }
0x1b: {  	[tilespmem:s19+$0x14200] =	vst v0  }
0x1c: {  	[tilespmem:s19+$0x14210] =	vst v0  }
0x1d: {  	[tilespmem:s19+$0x14220] =	vst v0  }
0x1e: {  	[tilespmem:s19+$0x14230] =	vst v0  }
0x1f: {  	[tilespmem:s19+$0x14240] =	vst v0  }
0x20: {  	[tilespmem:s19+$0x14250] =	vst v0  }
0x21: {  	[tilespmem:s19+$0x14260] =	vst v0  }
0x22: {  	[spmem:s14], [sflag:s7] =	dma.local [hbm:s6], $0x2800  }
0x23: {  	_ =	swait.ge [sflag:s15], $0x2800  }
0x24: {  	[sflag:s15] =	ssyncset.done $0x0  }
0x25: {  	[sflag:s15] =	ssyncadd.s32 $0xFFFFD800  }
0x26: {  	s19 =	simm.s32 $0x0;
	s20 =	simm.s32 $0x0;
	[bflag:$0x0] =	sbarrier.arrive $0xFFFF  }
.LBB2_4:
0x27: {  	s21 =	smul.u32 $0xC0, s20;
	_ =	sdelay $0x1  }
0x28: {  	s21 =	sadd.s32 s8, s21  }
0x29: {  	s22 =	sshrl.u32 s21, $0x3  }
0x2a: {  	s22 =	sadd.s32 s5, s22  }
0x2b: {  	[tilespmem:s16], [sflag:$0x1] =	stream.linear.gather [hbm4b:s22+s19], $0xC0, $0x38;
	[tilespmem:$0x1A200] =	vst v63  }
0x2c: {  	s21 =	sadd.s32 s9, s21;
	_ =	swait.ge [sflag:s15], $0xC0  }
0x2d: {  	s21 =	sshrl.u32 s21, $0x3;
	[sflag:s15] =	ssyncset.done $0x0  }
0x2e: {  	s31 =	sadd.s32 s4, s21;
	s21 =	simm.s32 $0x14100;
	[sflag:s15] =	ssyncadd.s32 $0xFFFFFF40  }
0x2f: {  	[tilespmem:s21], [sflag:$0x1] =	stream.linear.gather [hbm4b:s31+s19], $0xC0, $0x38;
	[tilespmem:$0x1A200] =	vst v63  }
0x30: {  	_ =	swait.ge [sflag:s15], $0xC0  }
0x31: {  	v2 =	vmov s19;
	[sflag:s15] =	ssyncset.done $0x0  }
0x32: {  	v3 =	vshll.u32 v2, $0x7;
	[sflag:s15] =	ssyncadd.s32 $0xFFFFFF40  }
0x33: {  	v3 =	vor.u32 v1, v3;
	s22 =	simm.s32 $0x10;
	v2 =	vld [tilespmem:s21+$0x0]  }
.LBB2_5:
0x34: {  	p0 =	sne.s32 s22, $0xB0  }
.Ltmp1:
0x35: {  	_ = 	snop;
	(pc) =	sbr.rel @p0 .LBB2_5-.Ltmp1, $4  }
0x36: {  	_ = 	snop  }
0x37: {  	v4 =	vmov s22;
	s22 =	sadd.s32 $0x10, s22  }
0x38: {  	s21 =	sadd.s32 $0x10, s21;
	v4 =	vshll.u32 v4, $0x7;
	[tilespmem:v3+s17+$0x0] =	vst.idx.msk $0xffff, v2  }
0x39: {  	v3 =	vor.u32 v1, v4;
	v2 =	vld [tilespmem:s21+$0x0]  }
0x3a: {  	_ =	sdelay $0x1  }
0x3b: {  	s20 =	sadd.s32 $0x1, s20  }
0x3c: {  	p0 =	sne.s32 s20, $0x6C  }
.Ltmp2:
0x3d: {  	[tilespmem:v3+s17+$0x0] =	vst.idx.msk $0xffff, v2;
	(pc) =	sbr.rel @p0 .LBB2_4-.Ltmp2, $4  }
0x3e: {  	[spmem:s2] =	stream.indirect.scatter.add.f32 [tilespmem:s17], [sflag:$0x1], $0x80, s16, s18, $0xb8;
	[tilespmem:$0x1A200] =	vst v63  }
0x3f: {  	_ =	swait.ge [sflag:s15], $0x6000  }
0x40: {  	[sflag:s15] =	ssyncset.done $0x0  }
0x41: {  	[sflag:s15] =	ssyncadd.s32 $0xFFFFA000  }
0x42: {  	[bflag:$0x0] =	sbarrier.arrive $0xFFFF  }
0x43: {  	[hbm:s10], [sflag:s7] =	dma.local [spmem:s14], $0x2800  }
0x44: {  	_ =	swait.ge [sflag:s15], $0x2800  }
0x45: {  	[sflag:s15] =	ssyncset.done $0x0  }
0x46: {  	[sflag:s15] =	ssyncadd.s32 $0xFFFFD800  }
0x47: {  	[bflag:$0x0] =	sbarrier.arrive $0xFFFF  }
0x48: {  	[spmem:s14], [sflag:s7] =	dma.local [hbm:s6], $0x2800  }
0x49: {  	_ =	swait.ge [sflag:s15], $0x2800  }
0x4a: {  	[sflag:s15] =	ssyncset.done $0x0  }
0x4b: {  	[sflag:s15] =	ssyncadd.s32 $0xFFFFD800  }
0x4c: {  	s19 =	simm.s32 $0x0;
	s20 =	simm.s32 $0x0;
	[bflag:$0x0] =	sbarrier.arrive $0xFFFF  }
.LBB2_8:
0x4d: {  	s21 =	smul.u32 $0xC0, s20;
	_ =	sdelay $0x1  }
0x4e: {  	s21 =	sadd.s32 s8, s21  }
0x4f: {  	s22 =	sshrl.u32 s21, $0x3  }
0x50: {  	s22 =	sadd.s32 s5, s22  }
0x51: {  	[tilespmem:s16], [sflag:$0x1] =	stream.linear.gather [hbm4b:s22+s19], $0xC0, $0x38;
	[tilespmem:$0x1A200] =	vst v63  }
0x52: {  	s21 =	sadd.s32 s11, s21;
	_ =	swait.ge [sflag:s15], $0xC0  }
0x53: {  	s21 =	sshrl.u32 s21, $0x3;
	[sflag:s15] =	ssyncset.done $0x0  }
0x54: {  	s31 =	sadd.s32 s4, s21;
	s21 =	simm.s32 $0x14100;
	[sflag:s15] =	ssyncadd.s32 $0xFFFFFF40  }
0x55: {  	[tilespmem:s21], [sflag:$0x1] =	stream.linear.gather [hbm4b:s31+s19], $0xC0, $0x38;
	[tilespmem:$0x1A200] =	vst v63  }
0x56: {  	_ =	swait.ge [sflag:s15], $0xC0  }
0x57: {  	v2 =	vmov s19;
	[sflag:s15] =	ssyncset.done $0x0  }
0x58: {  	v3 =	vshll.u32 v2, $0x7;
	[sflag:s15] =	ssyncadd.s32 $0xFFFFFF40  }
0x59: {  	v3 =	vor.u32 v1, v3;
	s22 =	simm.s32 $0x10;
	v2 =	vld [tilespmem:s21+$0x0]  }
.LBB2_9:
0x5a: {  	p0 =	sne.s32 s22, $0xB0  }
.Ltmp3:
0x5b: {  	_ = 	snop;
	(pc) =	sbr.rel @p0 .LBB2_9-.Ltmp3, $4  }
0x5c: {  	_ = 	snop  }
0x5d: {  	v4 =	vmov s22;
	s22 =	sadd.s32 $0x10, s22  }
0x5e: {  	s21 =	sadd.s32 $0x10, s21;
	v4 =	vshll.u32 v4, $0x7;
	[tilespmem:v3+s17+$0x0] =	vst.idx.msk $0xffff, v2  }
0x5f: {  	v3 =	vor.u32 v1, v4;
	v2 =	vld [tilespmem:s21+$0x0]  }
0x60: {  	_ =	sdelay $0x1  }
0x61: {  	s20 =	sadd.s32 $0x1, s20  }
0x62: {  	p0 =	sne.s32 s20, $0x6C  }
.Ltmp4:
0x63: {  	[tilespmem:v3+s17+$0x0] =	vst.idx.msk $0xffff, v2;
	(pc) =	sbr.rel @p0 .LBB2_8-.Ltmp4, $4  }
0x64: {  	[spmem:s2] =	stream.indirect.scatter.add.f32 [tilespmem:s17], [sflag:$0x1], $0x80, s16, s18, $0xb8;
	[tilespmem:$0x1A200] =	vst v63  }
0x65: {  	_ =	swait.ge [sflag:s15], $0x6000  }
0x66: {  	[sflag:s15] =	ssyncset.done $0x0  }
0x67: {  	[sflag:s15] =	ssyncadd.s32 $0xFFFFA000  }
0x68: {  	[bflag:$0x0] =	sbarrier.arrive $0xFFFF;
	s3 =	sadd.s32 $0x1, s3  }
0x69: {  	[hbm:s12], [sflag:s7] =	dma.local [spmem:s14], $0x2800  }
0x6a: {  	p0 =	sne.s32 s3, s13  }
.Ltmp5:
0x6b: {  	_ =	swait.ge [sflag:s15], $0x2800;
	(pc) =	sbr.rel @p0 .LBB2_1-.Ltmp5, $3  }
0x6c: {  	[sflag:s15] =	ssyncset.done $0x0  }
0x6d: {  	[sflag:s15] =	ssyncadd.s32 $0xFFFFD800  }
0x6e: {  	[bflag:$0x0] =	sbarrier.arrive $0xFFFF;
	_ =	sdelay $0x1  }
0x6f: {  	_ =	sfence.sel $0x180000  }
0x70: {  	[bflag:$0x0] =	sbarrier.arrive $0xFFFF  }
0x71: {  	p0 =	sne.s32 s1, $0x0;
	_ =	strace $0x90000050  }
0x72: {  	s0 =	sadd.s32 @!p0 $0x100000, s0;
	[bflag:$0x2] =	sbarrier.arrive $0xFFFF  }
0x73: {  	[sflag:s0] =	ssyncadd.tile.s32 @!p0 $0x1;
	_ =	shalt  }
.Lfunc_end2:
_tile_overlayer_lowered:
.L_overlay_start_2:
0x74: {  	(tag) =	ssettag $0x2  }
0x75: {  	s0 =	rddreg [dreg:$0x0];
	s2 =	stileid.u32  }
0x76: {  	s1 =	rddreg [dreg:$0x1];
	p0 =	sne.s32 s2, $0x0  }
0x77: {  	s3 =	rddreg [dreg:$0x2];
	[bflag:$0x3] =	sbarrier.arrive $0xFFFF;
	s2 =	simm.s32 @!p0 $0x1C01  }
0x78: {  	[timem:s3], [sflag:s2] =	dma.local @!p0 [hbm:s0], s1  }
0x79: {  	s0 =	simm.s32 @!p0 $0x1  }
0x7a: {  	_ =	swait.ge @!p0 [sflag:s0], s1  }
0x7b: {  	s1 =	ssub.s32 @!p0 $0x0, s1;
	[sflag:s0] =	ssyncset.done @!p0 $0x0  }
0x7c: {  	[sflag:s0] =	ssyncadd.s32 @!p0 s1  }
0x7d: {  	[bflag:$0x3] =	sbarrier.arrive $0xFFFF  }
0x7e: {  	_ =	shalt  }

</sc_bundles>
